<compile_context>
chip_gen: v7x
topology: tpu7x:2x2x1
jax: 0.10.2.dev20260603
libtpu: 0.0.44.dev20260713+nightly
codegen_flags: <defaults>
</compile_context>

<pallas_src>
import functools

import jax
import jax.numpy as jnp
from jax import lax
from jax.experimental import pallas as pl
from jax.experimental.pallas import tpu as pltpu
from jax.experimental.pallas import tpu_sc as plsc

VOCAB = 30522
HID = 768
EPS = 1e-5

_NC = 2
_NS = 16
_NW = _NC * _NS
_LANES = 16
_CHUNKS = HID // _LANES


def _sc_body(tok_hbm, pos_hbm, type_hbm, w_hbm, b_hbm, ids_hbm, tt_hbm,
             out_hbm, idx_v, tt_v, tok_rows, pos_rows, type_v, w_v, b_v, sem):
    wid = lax.axis_index("s") * _NC + lax.axis_index("c")
    bpw = 2048 // _NW
    base = wid * bpw

    pltpu.sync_copy(ids_hbm.at[pl.ds(base, bpw)], idx_v)
    gather = pltpu.async_copy(tok_hbm.at[idx_v], tok_rows, sem)
    pltpu.sync_copy(tt_hbm.at[pl.ds(base, bpw)], tt_v)
    pltpu.sync_copy(pos_hbm.at[pl.ds(base, bpw)], pos_rows)
    pltpu.sync_copy(type_hbm, type_v)
    pltpu.sync_copy(w_hbm, w_v)
    pltpu.sync_copy(b_hbm, b_v)
    gather.wait()

    inv_h = jnp.float32(1.0 / HID)

    def per_token(i, carry):
        lane_i = jnp.full((_LANES,), i, jnp.int32)
        ttf = plsc.load_gather(tt_v, [lane_i]).astype(jnp.float32)
        s = jnp.zeros((_LANES,), jnp.float32)
        ss = jnp.zeros((_LANES,), jnp.float32)
        for j in range(_CHUNKS):
            sl = pl.ds(j * _LANES, _LANES)
            t0 = type_v[0, sl]
            t1 = type_v[1, sl]
            e = tok_rows[i, sl] + pos_rows[i, sl] + t0 + ttf * (t1 - t0)
            tok_rows[i, sl] = e
            s = s + e
            ss = ss + e * e
        mean = jnp.sum(s) * inv_h
        var = jnp.sum(ss) * inv_h - mean * mean
        x = var + jnp.float32(EPS)
        xi = lax.bitcast_convert_type(x, jnp.int32)
        yi = jnp.int32(0x5F3759DF) - lax.shift_right_logical(xi, 1)
        y = lax.bitcast_convert_type(yi, jnp.float32)
        half_x = jnp.float32(0.5) * x
        for _ in range(3):
            y = y * (jnp.float32(1.5) - half_x * y * y)
        for j in range(_CHUNKS):
            sl = pl.ds(j * _LANES, _LANES)
            e = tok_rows[i, sl]
            tok_rows[i, sl] = (e - mean) * y * w_v[sl] + b_v[sl]
        return carry

    lax.fori_loop(0, bpw, per_token, 0)

    pltpu.sync_copy(tok_rows, out_hbm.at[pl.ds(base, bpw)])


@jax.jit
def _bert_embed_sc(token_weight, pos_weight, type_weight, ln_weight, ln_bias,
                   ids, tt):
    bpw = 2048 // _NW
    run = functools.partial(
        pl.kernel,
        mesh=plsc.VectorSubcoreMesh(core_axis_name="c", subcore_axis_name="s"),
        out_type=jax.ShapeDtypeStruct((2048, HID), jnp.float32),
        scratch_types=[
            pltpu.VMEM((bpw,), jnp.int32),
            pltpu.VMEM((bpw,), jnp.int32),
            pltpu.VMEM((bpw, HID), jnp.float32),
            pltpu.VMEM((bpw, HID), jnp.float32),
            pltpu.VMEM((2, HID), jnp.float32),
            pltpu.VMEM((HID,), jnp.float32),
            pltpu.VMEM((HID,), jnp.float32),
            pltpu.SemaphoreType.DMA,
        ],
        compiler_params=pltpu.CompilerParams(needs_layout_passes=False),
    )(_sc_body)
    return run(token_weight, pos_weight, type_weight, ln_weight, ln_bias,
               ids, tt)


def kernel(input_ids, token_type_ids, token_weight, pos_weight, type_weight,
           ln_weight, ln_bias):
    b, s = input_ids.shape
    ids = input_ids.reshape(s).astype(jnp.int32)
    tt = token_type_ids.reshape(s).astype(jnp.int32)
    out = _bert_embed_sc(token_weight, pos_weight, type_weight,
                         ln_weight, ln_bias, ids, tt)
    return out.reshape(b, s, HID)

# --- scband reference (transcript-rebuilt; emitter-appended) ---
"""Pipeline reference for scband-bert-embedding-60327110640046 (READ-ONLY COPY).

The authoritative reference and input builder live on the scoring server;
editing this copy changes nothing except your own understanding.
"""

import jax, jax.numpy as jnp
import numpy as np

VOCAB = 30522
HID = 768
MAX_POS = 2048
TYPE_VOCAB = 2
EPS = 1e-5

def setup_inputs(seed: int = 0) -> dict:
    key = jax.random.key(seed)
    k1, k2, k3, k4 = jax.random.split(key, 4)
    input_ids = jax.random.randint(k1, (1, 2048), 0, VOCAB, dtype=jnp.int64 if jax.config.jax_enable_x64 else jnp.int32)
    token_type_ids = jax.random.randint(k2, (1, 2048), 0, TYPE_VOCAB, dtype=jnp.int64 if jax.config.jax_enable_x64 else jnp.int32)
    token_weight = jax.random.normal(k3, (VOCAB, HID), dtype=jnp.float32)
    pos_weight = jax.random.normal(k4, (MAX_POS, HID), dtype=jnp.float32)
    type_weight = jax.random.normal(jax.random.fold_in(key, 5), (TYPE_VOCAB, HID), dtype=jnp.float32)
    ln_weight = jnp.ones((HID,), dtype=jnp.float32)
    ln_bias = jnp.zeros((HID,), dtype=jnp.float32)
    return {
        'input_ids': input_ids,
        'token_type_ids': token_type_ids,
        'token_weight': token_weight,
        'pos_weight': pos_weight,
        'type_weight': type_weight,
        'ln_weight': ln_weight,
        'ln_bias': ln_bias,
    }

def _onehot_embed(ids, weight, num_classes):
    # Faithful to torch: one_hot -> float -> einsum('... v, v e -> ... e')
    oh = jax.nn.one_hot(ids, num_classes, dtype=jnp.float32)
    return jnp.einsum('...v,ve->...e', oh, weight)

def reference(input_ids, token_type_ids, token_weight, pos_weight, type_weight, ln_weight, ln_bias):
    b, s = input_ids.shape
    te = _onehot_embed(input_ids, token_weight, VOCAB)
    tte = _onehot_embed(token_type_ids, type_weight, TYPE_VOCAB)
    indices = jnp.arange(0, s)
    pe_s = _onehot_embed(indices, pos_weight, MAX_POS)  # [s, h]
    pe = jnp.broadcast_to(pe_s[None, :, :], (b, s, HID))
    e = te + tte + pe
    # LayerNorm with detached (stop-gradient) mean/var, matching torch .detach()
    mean = jax.lax.stop_gradient(jnp.mean(e, axis=-1, keepdims=True))
    var = jax.lax.stop_gradient(jnp.var(e, axis=-1, keepdims=True))
    normalized = (e - mean) / jnp.sqrt(var + EPS)
    out = normalized * ln_weight + ln_bias
    # Dropout is identity in eval mode
    return out

if __name__ == "__main__":
    import jax
    _d = setup_inputs()
    print(jax.jit(kernel)(*tuple(_d.values())))

</pallas_src>

<mosaic_0001>
#map = affine_map<(d0, d1) -> (0, 0)>
#map1 = affine_map<(d0, d1) -> (0)>
module attributes {stable_mosaic.version = 14 : i64} {
  func.func @_sc_body(%arg0: i32, %arg1: i32, %arg2: memref<30522x768xf32, #tpu.memory_space<hbm>>, %arg3: memref<2048x768xf32, #tpu.memory_space<hbm>>, %arg4: memref<2x768xf32, #tpu.memory_space<hbm>>, %arg5: memref<768xf32, #tpu.memory_space<hbm>>, %arg6: memref<768xf32, #tpu.memory_space<hbm>>, %arg7: memref<2048xi32, #tpu.memory_space<hbm>>, %arg8: memref<2048xi32, #tpu.memory_space<hbm>>, %arg9: memref<2048x768xf32, #tpu.memory_space<hbm>>, %arg10: memref<64xi32, #tpu.memory_space<vmem>>, %arg11: memref<64xi32, #tpu.memory_space<vmem>>, %arg12: memref<64x768xf32, #tpu.memory_space<vmem>>, %arg13: memref<64x768xf32, #tpu.memory_space<vmem>>, %arg14: memref<2x768xf32, #tpu.memory_space<vmem>>, %arg15: memref<768xf32, #tpu.memory_space<vmem>>, %arg16: memref<768xf32, #tpu.memory_space<vmem>>, %arg17: memref<!tpu.dma_semaphore, #tpu.memory_space<semaphore_mem>>) attributes {dimension_semantics = [#tpu.dimension_semantics<core_parallel>, #tpu.dimension_semantics<subcore_parallel>], iteration_bounds = array<i64: 2, 16>, scalar_prefetch = 0 : i64, scratch_operands = 8 : i64, tpu.core_type = #tpu.core_type<sc_vector_subcore>, window_params = [{transform_indices = #map}, {transform_indices = #map}, {transform_indices = #map}, {transform_indices = #map1}, {transform_indices = #map1}, {transform_indices = #map1}, {transform_indices = #map1}, {transform_indices = #map}]} {
    %mul3A = arith.constant 2 : i32
    %mul3A_0 = arith.muli %arg1, %mul3A : i32
    %add3A = arith.addi %mul3A_0, %arg0 : i32
    %mul3A_1 = arith.constant 64 : i32
    %mul3A_2 = arith.muli %add3A, %mul3A_1 : i32
    "tpu.region"() ({
      %run_scoped3A = tpu.sem_alloc : memref<!tpu.dma_semaphore, #tpu.memory_space<semaphore_mem>>
      %dma_start3A_13 = tpu.memref_slice %arg7[%mul3A_2] : memref<2048xi32, #tpu.memory_space<hbm>> -> memref<64xi32, #tpu.memory_space<hbm>>
      %dma_start3A_14 = tpu.memref_slice %arg7[%mul3A_2] : memref<2048xi32, #tpu.memory_space<hbm>> -> memref<64xi32, #tpu.memory_space<hbm>>
      tpu.enqueue_dma source(%dma_start3A_14 : memref<64xi32, #tpu.memory_space<hbm>>) target(%arg10 : memref<64xi32, #tpu.memory_space<vmem>>) target_semaphore(%run_scoped3A : memref<!tpu.dma_semaphore, #tpu.memory_space<semaphore_mem>>)
      %dma_wait3A_15 = tpu.memref_slice %arg7[%mul3A_2] : memref<2048xi32, #tpu.memory_space<hbm>> -> memref<64xi32, #tpu.memory_space<hbm>>
      %dma_wait3A_16 = tpu.memref_slice %arg7[%mul3A_2] : memref<2048xi32, #tpu.memory_space<hbm>> -> memref<64xi32, #tpu.memory_space<hbm>>
      tpu.wait_dma2 semaphore(%run_scoped3A : memref<!tpu.dma_semaphore, #tpu.memory_space<semaphore_mem>>) src(%dma_wait3A_16 : memref<64xi32, #tpu.memory_space<hbm>>) dst(%arg10 : memref<64xi32, #tpu.memory_space<vmem>>)
      tpu.yield
    }) : () -> ()
    %dma_start3A = arith.constant 0 : i32
    %dma_start3A_3 = arith.constant 0 : i32
    %dma_start3A_4 = tpu.memref_slice %arg2[%dma_start3A, %dma_start3A_3] : memref<30522x768xf32, #tpu.memory_space<hbm>> -> memref<30522x768xf32, #tpu.memory_space<hbm>>
    tpu.enqueue_indirect_dma source(%dma_start3A_4 : memref<30522x768xf32, #tpu.memory_space<hbm>>) target(%arg12 : memref<64x768xf32, #tpu.memory_space<vmem>>) offsets(%arg10 : memref<64xi32, #tpu.memory_space<vmem>>) semaphore(%arg17 : memref<!tpu.dma_semaphore, #tpu.memory_space<semaphore_mem>>)
    "tpu.region"() ({
      %run_scoped3A = tpu.sem_alloc : memref<!tpu.dma_semaphore, #tpu.memory_space<semaphore_mem>>
      %dma_start3A_13 = tpu.memref_slice %arg8[%mul3A_2] : memref<2048xi32, #tpu.memory_space<hbm>> -> memref<64xi32, #tpu.memory_space<hbm>>
      %dma_start3A_14 = tpu.memref_slice %arg8[%mul3A_2] : memref<2048xi32, #tpu.memory_space<hbm>> -> memref<64xi32, #tpu.memory_space<hbm>>
      tpu.enqueue_dma source(%dma_start3A_14 : memref<64xi32, #tpu.memory_space<hbm>>) target(%arg11 : memref<64xi32, #tpu.memory_space<vmem>>) target_semaphore(%run_scoped3A : memref<!tpu.dma_semaphore, #tpu.memory_space<semaphore_mem>>)
      %dma_wait3A_15 = tpu.memref_slice %arg8[%mul3A_2] : memref<2048xi32, #tpu.memory_space<hbm>> -> memref<64xi32, #tpu.memory_space<hbm>>
      %dma_wait3A_16 = tpu.memref_slice %arg8[%mul3A_2] : memref<2048xi32, #tpu.memory_space<hbm>> -> memref<64xi32, #tpu.memory_space<hbm>>
      tpu.wait_dma2 semaphore(%run_scoped3A : memref<!tpu.dma_semaphore, #tpu.memory_space<semaphore_mem>>) src(%dma_wait3A_16 : memref<64xi32, #tpu.memory_space<hbm>>) dst(%arg11 : memref<64xi32, #tpu.memory_space<vmem>>)
      tpu.yield
    }) : () -> ()
    "tpu.region"() ({
      %run_scoped3A = tpu.sem_alloc : memref<!tpu.dma_semaphore, #tpu.memory_space<semaphore_mem>>
      %dma_start3A_13 = arith.constant 0 : i32
      %dma_start3A_14 = tpu.memref_slice %arg3[%mul3A_2, %dma_start3A_13] : memref<2048x768xf32, #tpu.memory_space<hbm>> -> memref<64x768xf32, #tpu.memory_space<hbm>>
      %dma_start3A_15 = arith.constant 0 : i32
      %dma_start3A_16 = tpu.memref_slice %arg3[%mul3A_2, %dma_start3A_15] : memref<2048x768xf32, #tpu.memory_space<hbm>> -> memref<64x768xf32, #tpu.memory_space<hbm>>
      tpu.enqueue_dma source(%dma_start3A_16 : memref<64x768xf32, #tpu.memory_space<hbm>>) target(%arg13 : memref<64x768xf32, #tpu.memory_space<vmem>>) target_semaphore(%run_scoped3A : memref<!tpu.dma_semaphore, #tpu.memory_space<semaphore_mem>>)
      %dma_wait3A_17 = arith.constant 0 : i32
      %dma_wait3A_18 = tpu.memref_slice %arg3[%mul3A_2, %dma_wait3A_17] : memref<2048x768xf32, #tpu.memory_space<hbm>> -> memref<64x768xf32, #tpu.memory_space<hbm>>
      %dma_wait3A_19 = arith.constant 0 : i32
      %dma_wait3A_20 = tpu.memref_slice %arg3[%mul3A_2, %dma_wait3A_19] : memref<2048x768xf32, #tpu.memory_space<hbm>> -> memref<64x768xf32, #tpu.memory_space<hbm>>
      tpu.wait_dma2 semaphore(%run_scoped3A : memref<!tpu.dma_semaphore, #tpu.memory_space<semaphore_mem>>) src(%dma_wait3A_20 : memref<64x768xf32, #tpu.memory_space<hbm>>) dst(%arg13 : memref<64x768xf32, #tpu.memory_space<vmem>>)
      tpu.yield
    }) : () -> ()
    "tpu.region"() ({
      %run_scoped3A = tpu.sem_alloc : memref<!tpu.dma_semaphore, #tpu.memory_space<semaphore_mem>>
      tpu.enqueue_dma source(%arg4 : memref<2x768xf32, #tpu.memory_space<hbm>>) target(%arg14 : memref<2x768xf32, #tpu.memory_space<vmem>>) target_semaphore(%run_scoped3A : memref<!tpu.dma_semaphore, #tpu.memory_space<semaphore_mem>>)
      tpu.wait_dma2 semaphore(%run_scoped3A : memref<!tpu.dma_semaphore, #tpu.memory_space<semaphore_mem>>) src(%arg4 : memref<2x768xf32, #tpu.memory_space<hbm>>) dst(%arg14 : memref<2x768xf32, #tpu.memory_space<vmem>>)
      tpu.yield
    }) : () -> ()
    "tpu.region"() ({
      %run_scoped3A = tpu.sem_alloc : memref<!tpu.dma_semaphore, #tpu.memory_space<semaphore_mem>>
      tpu.enqueue_dma source(%arg5 : memref<768xf32, #tpu.memory_space<hbm>>) target(%arg15 : memref<768xf32, #tpu.memory_space<vmem>>) target_semaphore(%run_scoped3A : memref<!tpu.dma_semaphore, #tpu.memory_space<semaphore_mem>>)
      tpu.wait_dma2 semaphore(%run_scoped3A : memref<!tpu.dma_semaphore, #tpu.memory_space<semaphore_mem>>) src(%arg5 : memref<768xf32, #tpu.memory_space<hbm>>) dst(%arg15 : memref<768xf32, #tpu.memory_space<vmem>>)
      tpu.yield
    }) : () -> ()
    "tpu.region"() ({
      %run_scoped3A = tpu.sem_alloc : memref<!tpu.dma_semaphore, #tpu.memory_space<semaphore_mem>>
      tpu.enqueue_dma source(%arg6 : memref<768xf32, #tpu.memory_space<hbm>>) target(%arg16 : memref<768xf32, #tpu.memory_space<vmem>>) target_semaphore(%run_scoped3A : memref<!tpu.dma_semaphore, #tpu.memory_space<semaphore_mem>>)
      tpu.wait_dma2 semaphore(%run_scoped3A : memref<!tpu.dma_semaphore, #tpu.memory_space<semaphore_mem>>) src(%arg6 : memref<768xf32, #tpu.memory_space<hbm>>) dst(%arg16 : memref<768xf32, #tpu.memory_space<vmem>>)
      tpu.yield
    }) : () -> ()
    %dma_wait3A = arith.constant 0 : i32
    %dma_wait3A_5 = arith.constant 0 : i32
    %dma_wait3A_6 = tpu.memref_slice %arg2[%dma_wait3A, %dma_wait3A_5] : memref<30522x768xf32, #tpu.memory_space<hbm>> -> memref<30522x768xf32, #tpu.memory_space<hbm>>
    tpu.wait_indirect_dma semaphore(%arg17 : memref<!tpu.dma_semaphore, #tpu.memory_space<semaphore_mem>>) src(%dma_wait3A_6 : memref<30522x768xf32, #tpu.memory_space<hbm>>) dst(%arg12 : memref<64x768xf32, #tpu.memory_space<vmem>>)
    %scan3A = arith.constant 0 : i32
    %scan3A_7 = arith.constant 0.00130208337 : f32
    %scan3A_8 = arith.constant 0 : i32
    %scan3A_9 = arith.constant 64 : i32
    %scan3A_10 = arith.addi %scan3A_8, %scan3A_9 : i32
    %scan3A_11 = arith.constant 1 : i32
    scf.for %scan3A_13 = %scan3A_8 to %scan3A_10 step %scan3A_11  : i32 {
      %broadcast_in_dim3A = vector.broadcast %scan3A_13 : i32 to vector<16xi32>
      %gather3A = tpu.vector_load_idx %arg11[%broadcast_in_dim3A] : memref<64xi32, #tpu.memory_space<vmem>>[vector<16xi32>], vector<16xi32>,
      %convert_element_type3A = arith.sitofp %gather3A : vector<16xi32> to vector<16xf32>
      %broadcast_in_dim3A_14 = arith.constant 0.000000e+00 : f32
      %broadcast_in_dim3A_15 = vector.broadcast %broadcast_in_dim3A_14 : f32 to vector<16xf32>
      %broadcast_in_dim3A_16 = arith.constant 0.000000e+00 : f32
      %broadcast_in_dim3A_17 = vector.broadcast %broadcast_in_dim3A_16 : f32 to vector<16xf32>
      %get3A = arith.constant 0 : i32
      %get3A_18 = arith.index_cast %get3A : i32 to index
      %get3A_19 = arith.constant 0 : index
      %get3A_20 = tpu.vector_load %arg14[%get3A_18, %get3A_19] {strides = array<i32>} : memref<2x768xf32, #tpu.memory_space<vmem>>, vector<16xf32>,
      %get3A_21 = arith.constant 1 : i32
      %get3A_22 = arith.index_cast %get3A_21 : i32 to index
      %get3A_23 = arith.constant 0 : index
      %get3A_24 = tpu.vector_load %arg14[%get3A_22, %get3A_23] {strides = array<i32>} : memref<2x768xf32, #tpu.memory_space<vmem>>, vector<16xf32>,
      %get3A_25 = arith.index_cast %scan3A_13 : i32 to index
      %get3A_26 = arith.constant 0 : index
      %get3A_27 = tpu.vector_load %arg12[%get3A_25, %get3A_26] {strides = array<i32>} : memref<64x768xf32, #tpu.memory_space<vmem>>, vector<16xf32>,
      %get3A_28 = arith.index_cast %scan3A_13 : i32 to index
      %get3A_29 = arith.constant 0 : index
      %get3A_30 = tpu.vector_load %arg13[%get3A_28, %get3A_29] {strides = array<i32>} : memref<64x768xf32, #tpu.memory_space<vmem>>, vector<16xf32>,
      %add3A_31 = arith.addf %get3A_27, %get3A_30 : vector<16xf32>
      %add3A_32 = arith.addf %add3A_31, %get3A_20 : vector<16xf32>
      %sub3A = arith.subf %get3A_24, %get3A_20 : vector<16xf32>
      %mul3A_33 = arith.mulf %convert_element_type3A, %sub3A : vector<16xf32>
      %add3A_34 = arith.addf %add3A_32, %mul3A_33 : vector<16xf32>
      %swap3A = arith.index_cast %scan3A_13 : i32 to index
      %swap3A_35 = arith.constant 0 : index
      %swap3A_36 = tpu.vector_load %arg12[%swap3A, %swap3A_35] {strides = array<i32>} : memref<64x768xf32, #tpu.memory_space<vmem>>, vector<16xf32>,
      tpu.vector_store %arg12[%swap3A, %swap3A_35], %add3A_34 {strides = array<i32>} : memref<64x768xf32, #tpu.memory_space<vmem>>, vector<16xf32>,
      %add3A_37 = arith.addf %broadcast_in_dim3A_15, %add3A_34 : vector<16xf32>
      %mul3A_38 = arith.mulf %add3A_34, %add3A_34 : vector<16xf32>
      %add3A_39 = arith.addf %broadcast_in_dim3A_17, %mul3A_38 : vector<16xf32>
      %get3A_40 = arith.constant 0 : i32
      %get3A_41 = arith.index_cast %get3A_40 : i32 to index
      %get3A_42 = arith.constant 16 : index
      %get3A_43 = tpu.vector_load %arg14[%get3A_41, %get3A_42] {strides = array<i32>} : memref<2x768xf32, #tpu.memory_space<vmem>>, vector<16xf32>,
      %get3A_44 = arith.constant 1 : i32
      %get3A_45 = arith.index_cast %get3A_44 : i32 to index
      %get3A_46 = arith.constant 16 : index
      %get3A_47 = tpu.vector_load %arg14[%get3A_45, %get3A_46] {strides = array<i32>} : memref<2x768xf32, #tpu.memory_space<vmem>>, vector<16xf32>,
      %get3A_48 = arith.index_cast %scan3A_13 : i32 to index
      %get3A_49 = arith.constant 16 : index
      %get3A_50 = tpu.vector_load %arg12[%get3A_48, %get3A_49] {strides = array<i32>} : memref<64x768xf32, #tpu.memory_space<vmem>>, vector<16xf32>,
      %get3A_51 = arith.index_cast %scan3A_13 : i32 to index
      %get3A_52 = arith.constant 16 : index
      %get3A_53 = tpu.vector_load %arg13[%get3A_51, %get3A_52] {strides = array<i32>} : memref<64x768xf32, #tpu.memory_space<vmem>>, vector<16xf32>,
      %add3A_54 = arith.addf %get3A_50, %get3A_53 : vector<16xf32>
      %add3A_55 = arith.addf %add3A_54, %get3A_43 : vector<16xf32>
      %sub3A_56 = arith.subf %get3A_47, %get3A_43 : vector<16xf32>
      %mul3A_57 = arith.mulf %convert_element_type3A, %sub3A_56 : vector<16xf32>
      %add3A_58 = arith.addf %add3A_55, %mul3A_57 : vector<16xf32>
      %swap3A_59 = arith.index_cast %scan3A_13 : i32 to index
      %swap3A_60 = arith.constant 16 : index
      %swap3A_61 = tpu.vector_load %arg12[%swap3A_59, %swap3A_60] {strides = array<i32>} : memref<64x768xf32, #tpu.memory_space<vmem>>, vector<16xf32>,
      tpu.vector_store %arg12[%swap3A_59, %swap3A_60], %add3A_58 {strides = array<i32>} : memref<64x768xf32, #tpu.memory_space<vmem>>, vector<16xf32>,
      %add3A_62 = arith.addf %add3A_37, %add3A_58 : vector<16xf32>
      %mul3A_63 = arith.mulf %add3A_58, %add3A_58 : vector<16xf32>
      %add3A_64 = arith.addf %add3A_39, %mul3A_63 : vector<16xf32>
      %get3A_65 = arith.constant 0 : i32
      %get3A_66 = arith.index_cast %get3A_65 : i32 to index
      %get3A_67 = arith.constant 32 : index
      %get3A_68 = tpu.vector_load %arg14[%get3A_66, %get3A_67] {strides = array<i32>} : memref<2x768xf32, #tpu.memory_space<vmem>>, vector<16xf32>,
      %get3A_69 = arith.constant 1 : i32
      %get3A_70 = arith.index_cast %get3A_69 : i32 to index
      %get3A_71 = arith.constant 32 : index
      %get3A_72 = tpu.vector_load %arg14[%get3A_70, %get3A_71] {strides = array<i32>} : memref<2x768xf32, #tpu.memory_space<vmem>>, vector<16xf32>,
      %get3A_73 = arith.index_cast %scan3A_13 : i32 to index
      %get3A_74 = arith.constant 32 : index
      %get3A_75 = tpu.vector_load %arg12[%get3A_73, %get3A_74] {strides = array<i32>} : memref<64x768xf32, #tpu.memory_space<vmem>>, vector<16xf32>,
      %get3A_76 = arith.index_cast %scan3A_13 : i32 to index
      %get3A_77 = arith.constant 32 : index
      %get3A_78 = tpu.vector_load %arg13[%get3A_76, %get3A_77] {strides = array<i32>} : memref<64x768xf32, #tpu.memory_space<vmem>>, vector<16xf32>,
      %add3A_79 = arith.addf %get3A_75, %get3A_78 : vector<16xf32>
      %add3A_80 = arith.addf %add3A_79, %get3A_68 : vector<16xf32>
      %sub3A_81 = arith.subf %get3A_72, %get3A_68 : vector<16xf32>
      %mul3A_82 = arith.mulf %convert_element_type3A, %sub3A_81 : vector<16xf32>
      %add3A_83 = arith.addf %add3A_80, %mul3A_82 : vector<16xf32>
      %swap3A_84 = arith.index_cast %scan3A_13 : i32 to index
      %swap3A_85 = arith.constant 32 : index
      %swap3A_86 = tpu.vector_load %arg12[%swap3A_84, %swap3A_85] {strides = array<i32>} : memref<64x768xf32, #tpu.memory_space<vmem>>, vector<16xf32>,
      tpu.vector_store %arg12[%swap3A_84, %swap3A_85], %add3A_83 {strides = array<i32>} : memref<64x768xf32, #tpu.memory_space<vmem>>, vector<16xf32>,
      %add3A_87 = arith.addf %add3A_62, %add3A_83 : vector<16xf32>
      %mul3A_88 = arith.mulf %add3A_83, %add3A_83 : vector<16xf32>
      %add3A_89 = arith.addf %add3A_64, %mul3A_88 : vector<16xf32>
      %get3A_90 = arith.constant 0 : i32
      %get3A_91 = arith.index_cast %get3A_90 : i32 to index
      %get3A_92 = arith.constant 48 : index
      %get3A_93 = tpu.vector_load %arg14[%get3A_91, %get3A_92] {strides = array<i32>} : memref<2x768xf32, #tpu.memory_space<vmem>>, vector<16xf32>,
      %get3A_94 = arith.constant 1 : i32
      %get3A_95 = arith.index_cast %get3A_94 : i32 to index
      %get3A_96 = arith.constant 48 : index
      %get3A_97 = tpu.vector_load %arg14[%get3A_95, %get3A_96] {strides = array<i32>} : memref<2x768xf32, #tpu.memory_space<vmem>>, vector<16xf32>,
      %get3A_98 = arith.index_cast %scan3A_13 : i32 to index
      %get3A_99 = arith.constant 48 : index
      %get3A_100 = tpu.vector_load %arg12[%get3A_98, %get3A_99] {strides = array<i32>} : memref<64x768xf32, #tpu.memory_space<vmem>>, vector<16xf32>,
      %get3A_101 = arith.index_cast %scan3A_13 : i32 to index
      %get3A_102 = arith.constant 48 : index
      %get3A_103 = tpu.vector_load %arg13[%get3A_101, %get3A_102] {strides = array<i32>} : memref<64x768xf32, #tpu.memory_space<vmem>>, vector<16xf32>,
      %add3A_104 = arith.addf %get3A_100, %get3A_103 : vector<16xf32>
      %add3A_105 = arith.addf %add3A_104, %get3A_93 : vector<16xf32>
      %sub3A_106 = arith.subf %get3A_97, %get3A_93 : vector<16xf32>
      %mul3A_107 = arith.mulf %convert_element_type3A, %sub3A_106 : vector<16xf32>
      %add3A_108 = arith.addf %add3A_105, %mul3A_107 : vector<16xf32>
      %swap3A_109 = arith.index_cast %scan3A_13 : i32 to index
      %swap3A_110 = arith.constant 48 : index
      %swap3A_111 = tpu.vector_load %arg12[%swap3A_109, %swap3A_110] {strides = array<i32>} : memref<64x768xf32, #tpu.memory_space<vmem>>, vector<16xf32>,
      tpu.vector_store %arg12[%swap3A_109, %swap3A_110], %add3A_108 {strides = array<i32>} : memref<64x768xf32, #tpu.memory_space<vmem>>, vector<16xf32>,
      %add3A_112 = arith.addf %add3A_87, %add3A_108 : vector<16xf32>
      %mul3A_113 = arith.mulf %add3A_108, %add3A_108 : vector<16xf32>
      %add3A_114 = arith.addf %add3A_89, %mul3A_113 : vector<16xf32>
      %get3A_115 = arith.constant 0 : i32
      %get3A_116 = arith.index_cast %get3A_115 : i32 to index
      %get3A_117 = arith.constant 64 : index
      %get3A_118 = tpu.vector_load %arg14[%get3A_116, %get3A_117] {strides = array<i32>} : memref<2x768xf32, #tpu.memory_space<vmem>>, vector<16xf32>,
      %get3A_119 = arith.constant 1 : i32
      %get3A_120 = arith.index_cast %get3A_119 : i32 to index
      %get3A_121 = arith.constant 64 : index
      %get3A_122 = tpu.vector_load %arg14[%get3A_120, %get3A_121] {strides = array<i32>} : memref<2x768xf32, #tpu.memory_space<vmem>>, vector<16xf32>,
      %get3A_123 = arith.index_cast %scan3A_13 : i32 to index
      %get3A_124 = arith.constant 64 : index
      %get3A_125 = tpu.vector_load %arg12[%get3A_123, %get3A_124] {strides = array<i32>} : memref<64x768xf32, #tpu.memory_space<vmem>>, vector<16xf32>,
      %get3A_126 = arith.index_cast %scan3A_13 : i32 to index
      %get3A_127 = arith.constant 64 : index
      %get3A_128 = tpu.vector_load %arg13[%get3A_126, %get3A_127] {strides = array<i32>} : memref<64x768xf32, #tpu.memory_space<vmem>>, vector<16xf32>,
      %add3A_129 = arith.addf %get3A_125, %get3A_128 : vector<16xf32>
      %add3A_130 = arith.addf %add3A_129, %get3A_118 : vector<16xf32>
      %sub3A_131 = arith.subf %get3A_122, %get3A_118 : vector<16xf32>
      %mul3A_132 = arith.mulf %convert_element_type3A, %sub3A_131 : vector<16xf32>
      %add3A_133 = arith.addf %add3A_130, %mul3A_132 : vector<16xf32>
      %swap3A_134 = arith.index_cast %scan3A_13 : i32 to index
      %swap3A_135 = arith.constant 64 : index
      %swap3A_136 = tpu.vector_load %arg12[%swap3A_134, %swap3A_135] {strides = array<i32>} : memref<64x768xf32, #tpu.memory_space<vmem>>, vector<16xf32>,
      tpu.vector_store %arg12[%swap3A_134, %swap3A_135], %add3A_133 {strides = array<i32>} : memref<64x768xf32, #tpu.memory_space<vmem>>, vector<16xf32>,
      %add3A_137 = arith.addf %add3A_112, %add3A_133 : vector<16xf32>
      %mul3A_138 = arith.mulf %add3A_133, %add3A_133 : vector<16xf32>
      %add3A_139 = arith.addf %add3A_114, %mul3A_138 : vector<16xf32>
      %get3A_140 = arith.constant 0 : i32
      %get3A_141 = arith.index_cast %get3A_140 : i32 to index
      %get3A_142 = arith.constant 80 : index
      %get3A_143 = tpu.vector_load %arg14[%get3A_141, %get3A_142] {strides = array<i32>} : memref<2x768xf32, #tpu.memory_space<vmem>>, vector<16xf32>,
      %get3A_144 = arith.constant 1 : i32
      %get3A_145 = arith.index_cast %get3A_144 : i32 to index
      %get3A_146 = arith.constant 80 : index
      %get3A_147 = tpu.vector_load %arg14[%get3A_145, %get3A_146] {strides = array<i32>} : memref<2x768xf32, #tpu.memory_space<vmem>>, vector<16xf32>,
      %get3A_148 = arith.index_cast %scan3A_13 : i32 to index
      %get3A_149 = arith.constant 80 : index
      %get3A_150 = tpu.vector_load %arg12[%get3A_148, %get3A_149] {strides = array<i32>} : memref<64x768xf32, #tpu.memory_space<vmem>>, vector<16xf32>,
      %get3A_151 = arith.index_cast %scan3A_13 : i32 to index
      %get3A_152 = arith.constant 80 : index
      %get3A_153 = tpu.vector_load %arg13[%get3A_151, %get3A_152] {strides = array<i32>} : memref<64x768xf32, #tpu.memory_space<vmem>>, vector<16xf32>,
      %add3A_154 = arith.addf %get3A_150, %get3A_153 : vector<16xf32>
      %add3A_155 = arith.addf %add3A_154, %get3A_143 : vector<16xf32>
      %sub3A_156 = arith.subf %get3A_147, %get3A_143 : vector<16xf32>
      %mul3A_157 = arith.mulf %convert_element_type3A, %sub3A_156 : vector<16xf32>
      %add3A_158 = arith.addf %add3A_155, %mul3A_157 : vector<16xf32>
      %swap3A_159 = arith.index_cast %scan3A_13 : i32 to index
      %swap3A_160 = arith.constant 80 : index
      %swap3A_161 = tpu.vector_load %arg12[%swap3A_159, %swap3A_160] {strides = array<i32>} : memref<64x768xf32, #tpu.memory_space<vmem>>, vector<16xf32>,
      tpu.vector_store %arg12[%swap3A_159, %swap3A_160], %add3A_158 {strides = array<i32>} : memref<64x768xf32, #tpu.memory_space<vmem>>, vector<16xf32>,
      %add3A_162 = arith.addf %add3A_137, %add3A_158 : vector<16xf32>
      %mul3A_163 = arith.mulf %add3A_158, %add3A_158 : vector<16xf32>
      %add3A_164 = arith.addf %add3A_139, %mul3A_163 : vector<16xf32>
      %get3A_165 = arith.constant 0 : i32
      %get3A_166 = arith.index_cast %get3A_165 : i32 to index
      %get3A_167 = arith.constant 96 : index
      %get3A_168 = tpu.vector_load %arg14[%get3A_166, %get3A_167] {strides = array<i32>} : memref<2x768xf32, #tpu.memory_space<vmem>>, vector<16xf32>,
      %get3A_169 = arith.constant 1 : i32
      %get3A_170 = arith.index_cast %get3A_169 : i32 to index
      %get3A_171 = arith.constant 96 : index
      %get3A_172 = tpu.vector_load %arg14[%get3A_170, %get3A_171] {strides = array<i32>} : memref<2x768xf32, #tpu.memory_space<vmem>>, vector<16xf32>,
      %get3A_173 = arith.index_cast %scan3A_13 : i32 to index
      %get3A_174 = arith.constant 96 : index
      %get3A_175 = tpu.vector_load %arg12[%get3A_173, %get3A_174] {strides = array<i32>} : memref<64x768xf32, #tpu.memory_space<vmem>>, vector<16xf32>,
      %get3A_176 = arith.index_cast %scan3A_13 : i32 to index
      %get3A_177 = arith.constant 96 : index
      %get3A_178 = tpu.vector_load %arg13[%get3A_176, %get3A_177] {strides = array<i32>} : memref<64x768xf32, #tpu.memory_space<vmem>>, vector<16xf32>,
      %add3A_179 = arith.addf %get3A_175, %get3A_178 : vector<16xf32>
      %add3A_180 = arith.addf %add3A_179, %get3A_168 : vector<16xf32>
      %sub3A_181 = arith.subf %get3A_172, %get3A_168 : vector<16xf32>
      %mul3A_182 = arith.mulf %convert_element_type3A, %sub3A_181 : vector<16xf32>
      %add3A_183 = arith.addf %add3A_180, %mul3A_182 : vector<16xf32>
      %swap3A_184 = arith.index_cast %scan3A_13 : i32 to index
      %swap3A_185 = arith.constant 96 : index
      %swap3A_186 = tpu.vector_load %arg12[%swap3A_184, %swap3A_185] {strides = array<i32>} : memref<64x768xf32, #tpu.memory_space<vmem>>, vector<16xf32>,
      tpu.vector_store %arg12[%swap3A_184, %swap3A_185], %add3A_183 {strides = array<i32>} : memref<64x768xf32, #tpu.memory_space<vmem>>, vector<16xf32>,
      %add3A_187 = arith.addf %add3A_162, %add3A_183 : vector<16xf32>
      %mul3A_188 = arith.mulf %add3A_183, %add3A_183 : vector<16xf32>
      %add3A_189 = arith.addf %add3A_164, %mul3A_188 : vector<16xf32>
      %get3A_190 = arith.constant 0 : i32
      %get3A_191 = arith.index_cast %get3A_190 : i32 to index
      %get3A_192 = arith.constant 112 : index
      %get3A_193 = tpu.vector_load %arg14[%get3A_191, %get3A_192] {strides = array<i32>} : memref<2x768xf32, #tpu.memory_space<vmem>>, vector<16xf32>,
      %get3A_194 = arith.constant 1 : i32
      %get3A_195 = arith.index_cast %get3A_194 : i32 to index
      %get3A_196 = arith.constant 112 : index
      %get3A_197 = tpu.vector_load %arg14[%get3A_195, %get3A_196] {strides = array<i32>} : memref<2x768xf32, #tpu.memory_space<vmem>>, vector<16xf32>,
      %get3A_198 = arith.index_cast %scan3A_13 : i32 to index
      %get3A_199 = arith.constant 112 : index
      %get3A_200 = tpu.vector_load %arg12[%get3A_198, %get3A_199] {strides = array<i32>} : memref<64x768xf32, #tpu.memory_space<vmem>>, vector<16xf32>,
      %get3A_201 = arith.index_cast %scan3A_13 : i32 to index
      %get3A_202 = arith.constant 112 : index
      %get3A_203 = tpu.vector_load %arg13[%get3A_201, %get3A_202] {strides = array<i32>} : memref<64x768xf32, #tpu.memory_space<vmem>>, vector<16xf32>,
      %add3A_204 = arith.addf %get3A_200, %get3A_203 : vector<16xf32>
      %add3A_205 = arith.addf %add3A_204, %get3A_193 : vector<16xf32>
      %sub3A_206 = arith.subf %get3A_197, %get3A_193 : vector<16xf32>
      %mul3A_207 = arith.mulf %convert_element_type3A, %sub3A_206 : vector<16xf32>
      %add3A_208 = arith.addf %add3A_205, %mul3A_207 : vector<16xf32>
      %swap3A_209 = arith.index_cast %scan3A_13 : i32 to index
      %swap3A_210 = arith.constant 112 : index
      %swap3A_211 = tpu.vector_load %arg12[%swap3A_209, %swap3A_210] {strides = array<i32>} : memref<64x768xf32, #tpu.memory_space<vmem>>, vector<16xf32>,
      tpu.vector_store %arg12[%swap3A_209, %swap3A_210], %add3A_208 {strides = array<i32>} : memref<64x768xf32, #tpu.memory_space<vmem>>, vector<16xf32>,
      %add3A_212 = arith.addf %add3A_187, %add3A_208 : vector<16xf32>
      %mul3A_213 = arith.mulf %add3A_208, %add3A_208 : vector<16xf32>
      %add3A_214 = arith.addf %add3A_189, %mul3A_213 : vector<16xf32>
      %get3A_215 = arith.constant 0 : i32
      %get3A_216 = arith.index_cast %get3A_215 : i32 to index
      %get3A_217 = arith.constant 128 : index
      %get3A_218 = tpu.vector_load %arg14[%get3A_216, %get3A_217] {strides = array<i32>} : memref<2x768xf32, #tpu.memory_space<vmem>>, vector<16xf32>,
      %get3A_219 = arith.constant 1 : i32
      %get3A_220 = arith.index_cast %get3A_219 : i32 to index
      %get3A_221 = arith.constant 128 : index
      %get3A_222 = tpu.vector_load %arg14[%get3A_220, %get3A_221] {strides = array<i32>} : memref<2x768xf32, #tpu.memory_space<vmem>>, vector<16xf32>,
      %get3A_223 = arith.index_cast %scan3A_13 : i32 to index
      %get3A_224 = arith.constant 128 : index
      %get3A_225 = tpu.vector_load %arg12[%get3A_223, %get3A_224] {strides = array<i32>} : memref<64x768xf32, #tpu.memory_space<vmem>>, vector<16xf32>,
      %get3A_226 = arith.index_cast %scan3A_13 : i32 to index
      %get3A_227 = arith.constant 128 : index
      %get3A_228 = tpu.vector_load %arg13[%get3A_226, %get3A_227] {strides = array<i32>} : memref<64x768xf32, #tpu.memory_space<vmem>>, vector<16xf32>,
      %add3A_229 = arith.addf %get3A_225, %get3A_228 : vector<16xf32>
      %add3A_230 = arith.addf %add3A_229, %get3A_218 : vector<16xf32>
      %sub3A_231 = arith.subf %get3A_222, %get3A_218 : vector<16xf32>
      %mul3A_232 = arith.mulf %convert_element_type3A, %sub3A_231 : vector<16xf32>
      %add3A_233 = arith.addf %add3A_230, %mul3A_232 : vector<16xf32>
      %swap3A_234 = arith.index_cast %scan3A_13 : i32 to index
      %swap3A_235 = arith.constant 128 : index
      %swap3A_236 = tpu.vector_load %arg12[%swap3A_234, %swap3A_235] {strides = array<i32>} : memref<64x768xf32, #tpu.memory_space<vmem>>, vector<16xf32>,
      tpu.vector_store %arg12[%swap3A_234, %swap3A_235], %add3A_233 {strides = array<i32>} : memref<64x768xf32, #tpu.memory_space<vmem>>, vector<16xf32>,
      %add3A_237 = arith.addf %add3A_212, %add3A_233 : vector<16xf32>
      %mul3A_238 = arith.mulf %add3A_233, %add3A_233 : vector<16xf32>
      %add3A_239 = arith.addf %add3A_214, %mul3A_238 : vector<16xf32>
      %get3A_240 = arith.constant 0 : i32
      %get3A_241 = arith.index_cast %get3A_240 : i32 to index
      %get3A_242 = arith.constant 144 : index
      %get3A_243 = tpu.vector_load %arg14[%get3A_241, %get3A_242] {strides = array<i32>} : memref<2x768xf32, #tpu.memory_space<vmem>>, vector<16xf32>,
      %get3A_244 = arith.constant 1 : i32
      %get3A_245 = arith.index_cast %get3A_244 : i32 to index
      %get3A_246 = arith.constant 144 : index
      %get3A_247 = tpu.vector_load %arg14[%get3A_245, %get3A_246] {strides = array<i32>} : memref<2x768xf32, #tpu.memory_space<vmem>>, vector<16xf32>,
      %get3A_248 = arith.index_cast %scan3A_13 : i32 to index
      %get3A_249 = arith.constant 144 : index
      %get3A_250 = tpu.vector_load %arg12[%get3A_248, %get3A_249] {strides = array<i32>} : memref<64x768xf32, #tpu.memory_space<vmem>>, vector<16xf32>,
      %get3A_251 = arith.index_cast %scan3A_13 : i32 to index
      %get3A_252 = arith.constant 144 : index
      %get3A_253 = tpu.vector_load %arg13[%get3A_251, %get3A_252] {strides = array<i32>} : memref<64x768xf32, #tpu.memory_space<vmem>>, vector<16xf32>,
      %add3A_254 = arith.addf %get3A_250, %get3A_253 : vector<16xf32>
      %add3A_255 = arith.addf %add3A_254, %get3A_243 : vector<16xf32>
      %sub3A_256 = arith.subf %get3A_247, %get3A_243 : vector<16xf32>
      %mul3A_257 = arith.mulf %convert_element_type3A, %sub3A_256 : vector<16xf32>
      %add3A_258 = arith.addf %add3A_255, %mul3A_257 : vector<16xf32>
      %swap3A_259 = arith.index_cast %scan3A_13 : i32 to index
      %swap3A_260 = arith.constant 144 : index
      %swap3A_261 = tpu.vector_load %arg12[%swap3A_259, %swap3A_260] {strides = array<i32>} : memref<64x768xf32, #tpu.memory_space<vmem>>, vector<16xf32>,
      tpu.vector_store %arg12[%swap3A_259, %swap3A_260], %add3A_258 {strides = array<i32>} : memref<64x768xf32, #tpu.memory_space<vmem>>, vector<16xf32>,
      %add3A_262 = arith.addf %add3A_237, %add3A_258 : vector<16xf32>
      %mul3A_263 = arith.mulf %add3A_258, %add3A_258 : vector<16xf32>
      %add3A_264 = arith.addf %add3A_239, %mul3A_263 : vector<16xf32>
      %get3A_265 = arith.constant 0 : i32
      %get3A_266 = arith.index_cast %get3A_265 : i32 to index
      %get3A_267 = arith.constant 160 : index
      %get3A_268 = tpu.vector_load %arg14[%get3A_266, %get3A_267] {strides = array<i32>} : memref<2x768xf32, #tpu.memory_space<vmem>>, vector<16xf32>,
      %get3A_269 = arith.constant 1 : i32
      %get3A_270 = arith.index_cast %get3A_269 : i32 to index
      %get3A_271 = arith.constant 160 : index
      %get3A_272 = tpu.vector_load %arg14[%get3A_270, %get3A_271] {strides = array<i32>} : memref<2x768xf32, #tpu.memory_space<vmem>>, vector<16xf32>,
      %get3A_273 = arith.index_cast %scan3A_13 : i32 to index
      %get3A_274 = arith.constant 160 : index
      %get3A_275 = tpu.vector_load %arg12[%get3A_273, %get3A_274] {strides = array<i32>} : memref<64x768xf32, #tpu.memory_space<vmem>>, vector<16xf32>,
      %get3A_276 = arith.index_cast %scan3A_13 : i32 to index
      %get3A_277 = arith.constant 160 : index
      %get3A_278 = tpu.vector_load %arg13[%get3A_276, %get3A_277] {strides = array<i32>} : memref<64x768xf32, #tpu.memory_space<vmem>>, vector<16xf32>,
      %add3A_279 = arith.addf %get3A_275, %get3A_278 : vector<16xf32>
      %add3A_280 = arith.addf %add3A_279, %get3A_268 : vector<16xf32>
      %sub3A_281 = arith.subf %get3A_272, %get3A_268 : vector<16xf32>
      %mul3A_282 = arith.mulf %convert_element_type3A, %sub3A_281 : vector<16xf32>
      %add3A_283 = arith.addf %add3A_280, %mul3A_282 : vector<16xf32>
      %swap3A_284 = arith.index_cast %scan3A_13 : i32 to index
      %swap3A_285 = arith.constant 160 : index
      %swap3A_286 = tpu.vector_load %arg12[%swap3A_284, %swap3A_285] {strides = array<i32>} : memref<64x768xf32, #tpu.memory_space<vmem>>, vector<16xf32>,
      tpu.vector_store %arg12[%swap3A_284, %swap3A_285], %add3A_283 {strides = array<i32>} : memref<64x768xf32, #tpu.memory_space<vmem>>, vector<16xf32>,
      %add3A_287 = arith.addf %add3A_262, %add3A_283 : vector<16xf32>
      %mul3A_288 = arith.mulf %add3A_283, %add3A_283 : vector<16xf32>
      %add3A_289 = arith.addf %add3A_264, %mul3A_288 : vector<16xf32>
      %get3A_290 = arith.constant 0 : i32
      %get3A_291 = arith.index_cast %get3A_290 : i32 to index
      %get3A_292 = arith.constant 176 : index
      %get3A_293 = tpu.vector_load %arg14[%get3A_291, %get3A_292] {strides = array<i32>} : memref<2x768xf32, #tpu.memory_space<vmem>>, vector<16xf32>,
      %get3A_294 = arith.constant 1 : i32
      %get3A_295 = arith.index_cast %get3A_294 : i32 to index
      %get3A_296 = arith.constant 176 : index
      %get3A_297 = tpu.vector_load %arg14[%get3A_295, %get3A_296] {strides = array<i32>} : memref<2x768xf32, #tpu.memory_space<vmem>>, vector<16xf32>,
      %get3A_298 = arith.index_cast %scan3A_13 : i32 to index
      %get3A_299 = arith.constant 176 : index
      %get3A_300 = tpu.vector_load %arg12[%get3A_298, %get3A_299] {strides = array<i32>} : memref<64x768xf32, #tpu.memory_space<vmem>>, vector<16xf32>,
      %get3A_301 = arith.index_cast %scan3A_13 : i32 to index
      %get3A_302 = arith.constant 176 : index
      %get3A_303 = tpu.vector_load %arg13[%get3A_301, %get3A_302] {strides = array<i32>} : memref<64x768xf32, #tpu.memory_space<vmem>>, vector<16xf32>,
      %add3A_304 = arith.addf %get3A_300, %get3A_303 : vector<16xf32>
      %add3A_305 = arith.addf %add3A_304, %get3A_293 : vector<16xf32>
      %sub3A_306 = arith.subf %get3A_297, %get3A_293 : vector<16xf32>
      %mul3A_307 = arith.mulf %convert_element_type3A, %sub3A_306 : vector<16xf32>
      %add3A_308 = arith.addf %add3A_305, %mul3A_307 : vector<16xf32>
      %swap3A_309 = arith.index_cast %scan3A_13 : i32 to index
      %swap3A_310 = arith.constant 176 : index
      %swap3A_311 = tpu.vector_load %arg12[%swap3A_309, %swap3A_310] {strides = array<i32>} : memref<64x768xf32, #tpu.memory_space<vmem>>, vector<16xf32>,
      tpu.vector_store %arg12[%swap3A_309, %swap3A_310], %add3A_308 {strides = array<i32>} : memref<64x768xf32, #tpu.memory_space<vmem>>, vector<16xf32>,
      %add3A_312 = arith.addf %add3A_287, %add3A_308 : vector<16xf32>
      %mul3A_313 = arith.mulf %add3A_308, %add3A_308 : vector<16xf32>
      %add3A_314 = arith.addf %add3A_289, %mul3A_313 : vector<16xf32>
      %get3A_315 = arith.constant 0 : i32
      %get3A_316 = arith.index_cast %get3A_315 : i32 to index
      %get3A_317 = arith.constant 192 : index
      %get3A_318 = tpu.vector_load %arg14[%get3A_316, %get3A_317] {strides = array<i32>} : memref<2x768xf32, #tpu.memory_space<vmem>>, vector<16xf32>,
      %get3A_319 = arith.constant 1 : i32
      %get3A_320 = arith.index_cast %get3A_319 : i32 to index
      %get3A_321 = arith.constant 192 : index
      %get3A_322 = tpu.vector_load %arg14[%get3A_320, %get3A_321] {strides = array<i32>} : memref<2x768xf32, #tpu.memory_space<vmem>>, vector<16xf32>,
      %get3A_323 = arith.index_cast %scan3A_13 : i32 to index
      %get3A_324 = arith.constant 192 : index
      %get3A_325 = tpu.vector_load %arg12[%get3A_323, %get3A_324] {strides = array<i32>} : memref<64x768xf32, #tpu.memory_space<vmem>>, vector<16xf32>,
      %get3A_326 = arith.index_cast %scan3A_13 : i32 to index
      %get3A_327 = arith.constant 192 : index
      %get3A_328 = tpu.vector_load %arg13[%get3A_326, %get3A_327] {strides = array<i32>} : memref<64x768xf32, #tpu.memory_space<vmem>>, vector<16xf32>,
      %add3A_329 = arith.addf %get3A_325, %get3A_328 : vector<16xf32>
      %add3A_330 = arith.addf %add3A_329, %get3A_318 : vector<16xf32>
      %sub3A_331 = arith.subf %get3A_322, %get3A_318 : vector<16xf32>
      %mul3A_332 = arith.mulf %convert_element_type3A, %sub3A_331 : vector<16xf32>
      %add3A_333 = arith.addf %add3A_330, %mul3A_332 : vector<16xf32>
      %swap3A_334 = arith.index_cast %scan3A_13 : i32 to index
      %swap3A_335 = arith.constant 192 : index
      %swap3A_336 = tpu.vector_load %arg12[%swap3A_334, %swap3A_335] {strides = array<i32>} : memref<64x768xf32, #tpu.memory_space<vmem>>, vector<16xf32>,
      tpu.vector_store %arg12[%swap3A_334, %swap3A_335], %add3A_333 {strides = array<i32>} : memref<64x768xf32, #tpu.memory_space<vmem>>, vector<16xf32>,
      %add3A_337 = arith.addf %add3A_312, %add3A_333 : vector<16xf32>
      %mul3A_338 = arith.mulf %add3A_333, %add3A_333 : vector<16xf32>
      %add3A_339 = arith.addf %add3A_314, %mul3A_338 : vector<16xf32>
      %get3A_340 = arith.constant 0 : i32
      %get3A_341 = arith.index_cast %get3A_340 : i32 to index
      %get3A_342 = arith.constant 208 : index
      %get3A_343 = tpu.vector_load %arg14[%get3A_341, %get3A_342] {strides = array<i32>} : memref<2x768xf32, #tpu.memory_space<vmem>>, vector<16xf32>,
      %get3A_344 = arith.constant 1 : i32
      %get3A_345 = arith.index_cast %get3A_344 : i32 to index
      %get3A_346 = arith.constant 208 : index
      %get3A_347 = tpu.vector_load %arg14[%get3A_345, %get3A_346] {strides = array<i32>} : memref<2x768xf32, #tpu.memory_space<vmem>>, vector<16xf32>,
      %get3A_348 = arith.index_cast %scan3A_13 : i32 to index
      %get3A_349 = arith.constant 208 : index
      %get3A_350 = tpu.vector_load %arg12[%get3A_348, %get3A_349] {strides = array<i32>} : memref<64x768xf32, #tpu.memory_space<vmem>>, vector<16xf32>,
      %get3A_351 = arith.index_cast %scan3A_13 : i32 to index
      %get3A_352 = arith.constant 208 : index
      %get3A_353 = tpu.vector_load %arg13[%get3A_351, %get3A_352] {strides = array<i32>} : memref<64x768xf32, #tpu.memory_space<vmem>>, vector<16xf32>,
      %add3A_354 = arith.addf %get3A_350, %get3A_353 : vector<16xf32>
      %add3A_355 = arith.addf %add3A_354, %get3A_343 : vector<16xf32>
      %sub3A_356 = arith.subf %get3A_347, %get3A_343 : vector<16xf32>
      %mul3A_357 = arith.mulf %convert_element_type3A, %sub3A_356 : vector<16xf32>
      %add3A_358 = arith.addf %add3A_355, %mul3A_357 : vector<16xf32>
      %swap3A_359 = arith.index_cast %scan3A_13 : i32 to index
      %swap3A_360 = arith.constant 208 : index
      %swap3A_361 = tpu.vector_load %arg12[%swap3A_359, %swap3A_360] {strides = array<i32>} : memref<64x768xf32, #tpu.memory_space<vmem>>, vector<16xf32>,
      tpu.vector_store %arg12[%swap3A_359, %swap3A_360], %add3A_358 {strides = array<i32>} : memref<64x768xf32, #tpu.memory_space<vmem>>, vector<16xf32>,
      %add3A_362 = arith.addf %add3A_337, %add3A_358 : vector<16xf32>
      %mul3A_363 = arith.mulf %add3A_358, %add3A_358 : vector<16xf32>
      %add3A_364 = arith.addf %add3A_339, %mul3A_363 : vector<16xf32>
      %get3A_365 = arith.constant 0 : i32
      %get3A_366 = arith.index_cast %get3A_365 : i32 to index
      %get3A_367 = arith.constant 224 : index
      %get3A_368 = tpu.vector_load %arg14[%get3A_366, %get3A_367] {strides = array<i32>} : memref<2x768xf32, #tpu.memory_space<vmem>>, vector<16xf32>,
      %get3A_369 = arith.constant 1 : i32
      %get3A_370 = arith.index_cast %get3A_369 : i32 to index
      %get3A_371 = arith.constant 224 : index
      %get3A_372 = tpu.vector_load %arg14[%get3A_370, %get3A_371] {strides = array<i32>} : memref<2x768xf32, #tpu.memory_space<vmem>>, vector<16xf32>,
      %get3A_373 = arith.index_cast %scan3A_13 : i32 to index
      %get3A_374 = arith.constant 224 : index
      %get3A_375 = tpu.vector_load %arg12[%get3A_373, %get3A_374] {strides = array<i32>} : memref<64x768xf32, #tpu.memory_space<vmem>>, vector<16xf32>,
      %get3A_376 = arith.index_cast %scan3A_13 : i32 to index
      %get3A_377 = arith.constant 224 : index
      %get3A_378 = tpu.vector_load %arg13[%get3A_376, %get3A_377] {strides = array<i32>} : memref<64x768xf32, #tpu.memory_space<vmem>>, vector<16xf32>,
      %add3A_379 = arith.addf %get3A_375, %get3A_378 : vector<16xf32>
      %add3A_380 = arith.addf %add3A_379, %get3A_368 : vector<16xf32>
      %sub3A_381 = arith.subf %get3A_372, %get3A_368 : vector<16xf32>
      %mul3A_382 = arith.mulf %convert_element_type3A, %sub3A_381 : vector<16xf32>
      %add3A_383 = arith.addf %add3A_380, %mul3A_382 : vector<16xf32>
      %swap3A_384 = arith.index_cast %scan3A_13 : i32 to index
      %swap3A_385 = arith.constant 224 : index
      %swap3A_386 = tpu.vector_load %arg12[%swap3A_384, %swap3A_385] {strides = array<i32>} : memref<64x768xf32, #tpu.memory_space<vmem>>, vector<16xf32>,
      tpu.vector_store %arg12[%swap3A_384, %swap3A_385], %add3A_383 {strides = array<i32>} : memref<64x768xf32, #tpu.memory_space<vmem>>, vector<16xf32>,
      %add3A_387 = arith.addf %add3A_362, %add3A_383 : vector<16xf32>
      %mul3A_388 = arith.mulf %add3A_383, %add3A_383 : vector<16xf32>
      %add3A_389 = arith.addf %add3A_364, %mul3A_388 : vector<16xf32>
      %get3A_390 = arith.constant 0 : i32
      %get3A_391 = arith.index_cast %get3A_390 : i32 to index
      %get3A_392 = arith.constant 240 : index
      %get3A_393 = tpu.vector_load %arg14[%get3A_391, %get3A_392] {strides = array<i32>} : memref<2x768xf32, #tpu.memory_space<vmem>>, vector<16xf32>,
      %get3A_394 = arith.constant 1 : i32
      %get3A_395 = arith.index_cast %get3A_394 : i32 to index
      %get3A_396 = arith.constant 240 : index
      %get3A_397 = tpu.vector_load %arg14[%get3A_395, %get3A_396] {strides = array<i32>} : memref<2x768xf32, #tpu.memory_space<vmem>>, vector<16xf32>,
      %get3A_398 = arith.index_cast %scan3A_13 : i32 to index
      %get3A_399 = arith.constant 240 : index
      %get3A_400 = tpu.vector_load %arg12[%get3A_398, %get3A_399] {strides = array<i32>} : memref<64x768xf32, #tpu.memory_space<vmem>>, vector<16xf32>,
      %get3A_401 = arith.index_cast %scan3A_13 : i32 to index
      %get3A_402 = arith.constant 240 : index
      %get3A_403 = tpu.vector_load %arg13[%get3A_401, %get3A_402] {strides = array<i32>} : memref<64x768xf32, #tpu.memory_space<vmem>>, vector<16xf32>,
      %add3A_404 = arith.addf %get3A_400, %get3A_403 : vector<16xf32>
      %add3A_405 = arith.addf %add3A_404, %get3A_393 : vector<16xf32>
      %sub3A_406 = arith.subf %get3A_397, %get3A_393 : vector<16xf32>
      %mul3A_407 = arith.mulf %convert_element_type3A, %sub3A_406 : vector<16xf32>
      %add3A_408 = arith.addf %add3A_405, %mul3A_407 : vector<16xf32>
      %swap3A_409 = arith.index_cast %scan3A_13 : i32 to index
      %swap3A_410 = arith.constant 240 : index
      %swap3A_411 = tpu.vector_load %arg12[%swap3A_409, %swap3A_410] {strides = array<i32>} : memref<64x768xf32, #tpu.memory_space<vmem>>, vector<16xf32>,
      tpu.vector_store %arg12[%swap3A_409, %swap3A_410], %add3A_408 {strides = array<i32>} : memref<64x768xf32, #tpu.memory_space<vmem>>, vector<16xf32>,
      %add3A_412 = arith.addf %add3A_387, %add3A_408 : vector<16xf32>
      %mul3A_413 = arith.mulf %add3A_408, %add3A_408 : vector<16xf32>
      %add3A_414 = arith.addf %add3A_389, %mul3A_413 : vector<16xf32>
      %get3A_415 = arith.constant 0 : i32
      %get3A_416 = arith.index_cast %get3A_415 : i32 to index
      %get3A_417 = arith.constant 256 : index
      %get3A_418 = tpu.vector_load %arg14[%get3A_416, %get3A_417] {strides = array<i32>} : memref<2x768xf32, #tpu.memory_space<vmem>>, vector<16xf32>,
      %get3A_419 = arith.constant 1 : i32
      %get3A_420 = arith.index_cast %get3A_419 : i32 to index
      %get3A_421 = arith.constant 256 : index
      %get3A_422 = tpu.vector_load %arg14[%get3A_420, %get3A_421] {strides = array<i32>} : memref<2x768xf32, #tpu.memory_space<vmem>>, vector<16xf32>,
      %get3A_423 = arith.index_cast %scan3A_13 : i32 to index
      %get3A_424 = arith.constant 256 : index
      %get3A_425 = tpu.vector_load %arg12[%get3A_423, %get3A_424] {strides = array<i32>} : memref<64x768xf32, #tpu.memory_space<vmem>>, vector<16xf32>,
      %get3A_426 = arith.index_cast %scan3A_13 : i32 to index
      %get3A_427 = arith.constant 256 : index
      %get3A_428 = tpu.vector_load %arg13[%get3A_426, %get3A_427] {strides = array<i32>} : memref<64x768xf32, #tpu.memory_space<vmem>>, vector<16xf32>,
      %add3A_429 = arith.addf %get3A_425, %get3A_428 : vector<16xf32>
      %add3A_430 = arith.addf %add3A_429, %get3A_418 : vector<16xf32>
      %sub3A_431 = arith.subf %get3A_422, %get3A_418 : vector<16xf32>
      %mul3A_432 = arith.mulf %convert_element_type3A, %sub3A_431 : vector<16xf32>
      %add3A_433 = arith.addf %add3A_430, %mul3A_432 : vector<16xf32>
      %swap3A_434 = arith.index_cast %scan3A_13 : i32 to index
      %swap3A_435 = arith.constant 256 : index
      %swap3A_436 = tpu.vector_load %arg12[%swap3A_434, %swap3A_435] {strides = array<i32>} : memref<64x768xf32, #tpu.memory_space<vmem>>, vector<16xf32>,
      tpu.vector_store %arg12[%swap3A_434, %swap3A_435], %add3A_433 {strides = array<i32>} : memref<64x768xf32, #tpu.memory_space<vmem>>, vector<16xf32>,
      %add3A_437 = arith.addf %add3A_412, %add3A_433 : vector<16xf32>
      %mul3A_438 = arith.mulf %add3A_433, %add3A_433 : vector<16xf32>
      %add3A_439 = arith.addf %add3A_414, %mul3A_438 : vector<16xf32>
      %get3A_440 = arith.constant 0 : i32
      %get3A_441 = arith.index_cast %get3A_440 : i32 to index
      %get3A_442 = arith.constant 272 : index
      %get3A_443 = tpu.vector_load %arg14[%get3A_441, %get3A_442] {strides = array<i32>} : memref<2x768xf32, #tpu.memory_space<vmem>>, vector<16xf32>,
      %get3A_444 = arith.constant 1 : i32
      %get3A_445 = arith.index_cast %get3A_444 : i32 to index
      %get3A_446 = arith.constant 272 : index
      %get3A_447 = tpu.vector_load %arg14[%get3A_445, %get3A_446] {strides = array<i32>} : memref<2x768xf32, #tpu.memory_space<vmem>>, vector<16xf32>,
      %get3A_448 = arith.index_cast %scan3A_13 : i32 to index
      %get3A_449 = arith.constant 272 : index
      %get3A_450 = tpu.vector_load %arg12[%get3A_448, %get3A_449] {strides = array<i32>} : memref<64x768xf32, #tpu.memory_space<vmem>>, vector<16xf32>,
      %get3A_451 = arith.index_cast %scan3A_13 : i32 to index
      %get3A_452 = arith.constant 272 : index
      %get3A_453 = tpu.vector_load %arg13[%get3A_451, %get3A_452] {strides = array<i32>} : memref<64x768xf32, #tpu.memory_space<vmem>>, vector<16xf32>,
      %add3A_454 = arith.addf %get3A_450, %get3A_453 : vector<16xf32>
      %add3A_455 = arith.addf %add3A_454, %get3A_443 : vector<16xf32>
      %sub3A_456 = arith.subf %get3A_447, %get3A_443 : vector<16xf32>
      %mul3A_457 = arith.mulf %convert_element_type3A, %sub3A_456 : vector<16xf32>
      %add3A_458 = arith.addf %add3A_455, %mul3A_457 : vector<16xf32>
      %swap3A_459 = arith.index_cast %scan3A_13 : i32 to index
      %swap3A_460 = arith.constant 272 : index
      %swap3A_461 = tpu.vector_load %arg12[%swap3A_459, %swap3A_460] {strides = array<i32>} : memref<64x768xf32, #tpu.memory_space<vmem>>, vector<16xf32>,
      tpu.vector_store %arg12[%swap3A_459, %swap3A_460], %add3A_458 {strides = array<i32>} : memref<64x768xf32, #tpu.memory_space<vmem>>, vector<16xf32>,
      %add3A_462 = arith.addf %add3A_437, %add3A_458 : vector<16xf32>
      %mul3A_463 = arith.mulf %add3A_458, %add3A_458 : vector<16xf32>
      %add3A_464 = arith.addf %add3A_439, %mul3A_463 : vector<16xf32>
      %get3A_465 = arith.constant 0 : i32
      %get3A_466 = arith.index_cast %get3A_465 : i32 to index
      %get3A_467 = arith.constant 288 : index
      %get3A_468 = tpu.vector_load %arg14[%get3A_466, %get3A_467] {strides = array<i32>} : memref<2x768xf32, #tpu.memory_space<vmem>>, vector<16xf32>,
      %get3A_469 = arith.constant 1 : i32
      %get3A_470 = arith.index_cast %get3A_469 : i32 to index
      %get3A_471 = arith.constant 288 : index
      %get3A_472 = tpu.vector_load %arg14[%get3A_470, %get3A_471] {strides = array<i32>} : memref<2x768xf32, #tpu.memory_space<vmem>>, vector<16xf32>,
      %get3A_473 = arith.index_cast %scan3A_13 : i32 to index
      %get3A_474 = arith.constant 288 : index
      %get3A_475 = tpu.vector_load %arg12[%get3A_473, %get3A_474] {strides = array<i32>} : memref<64x768xf32, #tpu.memory_space<vmem>>, vector<16xf32>,
      %get3A_476 = arith.index_cast %scan3A_13 : i32 to index
      %get3A_477 = arith.constant 288 : index
      %get3A_478 = tpu.vector_load %arg13[%get3A_476, %get3A_477] {strides = array<i32>} : memref<64x768xf32, #tpu.memory_space<vmem>>, vector<16xf32>,
      %add3A_479 = arith.addf %get3A_475, %get3A_478 : vector<16xf32>
      %add3A_480 = arith.addf %add3A_479, %get3A_468 : vector<16xf32>
      %sub3A_481 = arith.subf %get3A_472, %get3A_468 : vector<16xf32>
      %mul3A_482 = arith.mulf %convert_element_type3A, %sub3A_481 : vector<16xf32>
      %add3A_483 = arith.addf %add3A_480, %mul3A_482 : vector<16xf32>
      %swap3A_484 = arith.index_cast %scan3A_13 : i32 to index
      %swap3A_485 = arith.constant 288 : index
      %swap3A_486 = tpu.vector_load %arg12[%swap3A_484, %swap3A_485] {strides = array<i32>} : memref<64x768xf32, #tpu.memory_space<vmem>>, vector<16xf32>,
      tpu.vector_store %arg12[%swap3A_484, %swap3A_485], %add3A_483 {strides = array<i32>} : memref<64x768xf32, #tpu.memory_space<vmem>>, vector<16xf32>,
      %add3A_487 = arith.addf %add3A_462, %add3A_483 : vector<16xf32>
      %mul3A_488 = arith.mulf %add3A_483, %add3A_483 : vector<16xf32>
      %add3A_489 = arith.addf %add3A_464, %mul3A_488 : vector<16xf32>
      %get3A_490 = arith.constant 0 : i32
      %get3A_491 = arith.index_cast %get3A_490 : i32 to index
      %get3A_492 = arith.constant 304 : index
      %get3A_493 = tpu.vector_load %arg14[%get3A_491, %get3A_492] {strides = array<i32>} : memref<2x768xf32, #tpu.memory_space<vmem>>, vector<16xf32>,
      %get3A_494 = arith.constant 1 : i32
      %get3A_495 = arith.index_cast %get3A_494 : i32 to index
      %get3A_496 = arith.constant 304 : index
      %get3A_497 = tpu.vector_load %arg14[%get3A_495, %get3A_496] {strides = array<i32>} : memref<2x768xf32, #tpu.memory_space<vmem>>, vector<16xf32>,
      %get3A_498 = arith.index_cast %scan3A_13 : i32 to index
      %get3A_499 = arith.constant 304 : index
      %get3A_500 = tpu.vector_load %arg12[%get3A_498, %get3A_499] {strides = array<i32>} : memref<64x768xf32, #tpu.memory_space<vmem>>, vector<16xf32>,
      %get3A_501 = arith.index_cast %scan3A_13 : i32 to index
      %get3A_502 = arith.constant 304 : index
      %get3A_503 = tpu.vector_load %arg13[%get3A_501, %get3A_502] {strides = array<i32>} : memref<64x768xf32, #tpu.memory_space<vmem>>, vector<16xf32>,
      %add3A_504 = arith.addf %get3A_500, %get3A_503 : vector<16xf32>
      %add3A_505 = arith.addf %add3A_504, %get3A_493 : vector<16xf32>
      %sub3A_506 = arith.subf %get3A_497, %get3A_493 : vector<16xf32>
      %mul3A_507 = arith.mulf %convert_element_type3A, %sub3A_506 : vector<16xf32>
      %add3A_508 = arith.addf %add3A_505, %mul3A_507 : vector<16xf32>
      %swap3A_509 = arith.index_cast %scan3A_13 : i32 to index
      %swap3A_510 = arith.constant 304 : index
      %swap3A_511 = tpu.vector_load %arg12[%swap3A_509, %swap3A_510] {strides = array<i32>} : memref<64x768xf32, #tpu.memory_space<vmem>>, vector<16xf32>,
      tpu.vector_store %arg12[%swap3A_509, %swap3A_510], %add3A_508 {strides = array<i32>} : memref<64x768xf32, #tpu.memory_space<vmem>>, vector<16xf32>,
      %add3A_512 = arith.addf %add3A_487, %add3A_508 : vector<16xf32>
      %mul3A_513 = arith.mulf %add3A_508, %add3A_508 : vector<16xf32>
      %add3A_514 = arith.addf %add3A_489, %mul3A_513 : vector<16xf32>
      %get3A_515 = arith.constant 0 : i32
      %get3A_516 = arith.index_cast %get3A_515 : i32 to index
      %get3A_517 = arith.constant 320 : index
      %get3A_518 = tpu.vector_load %arg14[%get3A_516, %get3A_517] {strides = array<i32>} : memref<2x768xf32, #tpu.memory_space<vmem>>, vector<16xf32>,
      %get3A_519 = arith.constant 1 : i32
      %get3A_520 = arith.index_cast %get3A_519 : i32 to index
      %get3A_521 = arith.constant 320 : index
      %get3A_522 = tpu.vector_load %arg14[%get3A_520, %get3A_521] {strides = array<i32>} : memref<2x768xf32, #tpu.memory_space<vmem>>, vector<16xf32>,
      %get3A_523 = arith.index_cast %scan3A_13 : i32 to index
      %get3A_524 = arith.constant 320 : index
      %get3A_525 = tpu.vector_load %arg12[%get3A_523, %get3A_524] {strides = array<i32>} : memref<64x768xf32, #tpu.memory_space<vmem>>, vector<16xf32>,
      %get3A_526 = arith.index_cast %scan3A_13 : i32 to index
      %get3A_527 = arith.constant 320 : index
      %get3A_528 = tpu.vector_load %arg13[%get3A_526, %get3A_527] {strides = array<i32>} : memref<64x768xf32, #tpu.memory_space<vmem>>, vector<16xf32>,
      %add3A_529 = arith.addf %get3A_525, %get3A_528 : vector<16xf32>
      %add3A_530 = arith.addf %add3A_529, %get3A_518 : vector<16xf32>
      %sub3A_531 = arith.subf %get3A_522, %get3A_518 : vector<16xf32>
      %mul3A_532 = arith.mulf %convert_element_type3A, %sub3A_531 : vector<16xf32>
      %add3A_533 = arith.addf %add3A_530, %mul3A_532 : vector<16xf32>
      %swap3A_534 = arith.index_cast %scan3A_13 : i32 to index
      %swap3A_535 = arith.constant 320 : index
      %swap3A_536 = tpu.vector_load %arg12[%swap3A_534, %swap3A_535] {strides = array<i32>} : memref<64x768xf32, #tpu.memory_space<vmem>>, vector<16xf32>,
      tpu.vector_store %arg12[%swap3A_534, %swap3A_535], %add3A_533 {strides = array<i32>} : memref<64x768xf32, #tpu.memory_space<vmem>>, vector<16xf32>,
      %add3A_537 = arith.addf %add3A_512, %add3A_533 : vector<16xf32>
      %mul3A_538 = arith.mulf %add3A_533, %add3A_533 : vector<16xf32>
      %add3A_539 = arith.addf %add3A_514, %mul3A_538 : vector<16xf32>
      %get3A_540 = arith.constant 0 : i32
      %get3A_541 = arith.index_cast %get3A_540 : i32 to index
      %get3A_542 = arith.constant 336 : index
      %get3A_543 = tpu.vector_load %arg14[%get3A_541, %get3A_542] {strides = array<i32>} : memref<2x768xf32, #tpu.memory_space<vmem>>, vector<16xf32>,
      %get3A_544 = arith.constant 1 : i32
      %get3A_545 = arith.index_cast %get3A_544 : i32 to index
      %get3A_546 = arith.constant 336 : index
      %get3A_547 = tpu.vector_load %arg14[%get3A_545, %get3A_546] {strides = array<i32>} : memref<2x768xf32, #tpu.memory_space<vmem>>, vector<16xf32>,
      %get3A_548 = arith.index_cast %scan3A_13 : i32 to index
      %get3A_549 = arith.constant 336 : index
      %get3A_550 = tpu.vector_load %arg12[%get3A_548, %get3A_549] {strides = array<i32>} : memref<64x768xf32, #tpu.memory_space<vmem>>, vector<16xf32>,
      %get3A_551 = arith.index_cast %scan3A_13 : i32 to index
      %get3A_552 = arith.constant 336 : index
      %get3A_553 = tpu.vector_load %arg13[%get3A_551, %get3A_552] {strides = array<i32>} : memref<64x768xf32, #tpu.memory_space<vmem>>, vector<16xf32>,
      %add3A_554 = arith.addf %get3A_550, %get3A_553 : vector<16xf32>
      %add3A_555 = arith.addf %add3A_554, %get3A_543 : vector<16xf32>
      %sub3A_556 = arith.subf %get3A_547, %get3A_543 : vector<16xf32>
      %mul3A_557 = arith.mulf %convert_element_type3A, %sub3A_556 : vector<16xf32>
      %add3A_558 = arith.addf %add3A_555, %mul3A_557 : vector<16xf32>
      %swap3A_559 = arith.index_cast %scan3A_13 : i32 to index
      %swap3A_560 = arith.constant 336 : index
      %swap3A_561 = tpu.vector_load %arg12[%swap3A_559, %swap3A_560] {strides = array<i32>} : memref<64x768xf32, #tpu.memory_space<vmem>>, vector<16xf32>,
      tpu.vector_store %arg12[%swap3A_559, %swap3A_560], %add3A_558 {strides = array<i32>} : memref<64x768xf32, #tpu.memory_space<vmem>>, vector<16xf32>,
      %add3A_562 = arith.addf %add3A_537, %add3A_558 : vector<16xf32>
      %mul3A_563 = arith.mulf %add3A_558, %add3A_558 : vector<16xf32>
      %add3A_564 = arith.addf %add3A_539, %mul3A_563 : vector<16xf32>
      %get3A_565 = arith.constant 0 : i32
      %get3A_566 = arith.index_cast %get3A_565 : i32 to index
      %get3A_567 = arith.constant 352 : index
      %get3A_568 = tpu.vector_load %arg14[%get3A_566, %get3A_567] {strides = array<i32>} : memref<2x768xf32, #tpu.memory_space<vmem>>, vector<16xf32>,
      %get3A_569 = arith.constant 1 : i32
      %get3A_570 = arith.index_cast %get3A_569 : i32 to index
      %get3A_571 = arith.constant 352 : index
      %get3A_572 = tpu.vector_load %arg14[%get3A_570, %get3A_571] {strides = array<i32>} : memref<2x768xf32, #tpu.memory_space<vmem>>, vector<16xf32>,
      %get3A_573 = arith.index_cast %scan3A_13 : i32 to index
      %get3A_574 = arith.constant 352 : index
      %get3A_575 = tpu.vector_load %arg12[%get3A_573, %get3A_574] {strides = array<i32>} : memref<64x768xf32, #tpu.memory_space<vmem>>, vector<16xf32>,
      %get3A_576 = arith.index_cast %scan3A_13 : i32 to index
      %get3A_577 = arith.constant 352 : index
      %get3A_578 = tpu.vector_load %arg13[%get3A_576, %get3A_577] {strides = array<i32>} : memref<64x768xf32, #tpu.memory_space<vmem>>, vector<16xf32>,
      %add3A_579 = arith.addf %get3A_575, %get3A_578 : vector<16xf32>
      %add3A_580 = arith.addf %add3A_579, %get3A_568 : vector<16xf32>
      %sub3A_581 = arith.subf %get3A_572, %get3A_568 : vector<16xf32>
      %mul3A_582 = arith.mulf %convert_element_type3A, %sub3A_581 : vector<16xf32>
      %add3A_583 = arith.addf %add3A_580, %mul3A_582 : vector<16xf32>
      %swap3A_584 = arith.index_cast %scan3A_13 : i32 to index
      %swap3A_585 = arith.constant 352 : index
      %swap3A_586 = tpu.vector_load %arg12[%swap3A_584, %swap3A_585] {strides = array<i32>} : memref<64x768xf32, #tpu.memory_space<vmem>>, vector<16xf32>,
      tpu.vector_store %arg12[%swap3A_584, %swap3A_585], %add3A_583 {strides = array<i32>} : memref<64x768xf32, #tpu.memory_space<vmem>>, vector<16xf32>,
      %add3A_587 = arith.addf %add3A_562, %add3A_583 : vector<16xf32>
      %mul3A_588 = arith.mulf %add3A_583, %add3A_583 : vector<16xf32>
      %add3A_589 = arith.addf %add3A_564, %mul3A_588 : vector<16xf32>
      %get3A_590 = arith.constant 0 : i32
      %get3A_591 = arith.index_cast %get3A_590 : i32 to index
      %get3A_592 = arith.constant 368 : index
      %get3A_593 = tpu.vector_load %arg14[%get3A_591, %get3A_592] {strides = array<i32>} : memref<2x768xf32, #tpu.memory_space<vmem>>, vector<16xf32>,
      %get3A_594 = arith.constant 1 : i32
      %get3A_595 = arith.index_cast %get3A_594 : i32 to index
      %get3A_596 = arith.constant 368 : index
      %get3A_597 = tpu.vector_load %arg14[%get3A_595, %get3A_596] {strides = array<i32>} : memref<2x768xf32, #tpu.memory_space<vmem>>, vector<16xf32>,
      %get3A_598 = arith.index_cast %scan3A_13 : i32 to index
      %get3A_599 = arith.constant 368 : index
      %get3A_600 = tpu.vector_load %arg12[%get3A_598, %get3A_599] {strides = array<i32>} : memref<64x768xf32, #tpu.memory_space<vmem>>, vector<16xf32>,
      %get3A_601 = arith.index_cast %scan3A_13 : i32 to index
      %get3A_602 = arith.constant 368 : index
      %get3A_603 = tpu.vector_load %arg13[%get3A_601, %get3A_602] {strides = array<i32>} : memref<64x768xf32, #tpu.memory_space<vmem>>, vector<16xf32>,
      %add3A_604 = arith.addf %get3A_600, %get3A_603 : vector<16xf32>
      %add3A_605 = arith.addf %add3A_604, %get3A_593 : vector<16xf32>
      %sub3A_606 = arith.subf %get3A_597, %get3A_593 : vector<16xf32>
      %mul3A_607 = arith.mulf %convert_element_type3A, %sub3A_606 : vector<16xf32>
      %add3A_608 = arith.addf %add3A_605, %mul3A_607 : vector<16xf32>
      %swap3A_609 = arith.index_cast %scan3A_13 : i32 to index
      %swap3A_610 = arith.constant 368 : index
      %swap3A_611 = tpu.vector_load %arg12[%swap3A_609, %swap3A_610] {strides = array<i32>} : memref<64x768xf32, #tpu.memory_space<vmem>>, vector<16xf32>,
      tpu.vector_store %arg12[%swap3A_609, %swap3A_610], %add3A_608 {strides = array<i32>} : memref<64x768xf32, #tpu.memory_space<vmem>>, vector<16xf32>,
      %add3A_612 = arith.addf %add3A_587, %add3A_608 : vector<16xf32>
      %mul3A_613 = arith.mulf %add3A_608, %add3A_608 : vector<16xf32>
      %add3A_614 = arith.addf %add3A_589, %mul3A_613 : vector<16xf32>
      %get3A_615 = arith.constant 0 : i32
      %get3A_616 = arith.index_cast %get3A_615 : i32 to index
      %get3A_617 = arith.constant 384 : index
      %get3A_618 = tpu.vector_load %arg14[%get3A_616, %get3A_617] {strides = array<i32>} : memref<2x768xf32, #tpu.memory_space<vmem>>, vector<16xf32>,
      %get3A_619 = arith.constant 1 : i32
      %get3A_620 = arith.index_cast %get3A_619 : i32 to index
      %get3A_621 = arith.constant 384 : index
      %get3A_622 = tpu.vector_load %arg14[%get3A_620, %get3A_621] {strides = array<i32>} : memref<2x768xf32, #tpu.memory_space<vmem>>, vector<16xf32>,
      %get3A_623 = arith.index_cast %scan3A_13 : i32 to index
      %get3A_624 = arith.constant 384 : index
      %get3A_625 = tpu.vector_load %arg12[%get3A_623, %get3A_624] {strides = array<i32>} : memref<64x768xf32, #tpu.memory_space<vmem>>, vector<16xf32>,
      %get3A_626 = arith.index_cast %scan3A_13 : i32 to index
      %get3A_627 = arith.constant 384 : index
      %get3A_628 = tpu.vector_load %arg13[%get3A_626, %get3A_627] {strides = array<i32>} : memref<64x768xf32, #tpu.memory_space<vmem>>, vector<16xf32>,
      %add3A_629 = arith.addf %get3A_625, %get3A_628 : vector<16xf32>
      %add3A_630 = arith.addf %add3A_629, %get3A_618 : vector<16xf32>
      %sub3A_631 = arith.subf %get3A_622, %get3A_618 : vector<16xf32>
      %mul3A_632 = arith.mulf %convert_element_type3A, %sub3A_631 : vector<16xf32>
      %add3A_633 = arith.addf %add3A_630, %mul3A_632 : vector<16xf32>
      %swap3A_634 = arith.index_cast %scan3A_13 : i32 to index
      %swap3A_635 = arith.constant 384 : index
      %swap3A_636 = tpu.vector_load %arg12[%swap3A_634, %swap3A_635] {strides = array<i32>} : memref<64x768xf32, #tpu.memory_space<vmem>>, vector<16xf32>,
      tpu.vector_store %arg12[%swap3A_634, %swap3A_635], %add3A_633 {strides = array<i32>} : memref<64x768xf32, #tpu.memory_space<vmem>>, vector<16xf32>,
      %add3A_637 = arith.addf %add3A_612, %add3A_633 : vector<16xf32>
      %mul3A_638 = arith.mulf %add3A_633, %add3A_633 : vector<16xf32>
      %add3A_639 = arith.addf %add3A_614, %mul3A_638 : vector<16xf32>
      %get3A_640 = arith.constant 0 : i32
      %get3A_641 = arith.index_cast %get3A_640 : i32 to index
      %get3A_642 = arith.constant 400 : index
      %get3A_643 = tpu.vector_load %arg14[%get3A_641, %get3A_642] {strides = array<i32>} : memref<2x768xf32, #tpu.memory_space<vmem>>, vector<16xf32>,
      %get3A_644 = arith.constant 1 : i32
      %get3A_645 = arith.index_cast %get3A_644 : i32 to index
      %get3A_646 = arith.constant 400 : index
      %get3A_647 = tpu.vector_load %arg14[%get3A_645, %get3A_646] {strides = array<i32>} : memref<2x768xf32, #tpu.memory_space<vmem>>, vector<16xf32>,
      %get3A_648 = arith.index_cast %scan3A_13 : i32 to index
      %get3A_649 = arith.constant 400 : index
      %get3A_650 = tpu.vector_load %arg12[%get3A_648, %get3A_649] {strides = array<i32>} : memref<64x768xf32, #tpu.memory_space<vmem>>, vector<16xf32>,
      %get3A_651 = arith.index_cast %scan3A_13 : i32 to index
      %get3A_652 = arith.constant 400 : index
      %get3A_653 = tpu.vector_load %arg13[%get3A_651, %get3A_652] {strides = array<i32>} : memref<64x768xf32, #tpu.memory_space<vmem>>, vector<16xf32>,
      %add3A_654 = arith.addf %get3A_650, %get3A_653 : vector<16xf32>
      %add3A_655 = arith.addf %add3A_654, %get3A_643 : vector<16xf32>
      %sub3A_656 = arith.subf %get3A_647, %get3A_643 : vector<16xf32>
      %mul3A_657 = arith.mulf %convert_element_type3A, %sub3A_656 : vector<16xf32>
      %add3A_658 = arith.addf %add3A_655, %mul3A_657 : vector<16xf32>
      %swap3A_659 = arith.index_cast %scan3A_13 : i32 to index
      %swap3A_660 = arith.constant 400 : index
      %swap3A_661 = tpu.vector_load %arg12[%swap3A_659, %swap3A_660] {strides = array<i32>} : memref<64x768xf32, #tpu.memory_space<vmem>>, vector<16xf32>,
      tpu.vector_store %arg12[%swap3A_659, %swap3A_660], %add3A_658 {strides = array<i32>} : memref<64x768xf32, #tpu.memory_space<vmem>>, vector<16xf32>,
      %add3A_662 = arith.addf %add3A_637, %add3A_658 : vector<16xf32>
      %mul3A_663 = arith.mulf %add3A_658, %add3A_658 : vector<16xf32>
      %add3A_664 = arith.addf %add3A_639, %mul3A_663 : vector<16xf32>
      %get3A_665 = arith.constant 0 : i32
      %get3A_666 = arith.index_cast %get3A_665 : i32 to index
      %get3A_667 = arith.constant 416 : index
      %get3A_668 = tpu.vector_load %arg14[%get3A_666, %get3A_667] {strides = array<i32>} : memref<2x768xf32, #tpu.memory_space<vmem>>, vector<16xf32>,
      %get3A_669 = arith.constant 1 : i32
      %get3A_670 = arith.index_cast %get3A_669 : i32 to index
      %get3A_671 = arith.constant 416 : index
      %get3A_672 = tpu.vector_load %arg14[%get3A_670, %get3A_671] {strides = array<i32>} : memref<2x768xf32, #tpu.memory_space<vmem>>, vector<16xf32>,
      %get3A_673 = arith.index_cast %scan3A_13 : i32 to index
      %get3A_674 = arith.constant 416 : index
      %get3A_675 = tpu.vector_load %arg12[%get3A_673, %get3A_674] {strides = array<i32>} : memref<64x768xf32, #tpu.memory_space<vmem>>, vector<16xf32>,
      %get3A_676 = arith.index_cast %scan3A_13 : i32 to index
      %get3A_677 = arith.constant 416 : index
      %get3A_678 = tpu.vector_load %arg13[%get3A_676, %get3A_677] {strides = array<i32>} : memref<64x768xf32, #tpu.memory_space<vmem>>, vector<16xf32>,
      %add3A_679 = arith.addf %get3A_675, %get3A_678 : vector<16xf32>
      %add3A_680 = arith.addf %add3A_679, %get3A_668 : vector<16xf32>
      %sub3A_681 = arith.subf %get3A_672, %get3A_668 : vector<16xf32>
      %mul3A_682 = arith.mulf %convert_element_type3A, %sub3A_681 : vector<16xf32>
      %add3A_683 = arith.addf %add3A_680, %mul3A_682 : vector<16xf32>
      %swap3A_684 = arith.index_cast %scan3A_13 : i32 to index
      %swap3A_685 = arith.constant 416 : index
      %swap3A_686 = tpu.vector_load %arg12[%swap3A_684, %swap3A_685] {strides = array<i32>} : memref<64x768xf32, #tpu.memory_space<vmem>>, vector<16xf32>,
      tpu.vector_store %arg12[%swap3A_684, %swap3A_685], %add3A_683 {strides = array<i32>} : memref<64x768xf32, #tpu.memory_space<vmem>>, vector<16xf32>,
      %add3A_687 = arith.addf %add3A_662, %add3A_683 : vector<16xf32>
      %mul3A_688 = arith.mulf %add3A_683, %add3A_683 : vector<16xf32>
      %add3A_689 = arith.addf %add3A_664, %mul3A_688 : vector<16xf32>
      %get3A_690 = arith.constant 0 : i32
      %get3A_691 = arith.index_cast %get3A_690 : i32 to index
      %get3A_692 = arith.constant 432 : index
      %get3A_693 = tpu.vector_load %arg14[%get3A_691, %get3A_692] {strides = array<i32>} : memref<2x768xf32, #tpu.memory_space<vmem>>, vector<16xf32>,
      %get3A_694 = arith.constant 1 : i32
      %get3A_695 = arith.index_cast %get3A_694 : i32 to index
      %get3A_696 = arith.constant 432 : index
      %get3A_697 = tpu.vector_load %arg14[%get3A_695, %get3A_696] {strides = array<i32>} : memref<2x768xf32, #tpu.memory_space<vmem>>, vector<16xf32>,
      %get3A_698 = arith.index_cast %scan3A_13 : i32 to index
      %get3A_699 = arith.constant 432 : index
      %get3A_700 = tpu.vector_load %arg12[%get3A_698, %get3A_699] {strides = array<i32>} : memref<64x768xf32, #tpu.memory_space<vmem>>, vector<16xf32>,
      %get3A_701 = arith.index_cast %scan3A_13 : i32 to index
      %get3A_702 = arith.constant 432 : index
      %get3A_703 = tpu.vector_load %arg13[%get3A_701, %get3A_702] {strides = array<i32>} : memref<64x768xf32, #tpu.memory_space<vmem>>, vector<16xf32>,
      %add3A_704 = arith.addf %get3A_700, %get3A_703 : vector<16xf32>
      %add3A_705 = arith.addf %add3A_704, %get3A_693 : vector<16xf32>
      %sub3A_706 = arith.subf %get3A_697, %get3A_693 : vector<16xf32>
      %mul3A_707 = arith.mulf %convert_element_type3A, %sub3A_706 : vector<16xf32>
      %add3A_708 = arith.addf %add3A_705, %mul3A_707 : vector<16xf32>
      %swap3A_709 = arith.index_cast %scan3A_13 : i32 to index
      %swap3A_710 = arith.constant 432 : index
      %swap3A_711 = tpu.vector_load %arg12[%swap3A_709, %swap3A_710] {strides = array<i32>} : memref<64x768xf32, #tpu.memory_space<vmem>>, vector<16xf32>,
      tpu.vector_store %arg12[%swap3A_709, %swap3A_710], %add3A_708 {strides = array<i32>} : memref<64x768xf32, #tpu.memory_space<vmem>>, vector<16xf32>,
      %add3A_712 = arith.addf %add3A_687, %add3A_708 : vector<16xf32>
      %mul3A_713 = arith.mulf %add3A_708, %add3A_708 : vector<16xf32>
      %add3A_714 = arith.addf %add3A_689, %mul3A_713 : vector<16xf32>
      %get3A_715 = arith.constant 0 : i32
      %get3A_716 = arith.index_cast %get3A_715 : i32 to index
      %get3A_717 = arith.constant 448 : index
      %get3A_718 = tpu.vector_load %arg14[%get3A_716, %get3A_717] {strides = array<i32>} : memref<2x768xf32, #tpu.memory_space<vmem>>, vector<16xf32>,
      %get3A_719 = arith.constant 1 : i32
      %get3A_720 = arith.index_cast %get3A_719 : i32 to index
      %get3A_721 = arith.constant 448 : index
      %get3A_722 = tpu.vector_load %arg14[%get3A_720, %get3A_721] {strides = array<i32>} : memref<2x768xf32, #tpu.memory_space<vmem>>, vector<16xf32>,
      %get3A_723 = arith.index_cast %scan3A_13 : i32 to index
      %get3A_724 = arith.constant 448 : index
      %get3A_725 = tpu.vector_load %arg12[%get3A_723, %get3A_724] {strides = array<i32>} : memref<64x768xf32, #tpu.memory_space<vmem>>, vector<16xf32>,
      %get3A_726 = arith.index_cast %scan3A_13 : i32 to index
      %get3A_727 = arith.constant 448 : index
      %get3A_728 = tpu.vector_load %arg13[%get3A_726, %get3A_727] {strides = array<i32>} : memref<64x768xf32, #tpu.memory_space<vmem>>, vector<16xf32>,
      %add3A_729 = arith.addf %get3A_725, %get3A_728 : vector<16xf32>
      %add3A_730 = arith.addf %add3A_729, %get3A_718 : vector<16xf32>
      %sub3A_731 = arith.subf %get3A_722, %get3A_718 : vector<16xf32>
      %mul3A_732 = arith.mulf %convert_element_type3A, %sub3A_731 : vector<16xf32>
      %add3A_733 = arith.addf %add3A_730, %mul3A_732 : vector<16xf32>
      %swap3A_734 = arith.index_cast %scan3A_13 : i32 to index
      %swap3A_735 = arith.constant 448 : index
      %swap3A_736 = tpu.vector_load %arg12[%swap3A_734, %swap3A_735] {strides = array<i32>} : memref<64x768xf32, #tpu.memory_space<vmem>>, vector<16xf32>,
      tpu.vector_store %arg12[%swap3A_734, %swap3A_735], %add3A_733 {strides = array<i32>} : memref<64x768xf32, #tpu.memory_space<vmem>>, vector<16xf32>,
      %add3A_737 = arith.addf %add3A_712, %add3A_733 : vector<16xf32>
      %mul3A_738 = arith.mulf %add3A_733, %add3A_733 : vector<16xf32>
      %add3A_739 = arith.addf %add3A_714, %mul3A_738 : vector<16xf32>
      %get3A_740 = arith.constant 0 : i32
      %get3A_741 = arith.index_cast %get3A_740 : i32 to index
      %get3A_742 = arith.constant 464 : index
      %get3A_743 = tpu.vector_load %arg14[%get3A_741, %get3A_742] {strides = array<i32>} : memref<2x768xf32, #tpu.memory_space<vmem>>, vector<16xf32>,
      %get3A_744 = arith.constant 1 : i32
      %get3A_745 = arith.index_cast %get3A_744 : i32 to index
      %get3A_746 = arith.constant 464 : index
      %get3A_747 = tpu.vector_load %arg14[%get3A_745, %get3A_746] {strides = array<i32>} : memref<2x768xf32, #tpu.memory_space<vmem>>, vector<16xf32>,
      %get3A_748 = arith.index_cast %scan3A_13 : i32 to index
      %get3A_749 = arith.constant 464 : index
      %get3A_750 = tpu.vector_load %arg12[%get3A_748, %get3A_749] {strides = array<i32>} : memref<64x768xf32, #tpu.memory_space<vmem>>, vector<16xf32>,
      %get3A_751 = arith.index_cast %scan3A_13 : i32 to index
      %get3A_752 = arith.constant 464 : index
      %get3A_753 = tpu.vector_load %arg13[%get3A_751, %get3A_752] {strides = array<i32>} : memref<64x768xf32, #tpu.memory_space<vmem>>, vector<16xf32>,
      %add3A_754 = arith.addf %get3A_750, %get3A_753 : vector<16xf32>
      %add3A_755 = arith.addf %add3A_754, %get3A_743 : vector<16xf32>
      %sub3A_756 = arith.subf %get3A_747, %get3A_743 : vector<16xf32>
      %mul3A_757 = arith.mulf %convert_element_type3A, %sub3A_756 : vector<16xf32>
      %add3A_758 = arith.addf %add3A_755, %mul3A_757 : vector<16xf32>
      %swap3A_759 = arith.index_cast %scan3A_13 : i32 to index
      %swap3A_760 = arith.constant 464 : index
      %swap3A_761 = tpu.vector_load %arg12[%swap3A_759, %swap3A_760] {strides = array<i32>} : memref<64x768xf32, #tpu.memory_space<vmem>>, vector<16xf32>,
      tpu.vector_store %arg12[%swap3A_759, %swap3A_760], %add3A_758 {strides = array<i32>} : memref<64x768xf32, #tpu.memory_space<vmem>>, vector<16xf32>,
      %add3A_762 = arith.addf %add3A_737, %add3A_758 : vector<16xf32>
      %mul3A_763 = arith.mulf %add3A_758, %add3A_758 : vector<16xf32>
      %add3A_764 = arith.addf %add3A_739, %mul3A_763 : vector<16xf32>
      %get3A_765 = arith.constant 0 : i32
      %get3A_766 = arith.index_cast %get3A_765 : i32 to index
      %get3A_767 = arith.constant 480 : index
      %get3A_768 = tpu.vector_load %arg14[%get3A_766, %get3A_767] {strides = array<i32>} : memref<2x768xf32, #tpu.memory_space<vmem>>, vector<16xf32>,
      %get3A_769 = arith.constant 1 : i32
      %get3A_770 = arith.index_cast %get3A_769 : i32 to index
      %get3A_771 = arith.constant 480 : index
      %get3A_772 = tpu.vector_load %arg14[%get3A_770, %get3A_771] {strides = array<i32>} : memref<2x768xf32, #tpu.memory_space<vmem>>, vector<16xf32>,
      %get3A_773 = arith.index_cast %scan3A_13 : i32 to index
      %get3A_774 = arith.constant 480 : index
      %get3A_775 = tpu.vector_load %arg12[%get3A_773, %get3A_774] {strides = array<i32>} : memref<64x768xf32, #tpu.memory_space<vmem>>, vector<16xf32>,
      %get3A_776 = arith.index_cast %scan3A_13 : i32 to index
      %get3A_777 = arith.constant 480 : index
      %get3A_778 = tpu.vector_load %arg13[%get3A_776, %get3A_777] {strides = array<i32>} : memref<64x768xf32, #tpu.memory_space<vmem>>, vector<16xf32>,
      %add3A_779 = arith.addf %get3A_775, %get3A_778 : vector<16xf32>
      %add3A_780 = arith.addf %add3A_779, %get3A_768 : vector<16xf32>
      %sub3A_781 = arith.subf %get3A_772, %get3A_768 : vector<16xf32>
      %mul3A_782 = arith.mulf %convert_element_type3A, %sub3A_781 : vector<16xf32>
      %add3A_783 = arith.addf %add3A_780, %mul3A_782 : vector<16xf32>
      %swap3A_784 = arith.index_cast %scan3A_13 : i32 to index
      %swap3A_785 = arith.constant 480 : index
      %swap3A_786 = tpu.vector_load %arg12[%swap3A_784, %swap3A_785] {strides = array<i32>} : memref<64x768xf32, #tpu.memory_space<vmem>>, vector<16xf32>,
      tpu.vector_store %arg12[%swap3A_784, %swap3A_785], %add3A_783 {strides = array<i32>} : memref<64x768xf32, #tpu.memory_space<vmem>>, vector<16xf32>,
      %add3A_787 = arith.addf %add3A_762, %add3A_783 : vector<16xf32>
      %mul3A_788 = arith.mulf %add3A_783, %add3A_783 : vector<16xf32>
      %add3A_789 = arith.addf %add3A_764, %mul3A_788 : vector<16xf32>
      %get3A_790 = arith.constant 0 : i32
      %get3A_791 = arith.index_cast %get3A_790 : i32 to index
      %get3A_792 = arith.constant 496 : index
      %get3A_793 = tpu.vector_load %arg14[%get3A_791, %get3A_792] {strides = array<i32>} : memref<2x768xf32, #tpu.memory_space<vmem>>, vector<16xf32>,
      %get3A_794 = arith.constant 1 : i32
      %get3A_795 = arith.index_cast %get3A_794 : i32 to index
      %get3A_796 = arith.constant 496 : index
      %get3A_797 = tpu.vector_load %arg14[%get3A_795, %get3A_796] {strides = array<i32>} : memref<2x768xf32, #tpu.memory_space<vmem>>, vector<16xf32>,
      %get3A_798 = arith.index_cast %scan3A_13 : i32 to index
      %get3A_799 = arith.constant 496 : index
      %get3A_800 = tpu.vector_load %arg12[%get3A_798, %get3A_799] {strides = array<i32>} : memref<64x768xf32, #tpu.memory_space<vmem>>, vector<16xf32>,
      %get3A_801 = arith.index_cast %scan3A_13 : i32 to index
      %get3A_802 = arith.constant 496 : index
      %get3A_803 = tpu.vector_load %arg13[%get3A_801, %get3A_802] {strides = array<i32>} : memref<64x768xf32, #tpu.memory_space<vmem>>, vector<16xf32>,
      %add3A_804 = arith.addf %get3A_800, %get3A_803 : vector<16xf32>
      %add3A_805 = arith.addf %add3A_804, %get3A_793 : vector<16xf32>
      %sub3A_806 = arith.subf %get3A_797, %get3A_793 : vector<16xf32>
      %mul3A_807 = arith.mulf %convert_element_type3A, %sub3A_806 : vector<16xf32>
      %add3A_808 = arith.addf %add3A_805, %mul3A_807 : vector<16xf32>
      %swap3A_809 = arith.index_cast %scan3A_13 : i32 to index
      %swap3A_810 = arith.constant 496 : index
      %swap3A_811 = tpu.vector_load %arg12[%swap3A_809, %swap3A_810] {strides = array<i32>} : memref<64x768xf32, #tpu.memory_space<vmem>>, vector<16xf32>,
      tpu.vector_store %arg12[%swap3A_809, %swap3A_810], %add3A_808 {strides = array<i32>} : memref<64x768xf32, #tpu.memory_space<vmem>>, vector<16xf32>,
      %add3A_812 = arith.addf %add3A_787, %add3A_808 : vector<16xf32>
      %mul3A_813 = arith.mulf %add3A_808, %add3A_808 : vector<16xf32>
      %add3A_814 = arith.addf %add3A_789, %mul3A_813 : vector<16xf32>
      %get3A_815 = arith.constant 0 : i32
      %get3A_816 = arith.index_cast %get3A_815 : i32 to index
      %get3A_817 = arith.constant 512 : index
      %get3A_818 = tpu.vector_load %arg14[%get3A_816, %get3A_817] {strides = array<i32>} : memref<2x768xf32, #tpu.memory_space<vmem>>, vector<16xf32>,
      %get3A_819 = arith.constant 1 : i32
      %get3A_820 = arith.index_cast %get3A_819 : i32 to index
      %get3A_821 = arith.constant 512 : index
      %get3A_822 = tpu.vector_load %arg14[%get3A_820, %get3A_821] {strides = array<i32>} : memref<2x768xf32, #tpu.memory_space<vmem>>, vector<16xf32>,
      %get3A_823 = arith.index_cast %scan3A_13 : i32 to index
      %get3A_824 = arith.constant 512 : index
      %get3A_825 = tpu.vector_load %arg12[%get3A_823, %get3A_824] {strides = array<i32>} : memref<64x768xf32, #tpu.memory_space<vmem>>, vector<16xf32>,
      %get3A_826 = arith.index_cast %scan3A_13 : i32 to index
      %get3A_827 = arith.constant 512 : index
      %get3A_828 = tpu.vector_load %arg13[%get3A_826, %get3A_827] {strides = array<i32>} : memref<64x768xf32, #tpu.memory_space<vmem>>, vector<16xf32>,
      %add3A_829 = arith.addf %get3A_825, %get3A_828 : vector<16xf32>
      %add3A_830 = arith.addf %add3A_829, %get3A_818 : vector<16xf32>
      %sub3A_831 = arith.subf %get3A_822, %get3A_818 : vector<16xf32>
      %mul3A_832 = arith.mulf %convert_element_type3A, %sub3A_831 : vector<16xf32>
      %add3A_833 = arith.addf %add3A_830, %mul3A_832 : vector<16xf32>
      %swap3A_834 = arith.index_cast %scan3A_13 : i32 to index
      %swap3A_835 = arith.constant 512 : index
      %swap3A_836 = tpu.vector_load %arg12[%swap3A_834, %swap3A_835] {strides = array<i32>} : memref<64x768xf32, #tpu.memory_space<vmem>>, vector<16xf32>,
      tpu.vector_store %arg12[%swap3A_834, %swap3A_835], %add3A_833 {strides = array<i32>} : memref<64x768xf32, #tpu.memory_space<vmem>>, vector<16xf32>,
      %add3A_837 = arith.addf %add3A_812, %add3A_833 : vector<16xf32>
      %mul3A_838 = arith.mulf %add3A_833, %add3A_833 : vector<16xf32>
      %add3A_839 = arith.addf %add3A_814, %mul3A_838 : vector<16xf32>
      %get3A_840 = arith.constant 0 : i32
      %get3A_841 = arith.index_cast %get3A_840 : i32 to index
      %get3A_842 = arith.constant 528 : index
      %get3A_843 = tpu.vector_load %arg14[%get3A_841, %get3A_842] {strides = array<i32>} : memref<2x768xf32, #tpu.memory_space<vmem>>, vector<16xf32>,
      %get3A_844 = arith.constant 1 : i32
      %get3A_845 = arith.index_cast %get3A_844 : i32 to index
      %get3A_846 = arith.constant 528 : index
      %get3A_847 = tpu.vector_load %arg14[%get3A_845, %get3A_846] {strides = array<i32>} : memref<2x768xf32, #tpu.memory_space<vmem>>, vector<16xf32>,
      %get3A_848 = arith.index_cast %scan3A_13 : i32 to index
      %get3A_849 = arith.constant 528 : index
      %get3A_850 = tpu.vector_load %arg12[%get3A_848, %get3A_849] {strides = array<i32>} : memref<64x768xf32, #tpu.memory_space<vmem>>, vector<16xf32>,
      %get3A_851 = arith.index_cast %scan3A_13 : i32 to index
      %get3A_852 = arith.constant 528 : index
      %get3A_853 = tpu.vector_load %arg13[%get3A_851, %get3A_852] {strides = array<i32>} : memref<64x768xf32, #tpu.memory_space<vmem>>, vector<16xf32>,
      %add3A_854 = arith.addf %get3A_850, %get3A_853 : vector<16xf32>
      %add3A_855 = arith.addf %add3A_854, %get3A_843 : vector<16xf32>
      %sub3A_856 = arith.subf %get3A_847, %get3A_843 : vector<16xf32>
      %mul3A_857 = arith.mulf %convert_element_type3A, %sub3A_856 : vector<16xf32>
      %add3A_858 = arith.addf %add3A_855, %mul3A_857 : vector<16xf32>
      %swap3A_859 = arith.index_cast %scan3A_13 : i32 to index
      %swap3A_860 = arith.constant 528 : index
      %swap3A_861 = tpu.vector_load %arg12[%swap3A_859, %swap3A_860] {strides = array<i32>} : memref<64x768xf32, #tpu.memory_space<vmem>>, vector<16xf32>,
      tpu.vector_store %arg12[%swap3A_859, %swap3A_860], %add3A_858 {strides = array<i32>} : memref<64x768xf32, #tpu.memory_space<vmem>>, vector<16xf32>,
      %add3A_862 = arith.addf %add3A_837, %add3A_858 : vector<16xf32>
      %mul3A_863 = arith.mulf %add3A_858, %add3A_858 : vector<16xf32>
      %add3A_864 = arith.addf %add3A_839, %mul3A_863 : vector<16xf32>
      %get3A_865 = arith.constant 0 : i32
      %get3A_866 = arith.index_cast %get3A_865 : i32 to index
      %get3A_867 = arith.constant 544 : index
      %get3A_868 = tpu.vector_load %arg14[%get3A_866, %get3A_867] {strides = array<i32>} : memref<2x768xf32, #tpu.memory_space<vmem>>, vector<16xf32>,
      %get3A_869 = arith.constant 1 : i32
      %get3A_870 = arith.index_cast %get3A_869 : i32 to index
      %get3A_871 = arith.constant 544 : index
      %get3A_872 = tpu.vector_load %arg14[%get3A_870, %get3A_871] {strides = array<i32>} : memref<2x768xf32, #tpu.memory_space<vmem>>, vector<16xf32>,
      %get3A_873 = arith.index_cast %scan3A_13 : i32 to index
      %get3A_874 = arith.constant 544 : index
      %get3A_875 = tpu.vector_load %arg12[%get3A_873, %get3A_874] {strides = array<i32>} : memref<64x768xf32, #tpu.memory_space<vmem>>, vector<16xf32>,
      %get3A_876 = arith.index_cast %scan3A_13 : i32 to index
      %get3A_877 = arith.constant 544 : index
      %get3A_878 = tpu.vector_load %arg13[%get3A_876, %get3A_877] {strides = array<i32>} : memref<64x768xf32, #tpu.memory_space<vmem>>, vector<16xf32>,
      %add3A_879 = arith.addf %get3A_875, %get3A_878 : vector<16xf32>
      %add3A_880 = arith.addf %add3A_879, %get3A_868 : vector<16xf32>
      %sub3A_881 = arith.subf %get3A_872, %get3A_868 : vector<16xf32>
      %mul3A_882 = arith.mulf %convert_element_type3A, %sub3A_881 : vector<16xf32>
      %add3A_883 = arith.addf %add3A_880, %mul3A_882 : vector<16xf32>
      %swap3A_884 = arith.index_cast %scan3A_13 : i32 to index
      %swap3A_885 = arith.constant 544 : index
      %swap3A_886 = tpu.vector_load %arg12[%swap3A_884, %swap3A_885] {strides = array<i32>} : memref<64x768xf32, #tpu.memory_space<vmem>>, vector<16xf32>,
      tpu.vector_store %arg12[%swap3A_884, %swap3A_885], %add3A_883 {strides = array<i32>} : memref<64x768xf32, #tpu.memory_space<vmem>>, vector<16xf32>,
      %add3A_887 = arith.addf %add3A_862, %add3A_883 : vector<16xf32>
      %mul3A_888 = arith.mulf %add3A_883, %add3A_883 : vector<16xf32>
      %add3A_889 = arith.addf %add3A_864, %mul3A_888 : vector<16xf32>
      %get3A_890 = arith.constant 0 : i32
      %get3A_891 = arith.index_cast %get3A_890 : i32 to index
      %get3A_892 = arith.constant 560 : index
      %get3A_893 = tpu.vector_load %arg14[%get3A_891, %get3A_892] {strides = array<i32>} : memref<2x768xf32, #tpu.memory_space<vmem>>, vector<16xf32>,
      %get3A_894 = arith.constant 1 : i32
      %get3A_895 = arith.index_cast %get3A_894 : i32 to index
      %get3A_896 = arith.constant 560 : index
      %get3A_897 = tpu.vector_load %arg14[%get3A_895, %get3A_896] {strides = array<i32>} : memref<2x768xf32, #tpu.memory_space<vmem>>, vector<16xf32>,
      %get3A_898 = arith.index_cast %scan3A_13 : i32 to index
      %get3A_899 = arith.constant 560 : index
      %get3A_900 = tpu.vector_load %arg12[%get3A_898, %get3A_899] {strides = array<i32>} : memref<64x768xf32, #tpu.memory_space<vmem>>, vector<16xf32>,
      %get3A_901 = arith.index_cast %scan3A_13 : i32 to index
      %get3A_902 = arith.constant 560 : index
      %get3A_903 = tpu.vector_load %arg13[%get3A_901, %get3A_902] {strides = array<i32>} : memref<64x768xf32, #tpu.memory_space<vmem>>, vector<16xf32>,
      %add3A_904 = arith.addf %get3A_900, %get3A_903 : vector<16xf32>
      %add3A_905 = arith.addf %add3A_904, %get3A_893 : vector<16xf32>
      %sub3A_906 = arith.subf %get3A_897, %get3A_893 : vector<16xf32>
      %mul3A_907 = arith.mulf %convert_element_type3A, %sub3A_906 : vector<16xf32>
      %add3A_908 = arith.addf %add3A_905, %mul3A_907 : vector<16xf32>
      %swap3A_909 = arith.index_cast %scan3A_13 : i32 to index
      %swap3A_910 = arith.constant 560 : index
      %swap3A_911 = tpu.vector_load %arg12[%swap3A_909, %swap3A_910] {strides = array<i32>} : memref<64x768xf32, #tpu.memory_space<vmem>>, vector<16xf32>,
      tpu.vector_store %arg12[%swap3A_909, %swap3A_910], %add3A_908 {strides = array<i32>} : memref<64x768xf32, #tpu.memory_space<vmem>>, vector<16xf32>,
      %add3A_912 = arith.addf %add3A_887, %add3A_908 : vector<16xf32>
      %mul3A_913 = arith.mulf %add3A_908, %add3A_908 : vector<16xf32>
      %add3A_914 = arith.addf %add3A_889, %mul3A_913 : vector<16xf32>
      %get3A_915 = arith.constant 0 : i32
      %get3A_916 = arith.index_cast %get3A_915 : i32 to index
      %get3A_917 = arith.constant 576 : index
      %get3A_918 = tpu.vector_load %arg14[%get3A_916, %get3A_917] {strides = array<i32>} : memref<2x768xf32, #tpu.memory_space<vmem>>, vector<16xf32>,
      %get3A_919 = arith.constant 1 : i32
      %get3A_920 = arith.index_cast %get3A_919 : i32 to index
      %get3A_921 = arith.constant 576 : index
      %get3A_922 = tpu.vector_load %arg14[%get3A_920, %get3A_921] {strides = array<i32>} : memref<2x768xf32, #tpu.memory_space<vmem>>, vector<16xf32>,
      %get3A_923 = arith.index_cast %scan3A_13 : i32 to index
      %get3A_924 = arith.constant 576 : index
      %get3A_925 = tpu.vector_load %arg12[%get3A_923, %get3A_924] {strides = array<i32>} : memref<64x768xf32, #tpu.memory_space<vmem>>, vector<16xf32>,
      %get3A_926 = arith.index_cast %scan3A_13 : i32 to index
      %get3A_927 = arith.constant 576 : index
      %get3A_928 = tpu.vector_load %arg13[%get3A_926, %get3A_927] {strides = array<i32>} : memref<64x768xf32, #tpu.memory_space<vmem>>, vector<16xf32>,
      %add3A_929 = arith.addf %get3A_925, %get3A_928 : vector<16xf32>
      %add3A_930 = arith.addf %add3A_929, %get3A_918 : vector<16xf32>
      %sub3A_931 = arith.subf %get3A_922, %get3A_918 : vector<16xf32>
      %mul3A_932 = arith.mulf %convert_element_type3A, %sub3A_931 : vector<16xf32>
      %add3A_933 = arith.addf %add3A_930, %mul3A_932 : vector<16xf32>
      %swap3A_934 = arith.index_cast %scan3A_13 : i32 to index
      %swap3A_935 = arith.constant 576 : index
      %swap3A_936 = tpu.vector_load %arg12[%swap3A_934, %swap3A_935] {strides = array<i32>} : memref<64x768xf32, #tpu.memory_space<vmem>>, vector<16xf32>,
      tpu.vector_store %arg12[%swap3A_934, %swap3A_935], %add3A_933 {strides = array<i32>} : memref<64x768xf32, #tpu.memory_space<vmem>>, vector<16xf32>,
      %add3A_937 = arith.addf %add3A_912, %add3A_933 : vector<16xf32>
      %mul3A_938 = arith.mulf %add3A_933, %add3A_933 : vector<16xf32>
      %add3A_939 = arith.addf %add3A_914, %mul3A_938 : vector<16xf32>
      %get3A_940 = arith.constant 0 : i32
      %get3A_941 = arith.index_cast %get3A_940 : i32 to index
      %get3A_942 = arith.constant 592 : index
      %get3A_943 = tpu.vector_load %arg14[%get3A_941, %get3A_942] {strides = array<i32>} : memref<2x768xf32, #tpu.memory_space<vmem>>, vector<16xf32>,
      %get3A_944 = arith.constant 1 : i32
      %get3A_945 = arith.index_cast %get3A_944 : i32 to index
      %get3A_946 = arith.constant 592 : index
      %get3A_947 = tpu.vector_load %arg14[%get3A_945, %get3A_946] {strides = array<i32>} : memref<2x768xf32, #tpu.memory_space<vmem>>, vector<16xf32>,
      %get3A_948 = arith.index_cast %scan3A_13 : i32 to index
      %get3A_949 = arith.constant 592 : index
      %get3A_950 = tpu.vector_load %arg12[%get3A_948, %get3A_949] {strides = array<i32>} : memref<64x768xf32, #tpu.memory_space<vmem>>, vector<16xf32>,
      %get3A_951 = arith.index_cast %scan3A_13 : i32 to index
      %get3A_952 = arith.constant 592 : index
      %get3A_953 = tpu.vector_load %arg13[%get3A_951, %get3A_952] {strides = array<i32>} : memref<64x768xf32, #tpu.memory_space<vmem>>, vector<16xf32>,
      %add3A_954 = arith.addf %get3A_950, %get3A_953 : vector<16xf32>
      %add3A_955 = arith.addf %add3A_954, %get3A_943 : vector<16xf32>
      %sub3A_956 = arith.subf %get3A_947, %get3A_943 : vector<16xf32>
      %mul3A_957 = arith.mulf %convert_element_type3A, %sub3A_956 : vector<16xf32>
      %add3A_958 = arith.addf %add3A_955, %mul3A_957 : vector<16xf32>
      %swap3A_959 = arith.index_cast %scan3A_13 : i32 to index
      %swap3A_960 = arith.constant 592 : index
      %swap3A_961 = tpu.vector_load %arg12[%swap3A_959, %swap3A_960] {strides = array<i32>} : memref<64x768xf32, #tpu.memory_space<vmem>>, vector<16xf32>,
      tpu.vector_store %arg12[%swap3A_959, %swap3A_960], %add3A_958 {strides = array<i32>} : memref<64x768xf32, #tpu.memory_space<vmem>>, vector<16xf32>,
      %add3A_962 = arith.addf %add3A_937, %add3A_958 : vector<16xf32>
      %mul3A_963 = arith.mulf %add3A_958, %add3A_958 : vector<16xf32>
      %add3A_964 = arith.addf %add3A_939, %mul3A_963 : vector<16xf32>
      %get3A_965 = arith.constant 0 : i32
      %get3A_966 = arith.index_cast %get3A_965 : i32 to index
      %get3A_967 = arith.constant 608 : index
      %get3A_968 = tpu.vector_load %arg14[%get3A_966, %get3A_967] {strides = array<i32>} : memref<2x768xf32, #tpu.memory_space<vmem>>, vector<16xf32>,
      %get3A_969 = arith.constant 1 : i32
      %get3A_970 = arith.index_cast %get3A_969 : i32 to index
      %get3A_971 = arith.constant 608 : index
      %get3A_972 = tpu.vector_load %arg14[%get3A_970, %get3A_971] {strides = array<i32>} : memref<2x768xf32, #tpu.memory_space<vmem>>, vector<16xf32>,
      %get3A_973 = arith.index_cast %scan3A_13 : i32 to index
      %get3A_974 = arith.constant 608 : index
      %get3A_975 = tpu.vector_load %arg12[%get3A_973, %get3A_974] {strides = array<i32>} : memref<64x768xf32, #tpu.memory_space<vmem>>, vector<16xf32>,
      %get3A_976 = arith.index_cast %scan3A_13 : i32 to index
      %get3A_977 = arith.constant 608 : index
      %get3A_978 = tpu.vector_load %arg13[%get3A_976, %get3A_977] {strides = array<i32>} : memref<64x768xf32, #tpu.memory_space<vmem>>, vector<16xf32>,
      %add3A_979 = arith.addf %get3A_975, %get3A_978 : vector<16xf32>
      %add3A_980 = arith.addf %add3A_979, %get3A_968 : vector<16xf32>
      %sub3A_981 = arith.subf %get3A_972, %get3A_968 : vector<16xf32>
      %mul3A_982 = arith.mulf %convert_element_type3A, %sub3A_981 : vector<16xf32>
      %add3A_983 = arith.addf %add3A_980, %mul3A_982 : vector<16xf32>
      %swap3A_984 = arith.index_cast %scan3A_13 : i32 to index
      %swap3A_985 = arith.constant 608 : index
      %swap3A_986 = tpu.vector_load %arg12[%swap3A_984, %swap3A_985] {strides = array<i32>} : memref<64x768xf32, #tpu.memory_space<vmem>>, vector<16xf32>,
      tpu.vector_store %arg12[%swap3A_984, %swap3A_985], %add3A_983 {strides = array<i32>} : memref<64x768xf32, #tpu.memory_space<vmem>>, vector<16xf32>,
      %add3A_987 = arith.addf %add3A_962, %add3A_983 : vector<16xf32>
      %mul3A_988 = arith.mulf %add3A_983, %add3A_983 : vector<16xf32>
      %add3A_989 = arith.addf %add3A_964, %mul3A_988 : vector<16xf32>
      %get3A_990 = arith.constant 0 : i32
      %get3A_991 = arith.index_cast %get3A_990 : i32 to index
      %get3A_992 = arith.constant 624 : index
      %get3A_993 = tpu.vector_load %arg14[%get3A_991, %get3A_992] {strides = array<i32>} : memref<2x768xf32, #tpu.memory_space<vmem>>, vector<16xf32>,
      %get3A_994 = arith.constant 1 : i32
      %get3A_995 = arith.index_cast %get3A_994 : i32 to index
      %get3A_996 = arith.constant 624 : index
      %get3A_997 = tpu.vector_load %arg14[%get3A_995, %get3A_996] {strides = array<i32>} : memref<2x768xf32, #tpu.memory_space<vmem>>, vector<16xf32>,
      %get3A_998 = arith.index_cast %scan3A_13 : i32 to index
      %get3A_999 = arith.constant 624 : index
      %get3A_1000 = tpu.vector_load %arg12[%get3A_998, %get3A_999] {strides = array<i32>} : memref<64x768xf32, #tpu.memory_space<vmem>>, vector<16xf32>,
      %get3A_1001 = arith.index_cast %scan3A_13 : i32 to index
      %get3A_1002 = arith.constant 624 : index
      %get3A_1003 = tpu.vector_load %arg13[%get3A_1001, %get3A_1002] {strides = array<i32>} : memref<64x768xf32, #tpu.memory_space<vmem>>, vector<16xf32>,
      %add3A_1004 = arith.addf %get3A_1000, %get3A_1003 : vector<16xf32>
      %add3A_1005 = arith.addf %add3A_1004, %get3A_993 : vector<16xf32>
      %sub3A_1006 = arith.subf %get3A_997, %get3A_993 : vector<16xf32>
      %mul3A_1007 = arith.mulf %convert_element_type3A, %sub3A_1006 : vector<16xf32>
      %add3A_1008 = arith.addf %add3A_1005, %mul3A_1007 : vector<16xf32>
      %swap3A_1009 = arith.index_cast %scan3A_13 : i32 to index
      %swap3A_1010 = arith.constant 624 : index
      %swap3A_1011 = tpu.vector_load %arg12[%swap3A_1009, %swap3A_1010] {strides = array<i32>} : memref<64x768xf32, #tpu.memory_space<vmem>>, vector<16xf32>,
      tpu.vector_store %arg12[%swap3A_1009, %swap3A_1010], %add3A_1008 {strides = array<i32>} : memref<64x768xf32, #tpu.memory_space<vmem>>, vector<16xf32>,
      %add3A_1012 = arith.addf %add3A_987, %add3A_1008 : vector<16xf32>
      %mul3A_1013 = arith.mulf %add3A_1008, %add3A_1008 : vector<16xf32>
      %add3A_1014 = arith.addf %add3A_989, %mul3A_1013 : vector<16xf32>
      %get3A_1015 = arith.constant 0 : i32
      %get3A_1016 = arith.index_cast %get3A_1015 : i32 to index
      %get3A_1017 = arith.constant 640 : index
      %get3A_1018 = tpu.vector_load %arg14[%get3A_1016, %get3A_1017] {strides = array<i32>} : memref<2x768xf32, #tpu.memory_space<vmem>>, vector<16xf32>,
      %get3A_1019 = arith.constant 1 : i32
      %get3A_1020 = arith.index_cast %get3A_1019 : i32 to index
      %get3A_1021 = arith.constant 640 : index
      %get3A_1022 = tpu.vector_load %arg14[%get3A_1020, %get3A_1021] {strides = array<i32>} : memref<2x768xf32, #tpu.memory_space<vmem>>, vector<16xf32>,
      %get3A_1023 = arith.index_cast %scan3A_13 : i32 to index
      %get3A_1024 = arith.constant 640 : index
      %get3A_1025 = tpu.vector_load %arg12[%get3A_1023, %get3A_1024] {strides = array<i32>} : memref<64x768xf32, #tpu.memory_space<vmem>>, vector<16xf32>,
      %get3A_1026 = arith.index_cast %scan3A_13 : i32 to index
      %get3A_1027 = arith.constant 640 : index
      %get3A_1028 = tpu.vector_load %arg13[%get3A_1026, %get3A_1027] {strides = array<i32>} : memref<64x768xf32, #tpu.memory_space<vmem>>, vector<16xf32>,
      %add3A_1029 = arith.addf %get3A_1025, %get3A_1028 : vector<16xf32>
      %add3A_1030 = arith.addf %add3A_1029, %get3A_1018 : vector<16xf32>
      %sub3A_1031 = arith.subf %get3A_1022, %get3A_1018 : vector<16xf32>
      %mul3A_1032 = arith.mulf %convert_element_type3A, %sub3A_1031 : vector<16xf32>
      %add3A_1033 = arith.addf %add3A_1030, %mul3A_1032 : vector<16xf32>
      %swap3A_1034 = arith.index_cast %scan3A_13 : i32 to index
      %swap3A_1035 = arith.constant 640 : index
      %swap3A_1036 = tpu.vector_load %arg12[%swap3A_1034, %swap3A_1035] {strides = array<i32>} : memref<64x768xf32, #tpu.memory_space<vmem>>, vector<16xf32>,
      tpu.vector_store %arg12[%swap3A_1034, %swap3A_1035], %add3A_1033 {strides = array<i32>} : memref<64x768xf32, #tpu.memory_space<vmem>>, vector<16xf32>,
      %add3A_1037 = arith.addf %add3A_1012, %add3A_1033 : vector<16xf32>
      %mul3A_1038 = arith.mulf %add3A_1033, %add3A_1033 : vector<16xf32>
      %add3A_1039 = arith.addf %add3A_1014, %mul3A_1038 : vector<16xf32>
      %get3A_1040 = arith.constant 0 : i32
      %get3A_1041 = arith.index_cast %get3A_1040 : i32 to index
      %get3A_1042 = arith.constant 656 : index
      %get3A_1043 = tpu.vector_load %arg14[%get3A_1041, %get3A_1042] {strides = array<i32>} : memref<2x768xf32, #tpu.memory_space<vmem>>, vector<16xf32>,
      %get3A_1044 = arith.constant 1 : i32
      %get3A_1045 = arith.index_cast %get3A_1044 : i32 to index
      %get3A_1046 = arith.constant 656 : index
      %get3A_1047 = tpu.vector_load %arg14[%get3A_1045, %get3A_1046] {strides = array<i32>} : memref<2x768xf32, #tpu.memory_space<vmem>>, vector<16xf32>,
      %get3A_1048 = arith.index_cast %scan3A_13 : i32 to index
      %get3A_1049 = arith.constant 656 : index
      %get3A_1050 = tpu.vector_load %arg12[%get3A_1048, %get3A_1049] {strides = array<i32>} : memref<64x768xf32, #tpu.memory_space<vmem>>, vector<16xf32>,
      %get3A_1051 = arith.index_cast %scan3A_13 : i32 to index
      %get3A_1052 = arith.constant 656 : index
      %get3A_1053 = tpu.vector_load %arg13[%get3A_1051, %get3A_1052] {strides = array<i32>} : memref<64x768xf32, #tpu.memory_space<vmem>>, vector<16xf32>,
      %add3A_1054 = arith.addf %get3A_1050, %get3A_1053 : vector<16xf32>
      %add3A_1055 = arith.addf %add3A_1054, %get3A_1043 : vector<16xf32>
      %sub3A_1056 = arith.subf %get3A_1047, %get3A_1043 : vector<16xf32>
      %mul3A_1057 = arith.mulf %convert_element_type3A, %sub3A_1056 : vector<16xf32>
      %add3A_1058 = arith.addf %add3A_1055, %mul3A_1057 : vector<16xf32>
      %swap3A_1059 = arith.index_cast %scan3A_13 : i32 to index
      %swap3A_1060 = arith.constant 656 : index
      %swap3A_1061 = tpu.vector_load %arg12[%swap3A_1059, %swap3A_1060] {strides = array<i32>} : memref<64x768xf32, #tpu.memory_space<vmem>>, vector<16xf32>,
      tpu.vector_store %arg12[%swap3A_1059, %swap3A_1060], %add3A_1058 {strides = array<i32>} : memref<64x768xf32, #tpu.memory_space<vmem>>, vector<16xf32>,
      %add3A_1062 = arith.addf %add3A_1037, %add3A_1058 : vector<16xf32>
      %mul3A_1063 = arith.mulf %add3A_1058, %add3A_1058 : vector<16xf32>
      %add3A_1064 = arith.addf %add3A_1039, %mul3A_1063 : vector<16xf32>
      %get3A_1065 = arith.constant 0 : i32
      %get3A_1066 = arith.index_cast %get3A_1065 : i32 to index
      %get3A_1067 = arith.constant 672 : index
      %get3A_1068 = tpu.vector_load %arg14[%get3A_1066, %get3A_1067] {strides = array<i32>} : memref<2x768xf32, #tpu.memory_space<vmem>>, vector<16xf32>,
      %get3A_1069 = arith.constant 1 : i32
      %get3A_1070 = arith.index_cast %get3A_1069 : i32 to index
      %get3A_1071 = arith.constant 672 : index
      %get3A_1072 = tpu.vector_load %arg14[%get3A_1070, %get3A_1071] {strides = array<i32>} : memref<2x768xf32, #tpu.memory_space<vmem>>, vector<16xf32>,
      %get3A_1073 = arith.index_cast %scan3A_13 : i32 to index
      %get3A_1074 = arith.constant 672 : index
      %get3A_1075 = tpu.vector_load %arg12[%get3A_1073, %get3A_1074] {strides = array<i32>} : memref<64x768xf32, #tpu.memory_space<vmem>>, vector<16xf32>,
      %get3A_1076 = arith.index_cast %scan3A_13 : i32 to index
      %get3A_1077 = arith.constant 672 : index
      %get3A_1078 = tpu.vector_load %arg13[%get3A_1076, %get3A_1077] {strides = array<i32>} : memref<64x768xf32, #tpu.memory_space<vmem>>, vector<16xf32>,
      %add3A_1079 = arith.addf %get3A_1075, %get3A_1078 : vector<16xf32>
      %add3A_1080 = arith.addf %add3A_1079, %get3A_1068 : vector<16xf32>
      %sub3A_1081 = arith.subf %get3A_1072, %get3A_1068 : vector<16xf32>
      %mul3A_1082 = arith.mulf %convert_element_type3A, %sub3A_1081 : vector<16xf32>
      %add3A_1083 = arith.addf %add3A_1080, %mul3A_1082 : vector<16xf32>
      %swap3A_1084 = arith.index_cast %scan3A_13 : i32 to index
      %swap3A_1085 = arith.constant 672 : index
      %swap3A_1086 = tpu.vector_load %arg12[%swap3A_1084, %swap3A_1085] {strides = array<i32>} : memref<64x768xf32, #tpu.memory_space<vmem>>, vector<16xf32>,
      tpu.vector_store %arg12[%swap3A_1084, %swap3A_1085], %add3A_1083 {strides = array<i32>} : memref<64x768xf32, #tpu.memory_space<vmem>>, vector<16xf32>,
      %add3A_1087 = arith.addf %add3A_1062, %add3A_1083 : vector<16xf32>
      %mul3A_1088 = arith.mulf %add3A_1083, %add3A_1083 : vector<16xf32>
      %add3A_1089 = arith.addf %add3A_1064, %mul3A_1088 : vector<16xf32>
      %get3A_1090 = arith.constant 0 : i32
      %get3A_1091 = arith.index_cast %get3A_1090 : i32 to index
      %get3A_1092 = arith.constant 688 : index
      %get3A_1093 = tpu.vector_load %arg14[%get3A_1091, %get3A_1092] {strides = array<i32>} : memref<2x768xf32, #tpu.memory_space<vmem>>, vector<16xf32>,
      %get3A_1094 = arith.constant 1 : i32
      %get3A_1095 = arith.index_cast %get3A_1094 : i32 to index
      %get3A_1096 = arith.constant 688 : index
      %get3A_1097 = tpu.vector_load %arg14[%get3A_1095, %get3A_1096] {strides = array<i32>} : memref<2x768xf32, #tpu.memory_space<vmem>>, vector<16xf32>,
      %get3A_1098 = arith.index_cast %scan3A_13 : i32 to index
      %get3A_1099 = arith.constant 688 : index
      %get3A_1100 = tpu.vector_load %arg12[%get3A_1098, %get3A_1099] {strides = array<i32>} : memref<64x768xf32, #tpu.memory_space<vmem>>, vector<16xf32>,
      %get3A_1101 = arith.index_cast %scan3A_13 : i32 to index
      %get3A_1102 = arith.constant 688 : index
      %get3A_1103 = tpu.vector_load %arg13[%get3A_1101, %get3A_1102] {strides = array<i32>} : memref<64x768xf32, #tpu.memory_space<vmem>>, vector<16xf32>,
      %add3A_1104 = arith.addf %get3A_1100, %get3A_1103 : vector<16xf32>
      %add3A_1105 = arith.addf %add3A_1104, %get3A_1093 : vector<16xf32>
      %sub3A_1106 = arith.subf %get3A_1097, %get3A_1093 : vector<16xf32>
      %mul3A_1107 = arith.mulf %convert_element_type3A, %sub3A_1106 : vector<16xf32>
      %add3A_1108 = arith.addf %add3A_1105, %mul3A_1107 : vector<16xf32>
      %swap3A_1109 = arith.index_cast %scan3A_13 : i32 to index
      %swap3A_1110 = arith.constant 688 : index
      %swap3A_1111 = tpu.vector_load %arg12[%swap3A_1109, %swap3A_1110] {strides = array<i32>} : memref<64x768xf32, #tpu.memory_space<vmem>>, vector<16xf32>,
      tpu.vector_store %arg12[%swap3A_1109, %swap3A_1110], %add3A_1108 {strides = array<i32>} : memref<64x768xf32, #tpu.memory_space<vmem>>, vector<16xf32>,
      %add3A_1112 = arith.addf %add3A_1087, %add3A_1108 : vector<16xf32>
      %mul3A_1113 = arith.mulf %add3A_1108, %add3A_1108 : vector<16xf32>
      %add3A_1114 = arith.addf %add3A_1089, %mul3A_1113 : vector<16xf32>
      %get3A_1115 = arith.constant 0 : i32
      %get3A_1116 = arith.index_cast %get3A_1115 : i32 to index
      %get3A_1117 = arith.constant 704 : index
      %get3A_1118 = tpu.vector_load %arg14[%get3A_1116, %get3A_1117] {strides = array<i32>} : memref<2x768xf32, #tpu.memory_space<vmem>>, vector<16xf32>,
      %get3A_1119 = arith.constant 1 : i32
      %get3A_1120 = arith.index_cast %get3A_1119 : i32 to index
      %get3A_1121 = arith.constant 704 : index
      %get3A_1122 = tpu.vector_load %arg14[%get3A_1120, %get3A_1121] {strides = array<i32>} : memref<2x768xf32, #tpu.memory_space<vmem>>, vector<16xf32>,
      %get3A_1123 = arith.index_cast %scan3A_13 : i32 to index
      %get3A_1124 = arith.constant 704 : index
      %get3A_1125 = tpu.vector_load %arg12[%get3A_1123, %get3A_1124] {strides = array<i32>} : memref<64x768xf32, #tpu.memory_space<vmem>>, vector<16xf32>,
      %get3A_1126 = arith.index_cast %scan3A_13 : i32 to index
      %get3A_1127 = arith.constant 704 : index
      %get3A_1128 = tpu.vector_load %arg13[%get3A_1126, %get3A_1127] {strides = array<i32>} : memref<64x768xf32, #tpu.memory_space<vmem>>, vector<16xf32>,
      %add3A_1129 = arith.addf %get3A_1125, %get3A_1128 : vector<16xf32>
      %add3A_1130 = arith.addf %add3A_1129, %get3A_1118 : vector<16xf32>
      %sub3A_1131 = arith.subf %get3A_1122, %get3A_1118 : vector<16xf32>
      %mul3A_1132 = arith.mulf %convert_element_type3A, %sub3A_1131 : vector<16xf32>
      %add3A_1133 = arith.addf %add3A_1130, %mul3A_1132 : vector<16xf32>
      %swap3A_1134 = arith.index_cast %scan3A_13 : i32 to index
      %swap3A_1135 = arith.constant 704 : index
      %swap3A_1136 = tpu.vector_load %arg12[%swap3A_1134, %swap3A_1135] {strides = array<i32>} : memref<64x768xf32, #tpu.memory_space<vmem>>, vector<16xf32>,
      tpu.vector_store %arg12[%swap3A_1134, %swap3A_1135], %add3A_1133 {strides = array<i32>} : memref<64x768xf32, #tpu.memory_space<vmem>>, vector<16xf32>,
      %add3A_1137 = arith.addf %add3A_1112, %add3A_1133 : vector<16xf32>
      %mul3A_1138 = arith.mulf %add3A_1133, %add3A_1133 : vector<16xf32>
      %add3A_1139 = arith.addf %add3A_1114, %mul3A_1138 : vector<16xf32>
      %get3A_1140 = arith.constant 0 : i32
      %get3A_1141 = arith.index_cast %get3A_1140 : i32 to index
      %get3A_1142 = arith.constant 720 : index
      %get3A_1143 = tpu.vector_load %arg14[%get3A_1141, %get3A_1142] {strides = array<i32>} : memref<2x768xf32, #tpu.memory_space<vmem>>, vector<16xf32>,
      %get3A_1144 = arith.constant 1 : i32
      %get3A_1145 = arith.index_cast %get3A_1144 : i32 to index
      %get3A_1146 = arith.constant 720 : index
      %get3A_1147 = tpu.vector_load %arg14[%get3A_1145, %get3A_1146] {strides = array<i32>} : memref<2x768xf32, #tpu.memory_space<vmem>>, vector<16xf32>,
      %get3A_1148 = arith.index_cast %scan3A_13 : i32 to index
      %get3A_1149 = arith.constant 720 : index
      %get3A_1150 = tpu.vector_load %arg12[%get3A_1148, %get3A_1149] {strides = array<i32>} : memref<64x768xf32, #tpu.memory_space<vmem>>, vector<16xf32>,
      %get3A_1151 = arith.index_cast %scan3A_13 : i32 to index
      %get3A_1152 = arith.constant 720 : index
      %get3A_1153 = tpu.vector_load %arg13[%get3A_1151, %get3A_1152] {strides = array<i32>} : memref<64x768xf32, #tpu.memory_space<vmem>>, vector<16xf32>,
      %add3A_1154 = arith.addf %get3A_1150, %get3A_1153 : vector<16xf32>
      %add3A_1155 = arith.addf %add3A_1154, %get3A_1143 : vector<16xf32>
      %sub3A_1156 = arith.subf %get3A_1147, %get3A_1143 : vector<16xf32>
      %mul3A_1157 = arith.mulf %convert_element_type3A, %sub3A_1156 : vector<16xf32>
      %add3A_1158 = arith.addf %add3A_1155, %mul3A_1157 : vector<16xf32>
      %swap3A_1159 = arith.index_cast %scan3A_13 : i32 to index
      %swap3A_1160 = arith.constant 720 : index
      %swap3A_1161 = tpu.vector_load %arg12[%swap3A_1159, %swap3A_1160] {strides = array<i32>} : memref<64x768xf32, #tpu.memory_space<vmem>>, vector<16xf32>,
      tpu.vector_store %arg12[%swap3A_1159, %swap3A_1160], %add3A_1158 {strides = array<i32>} : memref<64x768xf32, #tpu.memory_space<vmem>>, vector<16xf32>,
      %add3A_1162 = arith.addf %add3A_1137, %add3A_1158 : vector<16xf32>
      %mul3A_1163 = arith.mulf %add3A_1158, %add3A_1158 : vector<16xf32>
      %add3A_1164 = arith.addf %add3A_1139, %mul3A_1163 : vector<16xf32>
      %get3A_1165 = arith.constant 0 : i32
      %get3A_1166 = arith.index_cast %get3A_1165 : i32 to index
      %get3A_1167 = arith.constant 736 : index
      %get3A_1168 = tpu.vector_load %arg14[%get3A_1166, %get3A_1167] {strides = array<i32>} : memref<2x768xf32, #tpu.memory_space<vmem>>, vector<16xf32>,
      %get3A_1169 = arith.constant 1 : i32
      %get3A_1170 = arith.index_cast %get3A_1169 : i32 to index
      %get3A_1171 = arith.constant 736 : index
      %get3A_1172 = tpu.vector_load %arg14[%get3A_1170, %get3A_1171] {strides = array<i32>} : memref<2x768xf32, #tpu.memory_space<vmem>>, vector<16xf32>,
      %get3A_1173 = arith.index_cast %scan3A_13 : i32 to index
      %get3A_1174 = arith.constant 736 : index
      %get3A_1175 = tpu.vector_load %arg12[%get3A_1173, %get3A_1174] {strides = array<i32>} : memref<64x768xf32, #tpu.memory_space<vmem>>, vector<16xf32>,
      %get3A_1176 = arith.index_cast %scan3A_13 : i32 to index
      %get3A_1177 = arith.constant 736 : index
      %get3A_1178 = tpu.vector_load %arg13[%get3A_1176, %get3A_1177] {strides = array<i32>} : memref<64x768xf32, #tpu.memory_space<vmem>>, vector<16xf32>,
      %add3A_1179 = arith.addf %get3A_1175, %get3A_1178 : vector<16xf32>
      %add3A_1180 = arith.addf %add3A_1179, %get3A_1168 : vector<16xf32>
      %sub3A_1181 = arith.subf %get3A_1172, %get3A_1168 : vector<16xf32>
      %mul3A_1182 = arith.mulf %convert_element_type3A, %sub3A_1181 : vector<16xf32>
      %add3A_1183 = arith.addf %add3A_1180, %mul3A_1182 : vector<16xf32>
      %swap3A_1184 = arith.index_cast %scan3A_13 : i32 to index
      %swap3A_1185 = arith.constant 736 : index
      %swap3A_1186 = tpu.vector_load %arg12[%swap3A_1184, %swap3A_1185] {strides = array<i32>} : memref<64x768xf32, #tpu.memory_space<vmem>>, vector<16xf32>,
      tpu.vector_store %arg12[%swap3A_1184, %swap3A_1185], %add3A_1183 {strides = array<i32>} : memref<64x768xf32, #tpu.memory_space<vmem>>, vector<16xf32>,
      %add3A_1187 = arith.addf %add3A_1162, %add3A_1183 : vector<16xf32>
      %mul3A_1188 = arith.mulf %add3A_1183, %add3A_1183 : vector<16xf32>
      %add3A_1189 = arith.addf %add3A_1164, %mul3A_1188 : vector<16xf32>
      %get3A_1190 = arith.constant 0 : i32
      %get3A_1191 = arith.index_cast %get3A_1190 : i32 to index
      %get3A_1192 = arith.constant 752 : index
      %get3A_1193 = tpu.vector_load %arg14[%get3A_1191, %get3A_1192] {strides = array<i32>} : memref<2x768xf32, #tpu.memory_space<vmem>>, vector<16xf32>,
      %get3A_1194 = arith.constant 1 : i32
      %get3A_1195 = arith.index_cast %get3A_1194 : i32 to index
      %get3A_1196 = arith.constant 752 : index
      %get3A_1197 = tpu.vector_load %arg14[%get3A_1195, %get3A_1196] {strides = array<i32>} : memref<2x768xf32, #tpu.memory_space<vmem>>, vector<16xf32>,
      %get3A_1198 = arith.index_cast %scan3A_13 : i32 to index
      %get3A_1199 = arith.constant 752 : index
      %get3A_1200 = tpu.vector_load %arg12[%get3A_1198, %get3A_1199] {strides = array<i32>} : memref<64x768xf32, #tpu.memory_space<vmem>>, vector<16xf32>,
      %get3A_1201 = arith.index_cast %scan3A_13 : i32 to index
      %get3A_1202 = arith.constant 752 : index
      %get3A_1203 = tpu.vector_load %arg13[%get3A_1201, %get3A_1202] {strides = array<i32>} : memref<64x768xf32, #tpu.memory_space<vmem>>, vector<16xf32>,
      %add3A_1204 = arith.addf %get3A_1200, %get3A_1203 : vector<16xf32>
      %add3A_1205 = arith.addf %add3A_1204, %get3A_1193 : vector<16xf32>
      %sub3A_1206 = arith.subf %get3A_1197, %get3A_1193 : vector<16xf32>
      %mul3A_1207 = arith.mulf %convert_element_type3A, %sub3A_1206 : vector<16xf32>
      %add3A_1208 = arith.addf %add3A_1205, %mul3A_1207 : vector<16xf32>
      %swap3A_1209 = arith.index_cast %scan3A_13 : i32 to index
      %swap3A_1210 = arith.constant 752 : index
      %swap3A_1211 = tpu.vector_load %arg12[%swap3A_1209, %swap3A_1210] {strides = array<i32>} : memref<64x768xf32, #tpu.memory_space<vmem>>, vector<16xf32>,
      tpu.vector_store %arg12[%swap3A_1209, %swap3A_1210], %add3A_1208 {strides = array<i32>} : memref<64x768xf32, #tpu.memory_space<vmem>>, vector<16xf32>,
      %add3A_1212 = arith.addf %add3A_1187, %add3A_1208 : vector<16xf32>
      %mul3A_1213 = arith.mulf %add3A_1208, %add3A_1208 : vector<16xf32>
      %add3A_1214 = arith.addf %add3A_1189, %mul3A_1213 : vector<16xf32>
      %reduce_sum3A = arith.constant true
      %reduce_sum3A_1215 = vector.broadcast %reduce_sum3A : i1 to vector<16xi1>
      %reduce_sum3A_1216 = tpu.scan <sum>, %add3A_1212 masked %reduce_sum3A_1215 : vector<16xf32>, vector<16xi1> -> vector<16xf32>
      %reduce_sum3A_1217 = vector.extract %reduce_sum3A_1216[15] : f32 from vector<16xf32>
      %mul3A_1218 = arith.mulf %reduce_sum3A_1217, %scan3A_7 : f32
      %reduce_sum3A_1219 = arith.constant true
      %reduce_sum3A_1220 = vector.broadcast %reduce_sum3A_1219 : i1 to vector<16xi1>
      %reduce_sum3A_1221 = tpu.scan <sum>, %add3A_1214 masked %reduce_sum3A_1220 : vector<16xf32>, vector<16xi1> -> vector<16xf32>
      %reduce_sum3A_1222 = vector.extract %reduce_sum3A_1221[15] : f32 from vector<16xf32>
      %mul3A_1223 = arith.mulf %reduce_sum3A_1222, %scan3A_7 : f32
      %mul3A_1224 = arith.mulf %mul3A_1218, %mul3A_1218 : f32
      %sub3A_1225 = arith.subf %mul3A_1223, %mul3A_1224 : f32
      %add3A_1226 = arith.constant 9.99999974E-6 : f32
      %add3A_1227 = arith.addf %sub3A_1225, %add3A_1226 : f32
      %bitcast_convert_type3A = arith.bitcast %add3A_1227 : f32 to i32
      %shift_right_logical3A = arith.constant 1 : i32
      %shift_right_logical3A_1228 = arith.shrui %bitcast_convert_type3A, %shift_right_logical3A : i32
      %sub3A_1229 = arith.constant 1597463007 : i32
      %sub3A_1230 = arith.subi %sub3A_1229, %shift_right_logical3A_1228 : i32
      %bitcast_convert_type3A_1231 = arith.bitcast %sub3A_1230 : i32 to f32
      %mul3A_1232 = arith.constant 5.000000e-01 : f32
      %mul3A_1233 = arith.mulf %mul3A_1232, %add3A_1227 : f32
      %mul3A_1234 = arith.mulf %mul3A_1233, %bitcast_convert_type3A_1231 : f32
      %mul3A_1235 = arith.mulf %mul3A_1234, %bitcast_convert_type3A_1231 : f32
      %sub3A_1236 = arith.constant 1.500000e+00 : f32
      %sub3A_1237 = arith.subf %sub3A_1236, %mul3A_1235 : f32
      %mul3A_1238 = arith.mulf %bitcast_convert_type3A_1231, %sub3A_1237 : f32
      %mul3A_1239 = arith.mulf %mul3A_1233, %mul3A_1238 : f32
      %mul3A_1240 = arith.mulf %mul3A_1239, %mul3A_1238 : f32
      %sub3A_1241 = arith.constant 1.500000e+00 : f32
      %sub3A_1242 = arith.subf %sub3A_1241, %mul3A_1240 : f32
      %mul3A_1243 = arith.mulf %mul3A_1238, %sub3A_1242 : f32
      %mul3A_1244 = arith.mulf %mul3A_1233, %mul3A_1243 : f32
      %mul3A_1245 = arith.mulf %mul3A_1244, %mul3A_1243 : f32
      %sub3A_1246 = arith.constant 1.500000e+00 : f32
      %sub3A_1247 = arith.subf %sub3A_1246, %mul3A_1245 : f32
      %mul3A_1248 = arith.mulf %mul3A_1243, %sub3A_1247 : f32
      %get3A_1249 = arith.index_cast %scan3A_13 : i32 to index
      %get3A_1250 = arith.constant 0 : index
      %get3A_1251 = tpu.vector_load %arg12[%get3A_1249, %get3A_1250] {strides = array<i32>} : memref<64x768xf32, #tpu.memory_space<vmem>>, vector<16xf32>,
      %sub3A_1252 = vector.broadcast %mul3A_1218 : f32 to vector<16xf32>
      %sub3A_1253 = arith.subf %get3A_1251, %sub3A_1252 : vector<16xf32>
      %mul3A_1254 = vector.broadcast %mul3A_1248 : f32 to vector<16xf32>
      %mul3A_1255 = arith.mulf %sub3A_1253, %mul3A_1254 : vector<16xf32>
      %get3A_1256 = arith.constant 0 : index
      %get3A_1257 = tpu.vector_load %arg15[%get3A_1256] {strides = array<i32>} : memref<768xf32, #tpu.memory_space<vmem>>, vector<16xf32>,
      %mul3A_1258 = arith.mulf %mul3A_1255, %get3A_1257 : vector<16xf32>
      %get3A_1259 = arith.constant 0 : index
      %get3A_1260 = tpu.vector_load %arg16[%get3A_1259] {strides = array<i32>} : memref<768xf32, #tpu.memory_space<vmem>>, vector<16xf32>,
      %add3A_1261 = arith.addf %mul3A_1258, %get3A_1260 : vector<16xf32>
      %swap3A_1262 = arith.index_cast %scan3A_13 : i32 to index
      %swap3A_1263 = arith.constant 0 : index
      %swap3A_1264 = tpu.vector_load %arg12[%swap3A_1262, %swap3A_1263] {strides = array<i32>} : memref<64x768xf32, #tpu.memory_space<vmem>>, vector<16xf32>,
      tpu.vector_store %arg12[%swap3A_1262, %swap3A_1263], %add3A_1261 {strides = array<i32>} : memref<64x768xf32, #tpu.memory_space<vmem>>, vector<16xf32>,
      %get3A_1265 = arith.index_cast %scan3A_13 : i32 to index
      %get3A_1266 = arith.constant 16 : index
      %get3A_1267 = tpu.vector_load %arg12[%get3A_1265, %get3A_1266] {strides = array<i32>} : memref<64x768xf32, #tpu.memory_space<vmem>>, vector<16xf32>,
      %sub3A_1268 = vector.broadcast %mul3A_1218 : f32 to vector<16xf32>
      %sub3A_1269 = arith.subf %get3A_1267, %sub3A_1268 : vector<16xf32>
      %mul3A_1270 = vector.broadcast %mul3A_1248 : f32 to vector<16xf32>
      %mul3A_1271 = arith.mulf %sub3A_1269, %mul3A_1270 : vector<16xf32>
      %get3A_1272 = arith.constant 16 : index
      %get3A_1273 = tpu.vector_load %arg15[%get3A_1272] {strides = array<i32>} : memref<768xf32, #tpu.memory_space<vmem>>, vector<16xf32>,
      %mul3A_1274 = arith.mulf %mul3A_1271, %get3A_1273 : vector<16xf32>
      %get3A_1275 = arith.constant 16 : index
      %get3A_1276 = tpu.vector_load %arg16[%get3A_1275] {strides = array<i32>} : memref<768xf32, #tpu.memory_space<vmem>>, vector<16xf32>,
      %add3A_1277 = arith.addf %mul3A_1274, %get3A_1276 : vector<16xf32>
      %swap3A_1278 = arith.index_cast %scan3A_13 : i32 to index
      %swap3A_1279 = arith.constant 16 : index
      %swap3A_1280 = tpu.vector_load %arg12[%swap3A_1278, %swap3A_1279] {strides = array<i32>} : memref<64x768xf32, #tpu.memory_space<vmem>>, vector<16xf32>,
      tpu.vector_store %arg12[%swap3A_1278, %swap3A_1279], %add3A_1277 {strides = array<i32>} : memref<64x768xf32, #tpu.memory_space<vmem>>, vector<16xf32>,
      %get3A_1281 = arith.index_cast %scan3A_13 : i32 to index
      %get3A_1282 = arith.constant 32 : index
      %get3A_1283 = tpu.vector_load %arg12[%get3A_1281, %get3A_1282] {strides = array<i32>} : memref<64x768xf32, #tpu.memory_space<vmem>>, vector<16xf32>,
      %sub3A_1284 = vector.broadcast %mul3A_1218 : f32 to vector<16xf32>
      %sub3A_1285 = arith.subf %get3A_1283, %sub3A_1284 : vector<16xf32>
      %mul3A_1286 = vector.broadcast %mul3A_1248 : f32 to vector<16xf32>
      %mul3A_1287 = arith.mulf %sub3A_1285, %mul3A_1286 : vector<16xf32>
      %get3A_1288 = arith.constant 32 : index
      %get3A_1289 = tpu.vector_load %arg15[%get3A_1288] {strides = array<i32>} : memref<768xf32, #tpu.memory_space<vmem>>, vector<16xf32>,
      %mul3A_1290 = arith.mulf %mul3A_1287, %get3A_1289 : vector<16xf32>
      %get3A_1291 = arith.constant 32 : index
      %get3A_1292 = tpu.vector_load %arg16[%get3A_1291] {strides = array<i32>} : memref<768xf32, #tpu.memory_space<vmem>>, vector<16xf32>,
      %add3A_1293 = arith.addf %mul3A_1290, %get3A_1292 : vector<16xf32>
      %swap3A_1294 = arith.index_cast %scan3A_13 : i32 to index
      %swap3A_1295 = arith.constant 32 : index
      %swap3A_1296 = tpu.vector_load %arg12[%swap3A_1294, %swap3A_1295] {strides = array<i32>} : memref<64x768xf32, #tpu.memory_space<vmem>>, vector<16xf32>,
      tpu.vector_store %arg12[%swap3A_1294, %swap3A_1295], %add3A_1293 {strides = array<i32>} : memref<64x768xf32, #tpu.memory_space<vmem>>, vector<16xf32>,
      %get3A_1297 = arith.index_cast %scan3A_13 : i32 to index
      %get3A_1298 = arith.constant 48 : index
      %get3A_1299 = tpu.vector_load %arg12[%get3A_1297, %get3A_1298] {strides = array<i32>} : memref<64x768xf32, #tpu.memory_space<vmem>>, vector<16xf32>,
      %sub3A_1300 = vector.broadcast %mul3A_1218 : f32 to vector<16xf32>
      %sub3A_1301 = arith.subf %get3A_1299, %sub3A_1300 : vector<16xf32>
      %mul3A_1302 = vector.broadcast %mul3A_1248 : f32 to vector<16xf32>
      %mul3A_1303 = arith.mulf %sub3A_1301, %mul3A_1302 : vector<16xf32>
      %get3A_1304 = arith.constant 48 : index
      %get3A_1305 = tpu.vector_load %arg15[%get3A_1304] {strides = array<i32>} : memref<768xf32, #tpu.memory_space<vmem>>, vector<16xf32>,
      %mul3A_1306 = arith.mulf %mul3A_1303, %get3A_1305 : vector<16xf32>
      %get3A_1307 = arith.constant 48 : index
      %get3A_1308 = tpu.vector_load %arg16[%get3A_1307] {strides = array<i32>} : memref<768xf32, #tpu.memory_space<vmem>>, vector<16xf32>,
      %add3A_1309 = arith.addf %mul3A_1306, %get3A_1308 : vector<16xf32>
      %swap3A_1310 = arith.index_cast %scan3A_13 : i32 to index
      %swap3A_1311 = arith.constant 48 : index
      %swap3A_1312 = tpu.vector_load %arg12[%swap3A_1310, %swap3A_1311] {strides = array<i32>} : memref<64x768xf32, #tpu.memory_space<vmem>>, vector<16xf32>,
      tpu.vector_store %arg12[%swap3A_1310, %swap3A_1311], %add3A_1309 {strides = array<i32>} : memref<64x768xf32, #tpu.memory_space<vmem>>, vector<16xf32>,
      %get3A_1313 = arith.index_cast %scan3A_13 : i32 to index
      %get3A_1314 = arith.constant 64 : index
      %get3A_1315 = tpu.vector_load %arg12[%get3A_1313, %get3A_1314] {strides = array<i32>} : memref<64x768xf32, #tpu.memory_space<vmem>>, vector<16xf32>,
      %sub3A_1316 = vector.broadcast %mul3A_1218 : f32 to vector<16xf32>
      %sub3A_1317 = arith.subf %get3A_1315, %sub3A_1316 : vector<16xf32>
      %mul3A_1318 = vector.broadcast %mul3A_1248 : f32 to vector<16xf32>
      %mul3A_1319 = arith.mulf %sub3A_1317, %mul3A_1318 : vector<16xf32>
      %get3A_1320 = arith.constant 64 : index
      %get3A_1321 = tpu.vector_load %arg15[%get3A_1320] {strides = array<i32>} : memref<768xf32, #tpu.memory_space<vmem>>, vector<16xf32>,
      %mul3A_1322 = arith.mulf %mul3A_1319, %get3A_1321 : vector<16xf32>
      %get3A_1323 = arith.constant 64 : index
      %get3A_1324 = tpu.vector_load %arg16[%get3A_1323] {strides = array<i32>} : memref<768xf32, #tpu.memory_space<vmem>>, vector<16xf32>,
      %add3A_1325 = arith.addf %mul3A_1322, %get3A_1324 : vector<16xf32>
      %swap3A_1326 = arith.index_cast %scan3A_13 : i32 to index
      %swap3A_1327 = arith.constant 64 : index
      %swap3A_1328 = tpu.vector_load %arg12[%swap3A_1326, %swap3A_1327] {strides = array<i32>} : memref<64x768xf32, #tpu.memory_space<vmem>>, vector<16xf32>,
      tpu.vector_store %arg12[%swap3A_1326, %swap3A_1327], %add3A_1325 {strides = array<i32>} : memref<64x768xf32, #tpu.memory_space<vmem>>, vector<16xf32>,
      %get3A_1329 = arith.index_cast %scan3A_13 : i32 to index
      %get3A_1330 = arith.constant 80 : index
      %get3A_1331 = tpu.vector_load %arg12[%get3A_1329, %get3A_1330] {strides = array<i32>} : memref<64x768xf32, #tpu.memory_space<vmem>>, vector<16xf32>,
      %sub3A_1332 = vector.broadcast %mul3A_1218 : f32 to vector<16xf32>
      %sub3A_1333 = arith.subf %get3A_1331, %sub3A_1332 : vector<16xf32>
      %mul3A_1334 = vector.broadcast %mul3A_1248 : f32 to vector<16xf32>
      %mul3A_1335 = arith.mulf %sub3A_1333, %mul3A_1334 : vector<16xf32>
      %get3A_1336 = arith.constant 80 : index
      %get3A_1337 = tpu.vector_load %arg15[%get3A_1336] {strides = array<i32>} : memref<768xf32, #tpu.memory_space<vmem>>, vector<16xf32>,
      %mul3A_1338 = arith.mulf %mul3A_1335, %get3A_1337 : vector<16xf32>
      %get3A_1339 = arith.constant 80 : index
      %get3A_1340 = tpu.vector_load %arg16[%get3A_1339] {strides = array<i32>} : memref<768xf32, #tpu.memory_space<vmem>>, vector<16xf32>,
      %add3A_1341 = arith.addf %mul3A_1338, %get3A_1340 : vector<16xf32>
      %swap3A_1342 = arith.index_cast %scan3A_13 : i32 to index
      %swap3A_1343 = arith.constant 80 : index
      %swap3A_1344 = tpu.vector_load %arg12[%swap3A_1342, %swap3A_1343] {strides = array<i32>} : memref<64x768xf32, #tpu.memory_space<vmem>>, vector<16xf32>,
      tpu.vector_store %arg12[%swap3A_1342, %swap3A_1343], %add3A_1341 {strides = array<i32>} : memref<64x768xf32, #tpu.memory_space<vmem>>, vector<16xf32>,
      %get3A_1345 = arith.index_cast %scan3A_13 : i32 to index
      %get3A_1346 = arith.constant 96 : index
      %get3A_1347 = tpu.vector_load %arg12[%get3A_1345, %get3A_1346] {strides = array<i32>} : memref<64x768xf32, #tpu.memory_space<vmem>>, vector<16xf32>,
      %sub3A_1348 = vector.broadcast %mul3A_1218 : f32 to vector<16xf32>
      %sub3A_1349 = arith.subf %get3A_1347, %sub3A_1348 : vector<16xf32>
      %mul3A_1350 = vector.broadcast %mul3A_1248 : f32 to vector<16xf32>
      %mul3A_1351 = arith.mulf %sub3A_1349, %mul3A_1350 : vector<16xf32>
      %get3A_1352 = arith.constant 96 : index
      %get3A_1353 = tpu.vector_load %arg15[%get3A_1352] {strides = array<i32>} : memref<768xf32, #tpu.memory_space<vmem>>, vector<16xf32>,
      %mul3A_1354 = arith.mulf %mul3A_1351, %get3A_1353 : vector<16xf32>
      %get3A_1355 = arith.constant 96 : index
      %get3A_1356 = tpu.vector_load %arg16[%get3A_1355] {strides = array<i32>} : memref<768xf32, #tpu.memory_space<vmem>>, vector<16xf32>,
      %add3A_1357 = arith.addf %mul3A_1354, %get3A_1356 : vector<16xf32>
      %swap3A_1358 = arith.index_cast %scan3A_13 : i32 to index
      %swap3A_1359 = arith.constant 96 : index
      %swap3A_1360 = tpu.vector_load %arg12[%swap3A_1358, %swap3A_1359] {strides = array<i32>} : memref<64x768xf32, #tpu.memory_space<vmem>>, vector<16xf32>,
      tpu.vector_store %arg12[%swap3A_1358, %swap3A_1359], %add3A_1357 {strides = array<i32>} : memref<64x768xf32, #tpu.memory_space<vmem>>, vector<16xf32>,
      %get3A_1361 = arith.index_cast %scan3A_13 : i32 to index
      %get3A_1362 = arith.constant 112 : index
      %get3A_1363 = tpu.vector_load %arg12[%get3A_1361, %get3A_1362] {strides = array<i32>} : memref<64x768xf32, #tpu.memory_space<vmem>>, vector<16xf32>,
      %sub3A_1364 = vector.broadcast %mul3A_1218 : f32 to vector<16xf32>
      %sub3A_1365 = arith.subf %get3A_1363, %sub3A_1364 : vector<16xf32>
      %mul3A_1366 = vector.broadcast %mul3A_1248 : f32 to vector<16xf32>
      %mul3A_1367 = arith.mulf %sub3A_1365, %mul3A_1366 : vector<16xf32>
      %get3A_1368 = arith.constant 112 : index
      %get3A_1369 = tpu.vector_load %arg15[%get3A_1368] {strides = array<i32>} : memref<768xf32, #tpu.memory_space<vmem>>, vector<16xf32>,
      %mul3A_1370 = arith.mulf %mul3A_1367, %get3A_1369 : vector<16xf32>
      %get3A_1371 = arith.constant 112 : index
      %get3A_1372 = tpu.vector_load %arg16[%get3A_1371] {strides = array<i32>} : memref<768xf32, #tpu.memory_space<vmem>>, vector<16xf32>,
      %add3A_1373 = arith.addf %mul3A_1370, %get3A_1372 : vector<16xf32>
      %swap3A_1374 = arith.index_cast %scan3A_13 : i32 to index
      %swap3A_1375 = arith.constant 112 : index
      %swap3A_1376 = tpu.vector_load %arg12[%swap3A_1374, %swap3A_1375] {strides = array<i32>} : memref<64x768xf32, #tpu.memory_space<vmem>>, vector<16xf32>,
      tpu.vector_store %arg12[%swap3A_1374, %swap3A_1375], %add3A_1373 {strides = array<i32>} : memref<64x768xf32, #tpu.memory_space<vmem>>, vector<16xf32>,
      %get3A_1377 = arith.index_cast %scan3A_13 : i32 to index
      %get3A_1378 = arith.constant 128 : index
      %get3A_1379 = tpu.vector_load %arg12[%get3A_1377, %get3A_1378] {strides = array<i32>} : memref<64x768xf32, #tpu.memory_space<vmem>>, vector<16xf32>,
      %sub3A_1380 = vector.broadcast %mul3A_1218 : f32 to vector<16xf32>
      %sub3A_1381 = arith.subf %get3A_1379, %sub3A_1380 : vector<16xf32>
      %mul3A_1382 = vector.broadcast %mul3A_1248 : f32 to vector<16xf32>
      %mul3A_1383 = arith.mulf %sub3A_1381, %mul3A_1382 : vector<16xf32>
      %get3A_1384 = arith.constant 128 : index
      %get3A_1385 = tpu.vector_load %arg15[%get3A_1384] {strides = array<i32>} : memref<768xf32, #tpu.memory_space<vmem>>, vector<16xf32>,
      %mul3A_1386 = arith.mulf %mul3A_1383, %get3A_1385 : vector<16xf32>
      %get3A_1387 = arith.constant 128 : index
      %get3A_1388 = tpu.vector_load %arg16[%get3A_1387] {strides = array<i32>} : memref<768xf32, #tpu.memory_space<vmem>>, vector<16xf32>,
      %add3A_1389 = arith.addf %mul3A_1386, %get3A_1388 : vector<16xf32>
      %swap3A_1390 = arith.index_cast %scan3A_13 : i32 to index
      %swap3A_1391 = arith.constant 128 : index
      %swap3A_1392 = tpu.vector_load %arg12[%swap3A_1390, %swap3A_1391] {strides = array<i32>} : memref<64x768xf32, #tpu.memory_space<vmem>>, vector<16xf32>,
      tpu.vector_store %arg12[%swap3A_1390, %swap3A_1391], %add3A_1389 {strides = array<i32>} : memref<64x768xf32, #tpu.memory_space<vmem>>, vector<16xf32>,
      %get3A_1393 = arith.index_cast %scan3A_13 : i32 to index
      %get3A_1394 = arith.constant 144 : index
      %get3A_1395 = tpu.vector_load %arg12[%get3A_1393, %get3A_1394] {strides = array<i32>} : memref<64x768xf32, #tpu.memory_space<vmem>>, vector<16xf32>,
      %sub3A_1396 = vector.broadcast %mul3A_1218 : f32 to vector<16xf32>
      %sub3A_1397 = arith.subf %get3A_1395, %sub3A_1396 : vector<16xf32>
      %mul3A_1398 = vector.broadcast %mul3A_1248 : f32 to vector<16xf32>
      %mul3A_1399 = arith.mulf %sub3A_1397, %mul3A_1398 : vector<16xf32>
      %get3A_1400 = arith.constant 144 : index
      %get3A_1401 = tpu.vector_load %arg15[%get3A_1400] {strides = array<i32>} : memref<768xf32, #tpu.memory_space<vmem>>, vector<16xf32>,
      %mul3A_1402 = arith.mulf %mul3A_1399, %get3A_1401 : vector<16xf32>
      %get3A_1403 = arith.constant 144 : index
      %get3A_1404 = tpu.vector_load %arg16[%get3A_1403] {strides = array<i32>} : memref<768xf32, #tpu.memory_space<vmem>>, vector<16xf32>,
      %add3A_1405 = arith.addf %mul3A_1402, %get3A_1404 : vector<16xf32>
      %swap3A_1406 = arith.index_cast %scan3A_13 : i32 to index
      %swap3A_1407 = arith.constant 144 : index
      %swap3A_1408 = tpu.vector_load %arg12[%swap3A_1406, %swap3A_1407] {strides = array<i32>} : memref<64x768xf32, #tpu.memory_space<vmem>>, vector<16xf32>,
      tpu.vector_store %arg12[%swap3A_1406, %swap3A_1407], %add3A_1405 {strides = array<i32>} : memref<64x768xf32, #tpu.memory_space<vmem>>, vector<16xf32>,
      %get3A_1409 = arith.index_cast %scan3A_13 : i32 to index
      %get3A_1410 = arith.constant 160 : index
      %get3A_1411 = tpu.vector_load %arg12[%get3A_1409, %get3A_1410] {strides = array<i32>} : memref<64x768xf32, #tpu.memory_space<vmem>>, vector<16xf32>,
      %sub3A_1412 = vector.broadcast %mul3A_1218 : f32 to vector<16xf32>
      %sub3A_1413 = arith.subf %get3A_1411, %sub3A_1412 : vector<16xf32>
      %mul3A_1414 = vector.broadcast %mul3A_1248 : f32 to vector<16xf32>
      %mul3A_1415 = arith.mulf %sub3A_1413, %mul3A_1414 : vector<16xf32>
      %get3A_1416 = arith.constant 160 : index
      %get3A_1417 = tpu.vector_load %arg15[%get3A_1416] {strides = array<i32>} : memref<768xf32, #tpu.memory_space<vmem>>, vector<16xf32>,
      %mul3A_1418 = arith.mulf %mul3A_1415, %get3A_1417 : vector<16xf32>
      %get3A_1419 = arith.constant 160 : index
      %get3A_1420 = tpu.vector_load %arg16[%get3A_1419] {strides = array<i32>} : memref<768xf32, #tpu.memory_space<vmem>>, vector<16xf32>,
      %add3A_1421 = arith.addf %mul3A_1418, %get3A_1420 : vector<16xf32>
      %swap3A_1422 = arith.index_cast %scan3A_13 : i32 to index
      %swap3A_1423 = arith.constant 160 : index
      %swap3A_1424 = tpu.vector_load %arg12[%swap3A_1422, %swap3A_1423] {strides = array<i32>} : memref<64x768xf32, #tpu.memory_space<vmem>>, vector<16xf32>,
      tpu.vector_store %arg12[%swap3A_1422, %swap3A_1423], %add3A_1421 {strides = array<i32>} : memref<64x768xf32, #tpu.memory_space<vmem>>, vector<16xf32>,
      %get3A_1425 = arith.index_cast %scan3A_13 : i32 to index
      %get3A_1426 = arith.constant 176 : index
      %get3A_1427 = tpu.vector_load %arg12[%get3A_1425, %get3A_1426] {strides = array<i32>} : memref<64x768xf32, #tpu.memory_space<vmem>>, vector<16xf32>,
      %sub3A_1428 = vector.broadcast %mul3A_1218 : f32 to vector<16xf32>
      %sub3A_1429 = arith.subf %get3A_1427, %sub3A_1428 : vector<16xf32>
      %mul3A_1430 = vector.broadcast %mul3A_1248 : f32 to vector<16xf32>
      %mul3A_1431 = arith.mulf %sub3A_1429, %mul3A_1430 : vector<16xf32>
      %get3A_1432 = arith.constant 176 : index
      %get3A_1433 = tpu.vector_load %arg15[%get3A_1432] {strides = array<i32>} : memref<768xf32, #tpu.memory_space<vmem>>, vector<16xf32>,
      %mul3A_1434 = arith.mulf %mul3A_1431, %get3A_1433 : vector<16xf32>
      %get3A_1435 = arith.constant 176 : index
      %get3A_1436 = tpu.vector_load %arg16[%get3A_1435] {strides = array<i32>} : memref<768xf32, #tpu.memory_space<vmem>>, vector<16xf32>,
      %add3A_1437 = arith.addf %mul3A_1434, %get3A_1436 : vector<16xf32>
      %swap3A_1438 = arith.index_cast %scan3A_13 : i32 to index
      %swap3A_1439 = arith.constant 176 : index
      %swap3A_1440 = tpu.vector_load %arg12[%swap3A_1438, %swap3A_1439] {strides = array<i32>} : memref<64x768xf32, #tpu.memory_space<vmem>>, vector<16xf32>,
      tpu.vector_store %arg12[%swap3A_1438, %swap3A_1439], %add3A_1437 {strides = array<i32>} : memref<64x768xf32, #tpu.memory_space<vmem>>, vector<16xf32>,
      %get3A_1441 = arith.index_cast %scan3A_13 : i32 to index
      %get3A_1442 = arith.constant 192 : index
      %get3A_1443 = tpu.vector_load %arg12[%get3A_1441, %get3A_1442] {strides = array<i32>} : memref<64x768xf32, #tpu.memory_space<vmem>>, vector<16xf32>,
      %sub3A_1444 = vector.broadcast %mul3A_1218 : f32 to vector<16xf32>
      %sub3A_1445 = arith.subf %get3A_1443, %sub3A_1444 : vector<16xf32>
      %mul3A_1446 = vector.broadcast %mul3A_1248 : f32 to vector<16xf32>
      %mul3A_1447 = arith.mulf %sub3A_1445, %mul3A_1446 : vector<16xf32>
      %get3A_1448 = arith.constant 192 : index
      %get3A_1449 = tpu.vector_load %arg15[%get3A_1448] {strides = array<i32>} : memref<768xf32, #tpu.memory_space<vmem>>, vector<16xf32>,
      %mul3A_1450 = arith.mulf %mul3A_1447, %get3A_1449 : vector<16xf32>
      %get3A_1451 = arith.constant 192 : index
      %get3A_1452 = tpu.vector_load %arg16[%get3A_1451] {strides = array<i32>} : memref<768xf32, #tpu.memory_space<vmem>>, vector<16xf32>,
      %add3A_1453 = arith.addf %mul3A_1450, %get3A_1452 : vector<16xf32>
      %swap3A_1454 = arith.index_cast %scan3A_13 : i32 to index
      %swap3A_1455 = arith.constant 192 : index
      %swap3A_1456 = tpu.vector_load %arg12[%swap3A_1454, %swap3A_1455] {strides = array<i32>} : memref<64x768xf32, #tpu.memory_space<vmem>>, vector<16xf32>,
      tpu.vector_store %arg12[%swap3A_1454, %swap3A_1455], %add3A_1453 {strides = array<i32>} : memref<64x768xf32, #tpu.memory_space<vmem>>, vector<16xf32>,
      %get3A_1457 = arith.index_cast %scan3A_13 : i32 to index
      %get3A_1458 = arith.constant 208 : index
      %get3A_1459 = tpu.vector_load %arg12[%get3A_1457, %get3A_1458] {strides = array<i32>} : memref<64x768xf32, #tpu.memory_space<vmem>>, vector<16xf32>,
      %sub3A_1460 = vector.broadcast %mul3A_1218 : f32 to vector<16xf32>
      %sub3A_1461 = arith.subf %get3A_1459, %sub3A_1460 : vector<16xf32>
      %mul3A_1462 = vector.broadcast %mul3A_1248 : f32 to vector<16xf32>
      %mul3A_1463 = arith.mulf %sub3A_1461, %mul3A_1462 : vector<16xf32>
      %get3A_1464 = arith.constant 208 : index
      %get3A_1465 = tpu.vector_load %arg15[%get3A_1464] {strides = array<i32>} : memref<768xf32, #tpu.memory_space<vmem>>, vector<16xf32>,
      %mul3A_1466 = arith.mulf %mul3A_1463, %get3A_1465 : vector<16xf32>
      %get3A_1467 = arith.constant 208 : index
      %get3A_1468 = tpu.vector_load %arg16[%get3A_1467] {strides = array<i32>} : memref<768xf32, #tpu.memory_space<vmem>>, vector<16xf32>,
      %add3A_1469 = arith.addf %mul3A_1466, %get3A_1468 : vector<16xf32>
      %swap3A_1470 = arith.index_cast %scan3A_13 : i32 to index
      %swap3A_1471 = arith.constant 208 : index
      %swap3A_1472 = tpu.vector_load %arg12[%swap3A_1470, %swap3A_1471] {strides = array<i32>} : memref<64x768xf32, #tpu.memory_space<vmem>>, vector<16xf32>,
      tpu.vector_store %arg12[%swap3A_1470, %swap3A_1471], %add3A_1469 {strides = array<i32>} : memref<64x768xf32, #tpu.memory_space<vmem>>, vector<16xf32>,
      %get3A_1473 = arith.index_cast %scan3A_13 : i32 to index
      %get3A_1474 = arith.constant 224 : index
      %get3A_1475 = tpu.vector_load %arg12[%get3A_1473, %get3A_1474] {strides = array<i32>} : memref<64x768xf32, #tpu.memory_space<vmem>>, vector<16xf32>,
      %sub3A_1476 = vector.broadcast %mul3A_1218 : f32 to vector<16xf32>
      %sub3A_1477 = arith.subf %get3A_1475, %sub3A_1476 : vector<16xf32>
      %mul3A_1478 = vector.broadcast %mul3A_1248 : f32 to vector<16xf32>
      %mul3A_1479 = arith.mulf %sub3A_1477, %mul3A_1478 : vector<16xf32>
      %get3A_1480 = arith.constant 224 : index
      %get3A_1481 = tpu.vector_load %arg15[%get3A_1480] {strides = array<i32>} : memref<768xf32, #tpu.memory_space<vmem>>, vector<16xf32>,
      %mul3A_1482 = arith.mulf %mul3A_1479, %get3A_1481 : vector<16xf32>
      %get3A_1483 = arith.constant 224 : index
      %get3A_1484 = tpu.vector_load %arg16[%get3A_1483] {strides = array<i32>} : memref<768xf32, #tpu.memory_space<vmem>>, vector<16xf32>,
      %add3A_1485 = arith.addf %mul3A_1482, %get3A_1484 : vector<16xf32>
      %swap3A_1486 = arith.index_cast %scan3A_13 : i32 to index
      %swap3A_1487 = arith.constant 224 : index
      %swap3A_1488 = tpu.vector_load %arg12[%swap3A_1486, %swap3A_1487] {strides = array<i32>} : memref<64x768xf32, #tpu.memory_space<vmem>>, vector<16xf32>,
      tpu.vector_store %arg12[%swap3A_1486, %swap3A_1487], %add3A_1485 {strides = array<i32>} : memref<64x768xf32, #tpu.memory_space<vmem>>, vector<16xf32>,
      %get3A_1489 = arith.index_cast %scan3A_13 : i32 to index
      %get3A_1490 = arith.constant 240 : index
      %get3A_1491 = tpu.vector_load %arg12[%get3A_1489, %get3A_1490] {strides = array<i32>} : memref<64x768xf32, #tpu.memory_space<vmem>>, vector<16xf32>,
      %sub3A_1492 = vector.broadcast %mul3A_1218 : f32 to vector<16xf32>
      %sub3A_1493 = arith.subf %get3A_1491, %sub3A_1492 : vector<16xf32>
      %mul3A_1494 = vector.broadcast %mul3A_1248 : f32 to vector<16xf32>
      %mul3A_1495 = arith.mulf %sub3A_1493, %mul3A_1494 : vector<16xf32>
      %get3A_1496 = arith.constant 240 : index
      %get3A_1497 = tpu.vector_load %arg15[%get3A_1496] {strides = array<i32>} : memref<768xf32, #tpu.memory_space<vmem>>, vector<16xf32>,
      %mul3A_1498 = arith.mulf %mul3A_1495, %get3A_1497 : vector<16xf32>
      %get3A_1499 = arith.constant 240 : index
      %get3A_1500 = tpu.vector_load %arg16[%get3A_1499] {strides = array<i32>} : memref<768xf32, #tpu.memory_space<vmem>>, vector<16xf32>,
      %add3A_1501 = arith.addf %mul3A_1498, %get3A_1500 : vector<16xf32>
      %swap3A_1502 = arith.index_cast %scan3A_13 : i32 to index
      %swap3A_1503 = arith.constant 240 : index
      %swap3A_1504 = tpu.vector_load %arg12[%swap3A_1502, %swap3A_1503] {strides = array<i32>} : memref<64x768xf32, #tpu.memory_space<vmem>>, vector<16xf32>,
      tpu.vector_store %arg12[%swap3A_1502, %swap3A_1503], %add3A_1501 {strides = array<i32>} : memref<64x768xf32, #tpu.memory_space<vmem>>, vector<16xf32>,
      %get3A_1505 = arith.index_cast %scan3A_13 : i32 to index
      %get3A_1506 = arith.constant 256 : index
      %get3A_1507 = tpu.vector_load %arg12[%get3A_1505, %get3A_1506] {strides = array<i32>} : memref<64x768xf32, #tpu.memory_space<vmem>>, vector<16xf32>,
      %sub3A_1508 = vector.broadcast %mul3A_1218 : f32 to vector<16xf32>
      %sub3A_1509 = arith.subf %get3A_1507, %sub3A_1508 : vector<16xf32>
      %mul3A_1510 = vector.broadcast %mul3A_1248 : f32 to vector<16xf32>
      %mul3A_1511 = arith.mulf %sub3A_1509, %mul3A_1510 : vector<16xf32>
      %get3A_1512 = arith.constant 256 : index
      %get3A_1513 = tpu.vector_load %arg15[%get3A_1512] {strides = array<i32>} : memref<768xf32, #tpu.memory_space<vmem>>, vector<16xf32>,
      %mul3A_1514 = arith.mulf %mul3A_1511, %get3A_1513 : vector<16xf32>
      %get3A_1515 = arith.constant 256 : index
      %get3A_1516 = tpu.vector_load %arg16[%get3A_1515] {strides = array<i32>} : memref<768xf32, #tpu.memory_space<vmem>>, vector<16xf32>,
      %add3A_1517 = arith.addf %mul3A_1514, %get3A_1516 : vector<16xf32>
      %swap3A_1518 = arith.index_cast %scan3A_13 : i32 to index
      %swap3A_1519 = arith.constant 256 : index
      %swap3A_1520 = tpu.vector_load %arg12[%swap3A_1518, %swap3A_1519] {strides = array<i32>} : memref<64x768xf32, #tpu.memory_space<vmem>>, vector<16xf32>,
      tpu.vector_store %arg12[%swap3A_1518, %swap3A_1519], %add3A_1517 {strides = array<i32>} : memref<64x768xf32, #tpu.memory_space<vmem>>, vector<16xf32>,
      %get3A_1521 = arith.index_cast %scan3A_13 : i32 to index
      %get3A_1522 = arith.constant 272 : index
      %get3A_1523 = tpu.vector_load %arg12[%get3A_1521, %get3A_1522] {strides = array<i32>} : memref<64x768xf32, #tpu.memory_space<vmem>>, vector<16xf32>,
      %sub3A_1524 = vector.broadcast %mul3A_1218 : f32 to vector<16xf32>
      %sub3A_1525 = arith.subf %get3A_1523, %sub3A_1524 : vector<16xf32>
      %mul3A_1526 = vector.broadcast %mul3A_1248 : f32 to vector<16xf32>
      %mul3A_1527 = arith.mulf %sub3A_1525, %mul3A_1526 : vector<16xf32>
      %get3A_1528 = arith.constant 272 : index
      %get3A_1529 = tpu.vector_load %arg15[%get3A_1528] {strides = array<i32>} : memref<768xf32, #tpu.memory_space<vmem>>, vector<16xf32>,
      %mul3A_1530 = arith.mulf %mul3A_1527, %get3A_1529 : vector<16xf32>
      %get3A_1531 = arith.constant 272 : index
      %get3A_1532 = tpu.vector_load %arg16[%get3A_1531] {strides = array<i32>} : memref<768xf32, #tpu.memory_space<vmem>>, vector<16xf32>,
      %add3A_1533 = arith.addf %mul3A_1530, %get3A_1532 : vector<16xf32>
      %swap3A_1534 = arith.index_cast %scan3A_13 : i32 to index
      %swap3A_1535 = arith.constant 272 : index
      %swap3A_1536 = tpu.vector_load %arg12[%swap3A_1534, %swap3A_1535] {strides = array<i32>} : memref<64x768xf32, #tpu.memory_space<vmem>>, vector<16xf32>,
      tpu.vector_store %arg12[%swap3A_1534, %swap3A_1535], %add3A_1533 {strides = array<i32>} : memref<64x768xf32, #tpu.memory_space<vmem>>, vector<16xf32>,
      %get3A_1537 = arith.index_cast %scan3A_13 : i32 to index
      %get3A_1538 = arith.constant 288 : index
      %get3A_1539 = tpu.vector_load %arg12[%get3A_1537, %get3A_1538] {strides = array<i32>} : memref<64x768xf32, #tpu.memory_space<vmem>>, vector<16xf32>,
      %sub3A_1540 = vector.broadcast %mul3A_1218 : f32 to vector<16xf32>
      %sub3A_1541 = arith.subf %get3A_1539, %sub3A_1540 : vector<16xf32>
      %mul3A_1542 = vector.broadcast %mul3A_1248 : f32 to vector<16xf32>
      %mul3A_1543 = arith.mulf %sub3A_1541, %mul3A_1542 : vector<16xf32>
      %get3A_1544 = arith.constant 288 : index
      %get3A_1545 = tpu.vector_load %arg15[%get3A_1544] {strides = array<i32>} : memref<768xf32, #tpu.memory_space<vmem>>, vector<16xf32>,
      %mul3A_1546 = arith.mulf %mul3A_1543, %get3A_1545 : vector<16xf32>
      %get3A_1547 = arith.constant 288 : index
      %get3A_1548 = tpu.vector_load %arg16[%get3A_1547] {strides = array<i32>} : memref<768xf32, #tpu.memory_space<vmem>>, vector<16xf32>,
      %add3A_1549 = arith.addf %mul3A_1546, %get3A_1548 : vector<16xf32>
      %swap3A_1550 = arith.index_cast %scan3A_13 : i32 to index
      %swap3A_1551 = arith.constant 288 : index
      %swap3A_1552 = tpu.vector_load %arg12[%swap3A_1550, %swap3A_1551] {strides = array<i32>} : memref<64x768xf32, #tpu.memory_space<vmem>>, vector<16xf32>,
      tpu.vector_store %arg12[%swap3A_1550, %swap3A_1551], %add3A_1549 {strides = array<i32>} : memref<64x768xf32, #tpu.memory_space<vmem>>, vector<16xf32>,
      %get3A_1553 = arith.index_cast %scan3A_13 : i32 to index
      %get3A_1554 = arith.constant 304 : index
      %get3A_1555 = tpu.vector_load %arg12[%get3A_1553, %get3A_1554] {strides = array<i32>} : memref<64x768xf32, #tpu.memory_space<vmem>>, vector<16xf32>,
      %sub3A_1556 = vector.broadcast %mul3A_1218 : f32 to vector<16xf32>
      %sub3A_1557 = arith.subf %get3A_1555, %sub3A_1556 : vector<16xf32>
      %mul3A_1558 = vector.broadcast %mul3A_1248 : f32 to vector<16xf32>
      %mul3A_1559 = arith.mulf %sub3A_1557, %mul3A_1558 : vector<16xf32>
      %get3A_1560 = arith.constant 304 : index
      %get3A_1561 = tpu.vector_load %arg15[%get3A_1560] {strides = array<i32>} : memref<768xf32, #tpu.memory_space<vmem>>, vector<16xf32>,
      %mul3A_1562 = arith.mulf %mul3A_1559, %get3A_1561 : vector<16xf32>
      %get3A_1563 = arith.constant 304 : index
      %get3A_1564 = tpu.vector_load %arg16[%get3A_1563] {strides = array<i32>} : memref<768xf32, #tpu.memory_space<vmem>>, vector<16xf32>,
      %add3A_1565 = arith.addf %mul3A_1562, %get3A_1564 : vector<16xf32>
      %swap3A_1566 = arith.index_cast %scan3A_13 : i32 to index
      %swap3A_1567 = arith.constant 304 : index
      %swap3A_1568 = tpu.vector_load %arg12[%swap3A_1566, %swap3A_1567] {strides = array<i32>} : memref<64x768xf32, #tpu.memory_space<vmem>>, vector<16xf32>,
      tpu.vector_store %arg12[%swap3A_1566, %swap3A_1567], %add3A_1565 {strides = array<i32>} : memref<64x768xf32, #tpu.memory_space<vmem>>, vector<16xf32>,
      %get3A_1569 = arith.index_cast %scan3A_13 : i32 to index
      %get3A_1570 = arith.constant 320 : index
      %get3A_1571 = tpu.vector_load %arg12[%get3A_1569, %get3A_1570] {strides = array<i32>} : memref<64x768xf32, #tpu.memory_space<vmem>>, vector<16xf32>,
      %sub3A_1572 = vector.broadcast %mul3A_1218 : f32 to vector<16xf32>
      %sub3A_1573 = arith.subf %get3A_1571, %sub3A_1572 : vector<16xf32>
      %mul3A_1574 = vector.broadcast %mul3A_1248 : f32 to vector<16xf32>
      %mul3A_1575 = arith.mulf %sub3A_1573, %mul3A_1574 : vector<16xf32>
      %get3A_1576 = arith.constant 320 : index
      %get3A_1577 = tpu.vector_load %arg15[%get3A_1576] {strides = array<i32>} : memref<768xf32, #tpu.memory_space<vmem>>, vector<16xf32>,
      %mul3A_1578 = arith.mulf %mul3A_1575, %get3A_1577 : vector<16xf32>
      %get3A_1579 = arith.constant 320 : index
      %get3A_1580 = tpu.vector_load %arg16[%get3A_1579] {strides = array<i32>} : memref<768xf32, #tpu.memory_space<vmem>>, vector<16xf32>,
      %add3A_1581 = arith.addf %mul3A_1578, %get3A_1580 : vector<16xf32>
      %swap3A_1582 = arith.index_cast %scan3A_13 : i32 to index
      %swap3A_1583 = arith.constant 320 : index
      %swap3A_1584 = tpu.vector_load %arg12[%swap3A_1582, %swap3A_1583] {strides = array<i32>} : memref<64x768xf32, #tpu.memory_space<vmem>>, vector<16xf32>,
      tpu.vector_store %arg12[%swap3A_1582, %swap3A_1583], %add3A_1581 {strides = array<i32>} : memref<64x768xf32, #tpu.memory_space<vmem>>, vector<16xf32>,
      %get3A_1585 = arith.index_cast %scan3A_13 : i32 to index
      %get3A_1586 = arith.constant 336 : index
      %get3A_1587 = tpu.vector_load %arg12[%get3A_1585, %get3A_1586] {strides = array<i32>} : memref<64x768xf32, #tpu.memory_space<vmem>>, vector<16xf32>,
      %sub3A_1588 = vector.broadcast %mul3A_1218 : f32 to vector<16xf32>
      %sub3A_1589 = arith.subf %get3A_1587, %sub3A_1588 : vector<16xf32>
      %mul3A_1590 = vector.broadcast %mul3A_1248 : f32 to vector<16xf32>
      %mul3A_1591 = arith.mulf %sub3A_1589, %mul3A_1590 : vector<16xf32>
      %get3A_1592 = arith.constant 336 : index
      %get3A_1593 = tpu.vector_load %arg15[%get3A_1592] {strides = array<i32>} : memref<768xf32, #tpu.memory_space<vmem>>, vector<16xf32>,
      %mul3A_1594 = arith.mulf %mul3A_1591, %get3A_1593 : vector<16xf32>
      %get3A_1595 = arith.constant 336 : index
      %get3A_1596 = tpu.vector_load %arg16[%get3A_1595] {strides = array<i32>} : memref<768xf32, #tpu.memory_space<vmem>>, vector<16xf32>,
      %add3A_1597 = arith.addf %mul3A_1594, %get3A_1596 : vector<16xf32>
      %swap3A_1598 = arith.index_cast %scan3A_13 : i32 to index
      %swap3A_1599 = arith.constant 336 : index
      %swap3A_1600 = tpu.vector_load %arg12[%swap3A_1598, %swap3A_1599] {strides = array<i32>} : memref<64x768xf32, #tpu.memory_space<vmem>>, vector<16xf32>,
      tpu.vector_store %arg12[%swap3A_1598, %swap3A_1599], %add3A_1597 {strides = array<i32>} : memref<64x768xf32, #tpu.memory_space<vmem>>, vector<16xf32>,
      %get3A_1601 = arith.index_cast %scan3A_13 : i32 to index
      %get3A_1602 = arith.constant 352 : index
      %get3A_1603 = tpu.vector_load %arg12[%get3A_1601, %get3A_1602] {strides = array<i32>} : memref<64x768xf32, #tpu.memory_space<vmem>>, vector<16xf32>,
      %sub3A_1604 = vector.broadcast %mul3A_1218 : f32 to vector<16xf32>
      %sub3A_1605 = arith.subf %get3A_1603, %sub3A_1604 : vector<16xf32>
      %mul3A_1606 = vector.broadcast %mul3A_1248 : f32 to vector<16xf32>
      %mul3A_1607 = arith.mulf %sub3A_1605, %mul3A_1606 : vector<16xf32>
      %get3A_1608 = arith.constant 352 : index
      %get3A_1609 = tpu.vector_load %arg15[%get3A_1608] {strides = array<i32>} : memref<768xf32, #tpu.memory_space<vmem>>, vector<16xf32>,
      %mul3A_1610 = arith.mulf %mul3A_1607, %get3A_1609 : vector<16xf32>
      %get3A_1611 = arith.constant 352 : index
      %get3A_1612 = tpu.vector_load %arg16[%get3A_1611] {strides = array<i32>} : memref<768xf32, #tpu.memory_space<vmem>>, vector<16xf32>,
      %add3A_1613 = arith.addf %mul3A_1610, %get3A_1612 : vector<16xf32>
      %swap3A_1614 = arith.index_cast %scan3A_13 : i32 to index
      %swap3A_1615 = arith.constant 352 : index
      %swap3A_1616 = tpu.vector_load %arg12[%swap3A_1614, %swap3A_1615] {strides = array<i32>} : memref<64x768xf32, #tpu.memory_space<vmem>>, vector<16xf32>,
      tpu.vector_store %arg12[%swap3A_1614, %swap3A_1615], %add3A_1613 {strides = array<i32>} : memref<64x768xf32, #tpu.memory_space<vmem>>, vector<16xf32>,
      %get3A_1617 = arith.index_cast %scan3A_13 : i32 to index
      %get3A_1618 = arith.constant 368 : index
      %get3A_1619 = tpu.vector_load %arg12[%get3A_1617, %get3A_1618] {strides = array<i32>} : memref<64x768xf32, #tpu.memory_space<vmem>>, vector<16xf32>,
      %sub3A_1620 = vector.broadcast %mul3A_1218 : f32 to vector<16xf32>
      %sub3A_1621 = arith.subf %get3A_1619, %sub3A_1620 : vector<16xf32>
      %mul3A_1622 = vector.broadcast %mul3A_1248 : f32 to vector<16xf32>
      %mul3A_1623 = arith.mulf %sub3A_1621, %mul3A_1622 : vector<16xf32>
      %get3A_1624 = arith.constant 368 : index
      %get3A_1625 = tpu.vector_load %arg15[%get3A_1624] {strides = array<i32>} : memref<768xf32, #tpu.memory_space<vmem>>, vector<16xf32>,
      %mul3A_1626 = arith.mulf %mul3A_1623, %get3A_1625 : vector<16xf32>
      %get3A_1627 = arith.constant 368 : index
      %get3A_1628 = tpu.vector_load %arg16[%get3A_1627] {strides = array<i32>} : memref<768xf32, #tpu.memory_space<vmem>>, vector<16xf32>,
      %add3A_1629 = arith.addf %mul3A_1626, %get3A_1628 : vector<16xf32>
      %swap3A_1630 = arith.index_cast %scan3A_13 : i32 to index
      %swap3A_1631 = arith.constant 368 : index
      %swap3A_1632 = tpu.vector_load %arg12[%swap3A_1630, %swap3A_1631] {strides = array<i32>} : memref<64x768xf32, #tpu.memory_space<vmem>>, vector<16xf32>,
      tpu.vector_store %arg12[%swap3A_1630, %swap3A_1631], %add3A_1629 {strides = array<i32>} : memref<64x768xf32, #tpu.memory_space<vmem>>, vector<16xf32>,
      %get3A_1633 = arith.index_cast %scan3A_13 : i32 to index
      %get3A_1634 = arith.constant 384 : index
      %get3A_1635 = tpu.vector_load %arg12[%get3A_1633, %get3A_1634] {strides = array<i32>} : memref<64x768xf32, #tpu.memory_space<vmem>>, vector<16xf32>,
      %sub3A_1636 = vector.broadcast %mul3A_1218 : f32 to vector<16xf32>
      %sub3A_1637 = arith.subf %get3A_1635, %sub3A_1636 : vector<16xf32>
      %mul3A_1638 = vector.broadcast %mul3A_1248 : f32 to vector<16xf32>
      %mul3A_1639 = arith.mulf %sub3A_1637, %mul3A_1638 : vector<16xf32>
      %get3A_1640 = arith.constant 384 : index
      %get3A_1641 = tpu.vector_load %arg15[%get3A_1640] {strides = array<i32>} : memref<768xf32, #tpu.memory_space<vmem>>, vector<16xf32>,
      %mul3A_1642 = arith.mulf %mul3A_1639, %get3A_1641 : vector<16xf32>
      %get3A_1643 = arith.constant 384 : index
      %get3A_1644 = tpu.vector_load %arg16[%get3A_1643] {strides = array<i32>} : memref<768xf32, #tpu.memory_space<vmem>>, vector<16xf32>,
      %add3A_1645 = arith.addf %mul3A_1642, %get3A_1644 : vector<16xf32>
      %swap3A_1646 = arith.index_cast %scan3A_13 : i32 to index
      %swap3A_1647 = arith.constant 384 : index
      %swap3A_1648 = tpu.vector_load %arg12[%swap3A_1646, %swap3A_1647] {strides = array<i32>} : memref<64x768xf32, #tpu.memory_space<vmem>>, vector<16xf32>,
      tpu.vector_store %arg12[%swap3A_1646, %swap3A_1647], %add3A_1645 {strides = array<i32>} : memref<64x768xf32, #tpu.memory_space<vmem>>, vector<16xf32>,
      %get3A_1649 = arith.index_cast %scan3A_13 : i32 to index
      %get3A_1650 = arith.constant 400 : index
      %get3A_1651 = tpu.vector_load %arg12[%get3A_1649, %get3A_1650] {strides = array<i32>} : memref<64x768xf32, #tpu.memory_space<vmem>>, vector<16xf32>,
      %sub3A_1652 = vector.broadcast %mul3A_1218 : f32 to vector<16xf32>
      %sub3A_1653 = arith.subf %get3A_1651, %sub3A_1652 : vector<16xf32>
      %mul3A_1654 = vector.broadcast %mul3A_1248 : f32 to vector<16xf32>
      %mul3A_1655 = arith.mulf %sub3A_1653, %mul3A_1654 : vector<16xf32>
      %get3A_1656 = arith.constant 400 : index
      %get3A_1657 = tpu.vector_load %arg15[%get3A_1656] {strides = array<i32>} : memref<768xf32, #tpu.memory_space<vmem>>, vector<16xf32>,
      %mul3A_1658 = arith.mulf %mul3A_1655, %get3A_1657 : vector<16xf32>
      %get3A_1659 = arith.constant 400 : index
      %get3A_1660 = tpu.vector_load %arg16[%get3A_1659] {strides = array<i32>} : memref<768xf32, #tpu.memory_space<vmem>>, vector<16xf32>,
      %add3A_1661 = arith.addf %mul3A_1658, %get3A_1660 : vector<16xf32>
      %swap3A_1662 = arith.index_cast %scan3A_13 : i32 to index
      %swap3A_1663 = arith.constant 400 : index
      %swap3A_1664 = tpu.vector_load %arg12[%swap3A_1662, %swap3A_1663] {strides = array<i32>} : memref<64x768xf32, #tpu.memory_space<vmem>>, vector<16xf32>,
      tpu.vector_store %arg12[%swap3A_1662, %swap3A_1663], %add3A_1661 {strides = array<i32>} : memref<64x768xf32, #tpu.memory_space<vmem>>, vector<16xf32>,
      %get3A_1665 = arith.index_cast %scan3A_13 : i32 to index
      %get3A_1666 = arith.constant 416 : index
      %get3A_1667 = tpu.vector_load %arg12[%get3A_1665, %get3A_1666] {strides = array<i32>} : memref<64x768xf32, #tpu.memory_space<vmem>>, vector<16xf32>,
      %sub3A_1668 = vector.broadcast %mul3A_1218 : f32 to vector<16xf32>
      %sub3A_1669 = arith.subf %get3A_1667, %sub3A_1668 : vector<16xf32>
      %mul3A_1670 = vector.broadcast %mul3A_1248 : f32 to vector<16xf32>
      %mul3A_1671 = arith.mulf %sub3A_1669, %mul3A_1670 : vector<16xf32>
      %get3A_1672 = arith.constant 416 : index
      %get3A_1673 = tpu.vector_load %arg15[%get3A_1672] {strides = array<i32>} : memref<768xf32, #tpu.memory_space<vmem>>, vector<16xf32>,
      %mul3A_1674 = arith.mulf %mul3A_1671, %get3A_1673 : vector<16xf32>
      %get3A_1675 = arith.constant 416 : index
      %get3A_1676 = tpu.vector_load %arg16[%get3A_1675] {strides = array<i32>} : memref<768xf32, #tpu.memory_space<vmem>>, vector<16xf32>,
      %add3A_1677 = arith.addf %mul3A_1674, %get3A_1676 : vector<16xf32>
      %swap3A_1678 = arith.index_cast %scan3A_13 : i32 to index
      %swap3A_1679 = arith.constant 416 : index
      %swap3A_1680 = tpu.vector_load %arg12[%swap3A_1678, %swap3A_1679] {strides = array<i32>} : memref<64x768xf32, #tpu.memory_space<vmem>>, vector<16xf32>,
      tpu.vector_store %arg12[%swap3A_1678, %swap3A_1679], %add3A_1677 {strides = array<i32>} : memref<64x768xf32, #tpu.memory_space<vmem>>, vector<16xf32>,
      %get3A_1681 = arith.index_cast %scan3A_13 : i32 to index
      %get3A_1682 = arith.constant 432 : index
      %get3A_1683 = tpu.vector_load %arg12[%get3A_1681, %get3A_1682] {strides = array<i32>} : memref<64x768xf32, #tpu.memory_space<vmem>>, vector<16xf32>,
      %sub3A_1684 = vector.broadcast %mul3A_1218 : f32 to vector<16xf32>
      %sub3A_1685 = arith.subf %get3A_1683, %sub3A_1684 : vector<16xf32>
      %mul3A_1686 = vector.broadcast %mul3A_1248 : f32 to vector<16xf32>
      %mul3A_1687 = arith.mulf %sub3A_1685, %mul3A_1686 : vector<16xf32>
      %get3A_1688 = arith.constant 432 : index
      %get3A_1689 = tpu.vector_load %arg15[%get3A_1688] {strides = array<i32>} : memref<768xf32, #tpu.memory_space<vmem>>, vector<16xf32>,
      %mul3A_1690 = arith.mulf %mul3A_1687, %get3A_1689 : vector<16xf32>
      %get3A_1691 = arith.constant 432 : index
      %get3A_1692 = tpu.vector_load %arg16[%get3A_1691] {strides = array<i32>} : memref<768xf32, #tpu.memory_space<vmem>>, vector<16xf32>,
      %add3A_1693 = arith.addf %mul3A_1690, %get3A_1692 : vector<16xf32>
      %swap3A_1694 = arith.index_cast %scan3A_13 : i32 to index
      %swap3A_1695 = arith.constant 432 : index
      %swap3A_1696 = tpu.vector_load %arg12[%swap3A_1694, %swap3A_1695] {strides = array<i32>} : memref<64x768xf32, #tpu.memory_space<vmem>>, vector<16xf32>,
      tpu.vector_store %arg12[%swap3A_1694, %swap3A_1695], %add3A_1693 {strides = array<i32>} : memref<64x768xf32, #tpu.memory_space<vmem>>, vector<16xf32>,
      %get3A_1697 = arith.index_cast %scan3A_13 : i32 to index
      %get3A_1698 = arith.constant 448 : index
      %get3A_1699 = tpu.vector_load %arg12[%get3A_1697, %get3A_1698] {strides = array<i32>} : memref<64x768xf32, #tpu.memory_space<vmem>>, vector<16xf32>,
      %sub3A_1700 = vector.broadcast %mul3A_1218 : f32 to vector<16xf32>
      %sub3A_1701 = arith.subf %get3A_1699, %sub3A_1700 : vector<16xf32>
      %mul3A_1702 = vector.broadcast %mul3A_1248 : f32 to vector<16xf32>
      %mul3A_1703 = arith.mulf %sub3A_1701, %mul3A_1702 : vector<16xf32>
      %get3A_1704 = arith.constant 448 : index
      %get3A_1705 = tpu.vector_load %arg15[%get3A_1704] {strides = array<i32>} : memref<768xf32, #tpu.memory_space<vmem>>, vector<16xf32>,
      %mul3A_1706 = arith.mulf %mul3A_1703, %get3A_1705 : vector<16xf32>
      %get3A_1707 = arith.constant 448 : index
      %get3A_1708 = tpu.vector_load %arg16[%get3A_1707] {strides = array<i32>} : memref<768xf32, #tpu.memory_space<vmem>>, vector<16xf32>,
      %add3A_1709 = arith.addf %mul3A_1706, %get3A_1708 : vector<16xf32>
      %swap3A_1710 = arith.index_cast %scan3A_13 : i32 to index
      %swap3A_1711 = arith.constant 448 : index
      %swap3A_1712 = tpu.vector_load %arg12[%swap3A_1710, %swap3A_1711] {strides = array<i32>} : memref<64x768xf32, #tpu.memory_space<vmem>>, vector<16xf32>,
      tpu.vector_store %arg12[%swap3A_1710, %swap3A_1711], %add3A_1709 {strides = array<i32>} : memref<64x768xf32, #tpu.memory_space<vmem>>, vector<16xf32>,
      %get3A_1713 = arith.index_cast %scan3A_13 : i32 to index
      %get3A_1714 = arith.constant 464 : index
      %get3A_1715 = tpu.vector_load %arg12[%get3A_1713, %get3A_1714] {strides = array<i32>} : memref<64x768xf32, #tpu.memory_space<vmem>>, vector<16xf32>,
      %sub3A_1716 = vector.broadcast %mul3A_1218 : f32 to vector<16xf32>
      %sub3A_1717 = arith.subf %get3A_1715, %sub3A_1716 : vector<16xf32>
      %mul3A_1718 = vector.broadcast %mul3A_1248 : f32 to vector<16xf32>
      %mul3A_1719 = arith.mulf %sub3A_1717, %mul3A_1718 : vector<16xf32>
      %get3A_1720 = arith.constant 464 : index
      %get3A_1721 = tpu.vector_load %arg15[%get3A_1720] {strides = array<i32>} : memref<768xf32, #tpu.memory_space<vmem>>, vector<16xf32>,
      %mul3A_1722 = arith.mulf %mul3A_1719, %get3A_1721 : vector<16xf32>
      %get3A_1723 = arith.constant 464 : index
      %get3A_1724 = tpu.vector_load %arg16[%get3A_1723] {strides = array<i32>} : memref<768xf32, #tpu.memory_space<vmem>>, vector<16xf32>,
      %add3A_1725 = arith.addf %mul3A_1722, %get3A_1724 : vector<16xf32>
      %swap3A_1726 = arith.index_cast %scan3A_13 : i32 to index
      %swap3A_1727 = arith.constant 464 : index
      %swap3A_1728 = tpu.vector_load %arg12[%swap3A_1726, %swap3A_1727] {strides = array<i32>} : memref<64x768xf32, #tpu.memory_space<vmem>>, vector<16xf32>,
      tpu.vector_store %arg12[%swap3A_1726, %swap3A_1727], %add3A_1725 {strides = array<i32>} : memref<64x768xf32, #tpu.memory_space<vmem>>, vector<16xf32>,
      %get3A_1729 = arith.index_cast %scan3A_13 : i32 to index
      %get3A_1730 = arith.constant 480 : index
      %get3A_1731 = tpu.vector_load %arg12[%get3A_1729, %get3A_1730] {strides = array<i32>} : memref<64x768xf32, #tpu.memory_space<vmem>>, vector<16xf32>,
      %sub3A_1732 = vector.broadcast %mul3A_1218 : f32 to vector<16xf32>
      %sub3A_1733 = arith.subf %get3A_1731, %sub3A_1732 : vector<16xf32>
      %mul3A_1734 = vector.broadcast %mul3A_1248 : f32 to vector<16xf32>
      %mul3A_1735 = arith.mulf %sub3A_1733, %mul3A_1734 : vector<16xf32>
      %get3A_1736 = arith.constant 480 : index
      %get3A_1737 = tpu.vector_load %arg15[%get3A_1736] {strides = array<i32>} : memref<768xf32, #tpu.memory_space<vmem>>, vector<16xf32>,
      %mul3A_1738 = arith.mulf %mul3A_1735, %get3A_1737 : vector<16xf32>
      %get3A_1739 = arith.constant 480 : index
      %get3A_1740 = tpu.vector_load %arg16[%get3A_1739] {strides = array<i32>} : memref<768xf32, #tpu.memory_space<vmem>>, vector<16xf32>,
      %add3A_1741 = arith.addf %mul3A_1738, %get3A_1740 : vector<16xf32>
      %swap3A_1742 = arith.index_cast %scan3A_13 : i32 to index
      %swap3A_1743 = arith.constant 480 : index
      %swap3A_1744 = tpu.vector_load %arg12[%swap3A_1742, %swap3A_1743] {strides = array<i32>} : memref<64x768xf32, #tpu.memory_space<vmem>>, vector<16xf32>,
      tpu.vector_store %arg12[%swap3A_1742, %swap3A_1743], %add3A_1741 {strides = array<i32>} : memref<64x768xf32, #tpu.memory_space<vmem>>, vector<16xf32>,
      %get3A_1745 = arith.index_cast %scan3A_13 : i32 to index
      %get3A_1746 = arith.constant 496 : index
      %get3A_1747 = tpu.vector_load %arg12[%get3A_1745, %get3A_1746] {strides = array<i32>} : memref<64x768xf32, #tpu.memory_space<vmem>>, vector<16xf32>,
      %sub3A_1748 = vector.broadcast %mul3A_1218 : f32 to vector<16xf32>
      %sub3A_1749 = arith.subf %get3A_1747, %sub3A_1748 : vector<16xf32>
      %mul3A_1750 = vector.broadcast %mul3A_1248 : f32 to vector<16xf32>
      %mul3A_1751 = arith.mulf %sub3A_1749, %mul3A_1750 : vector<16xf32>
      %get3A_1752 = arith.constant 496 : index
      %get3A_1753 = tpu.vector_load %arg15[%get3A_1752] {strides = array<i32>} : memref<768xf32, #tpu.memory_space<vmem>>, vector<16xf32>,
      %mul3A_1754 = arith.mulf %mul3A_1751, %get3A_1753 : vector<16xf32>
      %get3A_1755 = arith.constant 496 : index
      %get3A_1756 = tpu.vector_load %arg16[%get3A_1755] {strides = array<i32>} : memref<768xf32, #tpu.memory_space<vmem>>, vector<16xf32>,
      %add3A_1757 = arith.addf %mul3A_1754, %get3A_1756 : vector<16xf32>
      %swap3A_1758 = arith.index_cast %scan3A_13 : i32 to index
      %swap3A_1759 = arith.constant 496 : index
      %swap3A_1760 = tpu.vector_load %arg12[%swap3A_1758, %swap3A_1759] {strides = array<i32>} : memref<64x768xf32, #tpu.memory_space<vmem>>, vector<16xf32>,
      tpu.vector_store %arg12[%swap3A_1758, %swap3A_1759], %add3A_1757 {strides = array<i32>} : memref<64x768xf32, #tpu.memory_space<vmem>>, vector<16xf32>,
      %get3A_1761 = arith.index_cast %scan3A_13 : i32 to index
      %get3A_1762 = arith.constant 512 : index
      %get3A_1763 = tpu.vector_load %arg12[%get3A_1761, %get3A_1762] {strides = array<i32>} : memref<64x768xf32, #tpu.memory_space<vmem>>, vector<16xf32>,
      %sub3A_1764 = vector.broadcast %mul3A_1218 : f32 to vector<16xf32>
      %sub3A_1765 = arith.subf %get3A_1763, %sub3A_1764 : vector<16xf32>
      %mul3A_1766 = vector.broadcast %mul3A_1248 : f32 to vector<16xf32>
      %mul3A_1767 = arith.mulf %sub3A_1765, %mul3A_1766 : vector<16xf32>
      %get3A_1768 = arith.constant 512 : index
      %get3A_1769 = tpu.vector_load %arg15[%get3A_1768] {strides = array<i32>} : memref<768xf32, #tpu.memory_space<vmem>>, vector<16xf32>,
      %mul3A_1770 = arith.mulf %mul3A_1767, %get3A_1769 : vector<16xf32>
      %get3A_1771 = arith.constant 512 : index
      %get3A_1772 = tpu.vector_load %arg16[%get3A_1771] {strides = array<i32>} : memref<768xf32, #tpu.memory_space<vmem>>, vector<16xf32>,
      %add3A_1773 = arith.addf %mul3A_1770, %get3A_1772 : vector<16xf32>
      %swap3A_1774 = arith.index_cast %scan3A_13 : i32 to index
      %swap3A_1775 = arith.constant 512 : index
      %swap3A_1776 = tpu.vector_load %arg12[%swap3A_1774, %swap3A_1775] {strides = array<i32>} : memref<64x768xf32, #tpu.memory_space<vmem>>, vector<16xf32>,
      tpu.vector_store %arg12[%swap3A_1774, %swap3A_1775], %add3A_1773 {strides = array<i32>} : memref<64x768xf32, #tpu.memory_space<vmem>>, vector<16xf32>,
      %get3A_1777 = arith.index_cast %scan3A_13 : i32 to index
      %get3A_1778 = arith.constant 528 : index
      %get3A_1779 = tpu.vector_load %arg12[%get3A_1777, %get3A_1778] {strides = array<i32>} : memref<64x768xf32, #tpu.memory_space<vmem>>, vector<16xf32>,
      %sub3A_1780 = vector.broadcast %mul3A_1218 : f32 to vector<16xf32>
      %sub3A_1781 = arith.subf %get3A_1779, %sub3A_1780 : vector<16xf32>
      %mul3A_1782 = vector.broadcast %mul3A_1248 : f32 to vector<16xf32>
      %mul3A_1783 = arith.mulf %sub3A_1781, %mul3A_1782 : vector<16xf32>
      %get3A_1784 = arith.constant 528 : index
      %get3A_1785 = tpu.vector_load %arg15[%get3A_1784] {strides = array<i32>} : memref<768xf32, #tpu.memory_space<vmem>>, vector<16xf32>,
      %mul3A_1786 = arith.mulf %mul3A_1783, %get3A_1785 : vector<16xf32>
      %get3A_1787 = arith.constant 528 : index
      %get3A_1788 = tpu.vector_load %arg16[%get3A_1787] {strides = array<i32>} : memref<768xf32, #tpu.memory_space<vmem>>, vector<16xf32>,
      %add3A_1789 = arith.addf %mul3A_1786, %get3A_1788 : vector<16xf32>
      %swap3A_1790 = arith.index_cast %scan3A_13 : i32 to index
      %swap3A_1791 = arith.constant 528 : index
      %swap3A_1792 = tpu.vector_load %arg12[%swap3A_1790, %swap3A_1791] {strides = array<i32>} : memref<64x768xf32, #tpu.memory_space<vmem>>, vector<16xf32>,
      tpu.vector_store %arg12[%swap3A_1790, %swap3A_1791], %add3A_1789 {strides = array<i32>} : memref<64x768xf32, #tpu.memory_space<vmem>>, vector<16xf32>,
      %get3A_1793 = arith.index_cast %scan3A_13 : i32 to index
      %get3A_1794 = arith.constant 544 : index
      %get3A_1795 = tpu.vector_load %arg12[%get3A_1793, %get3A_1794] {strides = array<i32>} : memref<64x768xf32, #tpu.memory_space<vmem>>, vector<16xf32>,
      %sub3A_1796 = vector.broadcast %mul3A_1218 : f32 to vector<16xf32>
      %sub3A_1797 = arith.subf %get3A_1795, %sub3A_1796 : vector<16xf32>
      %mul3A_1798 = vector.broadcast %mul3A_1248 : f32 to vector<16xf32>
      %mul3A_1799 = arith.mulf %sub3A_1797, %mul3A_1798 : vector<16xf32>
      %get3A_1800 = arith.constant 544 : index
      %get3A_1801 = tpu.vector_load %arg15[%get3A_1800] {strides = array<i32>} : memref<768xf32, #tpu.memory_space<vmem>>, vector<16xf32>,
      %mul3A_1802 = arith.mulf %mul3A_1799, %get3A_1801 : vector<16xf32>
      %get3A_1803 = arith.constant 544 : index
      %get3A_1804 = tpu.vector_load %arg16[%get3A_1803] {strides = array<i32>} : memref<768xf32, #tpu.memory_space<vmem>>, vector<16xf32>,
      %add3A_1805 = arith.addf %mul3A_1802, %get3A_1804 : vector<16xf32>
      %swap3A_1806 = arith.index_cast %scan3A_13 : i32 to index
      %swap3A_1807 = arith.constant 544 : index
      %swap3A_1808 = tpu.vector_load %arg12[%swap3A_1806, %swap3A_1807] {strides = array<i32>} : memref<64x768xf32, #tpu.memory_space<vmem>>, vector<16xf32>,
      tpu.vector_store %arg12[%swap3A_1806, %swap3A_1807], %add3A_1805 {strides = array<i32>} : memref<64x768xf32, #tpu.memory_space<vmem>>, vector<16xf32>,
      %get3A_1809 = arith.index_cast %scan3A_13 : i32 to index
      %get3A_1810 = arith.constant 560 : index
      %get3A_1811 = tpu.vector_load %arg12[%get3A_1809, %get3A_1810] {strides = array<i32>} : memref<64x768xf32, #tpu.memory_space<vmem>>, vector<16xf32>,
      %sub3A_1812 = vector.broadcast %mul3A_1218 : f32 to vector<16xf32>
      %sub3A_1813 = arith.subf %get3A_1811, %sub3A_1812 : vector<16xf32>
      %mul3A_1814 = vector.broadcast %mul3A_1248 : f32 to vector<16xf32>
      %mul3A_1815 = arith.mulf %sub3A_1813, %mul3A_1814 : vector<16xf32>
      %get3A_1816 = arith.constant 560 : index
      %get3A_1817 = tpu.vector_load %arg15[%get3A_1816] {strides = array<i32>} : memref<768xf32, #tpu.memory_space<vmem>>, vector<16xf32>,
      %mul3A_1818 = arith.mulf %mul3A_1815, %get3A_1817 : vector<16xf32>
      %get3A_1819 = arith.constant 560 : index
      %get3A_1820 = tpu.vector_load %arg16[%get3A_1819] {strides = array<i32>} : memref<768xf32, #tpu.memory_space<vmem>>, vector<16xf32>,
      %add3A_1821 = arith.addf %mul3A_1818, %get3A_1820 : vector<16xf32>
      %swap3A_1822 = arith.index_cast %scan3A_13 : i32 to index
      %swap3A_1823 = arith.constant 560 : index
      %swap3A_1824 = tpu.vector_load %arg12[%swap3A_1822, %swap3A_1823] {strides = array<i32>} : memref<64x768xf32, #tpu.memory_space<vmem>>, vector<16xf32>,
      tpu.vector_store %arg12[%swap3A_1822, %swap3A_1823], %add3A_1821 {strides = array<i32>} : memref<64x768xf32, #tpu.memory_space<vmem>>, vector<16xf32>,
      %get3A_1825 = arith.index_cast %scan3A_13 : i32 to index
      %get3A_1826 = arith.constant 576 : index
      %get3A_1827 = tpu.vector_load %arg12[%get3A_1825, %get3A_1826] {strides = array<i32>} : memref<64x768xf32, #tpu.memory_space<vmem>>, vector<16xf32>,
      %sub3A_1828 = vector.broadcast %mul3A_1218 : f32 to vector<16xf32>
      %sub3A_1829 = arith.subf %get3A_1827, %sub3A_1828 : vector<16xf32>
      %mul3A_1830 = vector.broadcast %mul3A_1248 : f32 to vector<16xf32>
      %mul3A_1831 = arith.mulf %sub3A_1829, %mul3A_1830 : vector<16xf32>
      %get3A_1832 = arith.constant 576 : index
      %get3A_1833 = tpu.vector_load %arg15[%get3A_1832] {strides = array<i32>} : memref<768xf32, #tpu.memory_space<vmem>>, vector<16xf32>,
      %mul3A_1834 = arith.mulf %mul3A_1831, %get3A_1833 : vector<16xf32>
      %get3A_1835 = arith.constant 576 : index
      %get3A_1836 = tpu.vector_load %arg16[%get3A_1835] {strides = array<i32>} : memref<768xf32, #tpu.memory_space<vmem>>, vector<16xf32>,
      %add3A_1837 = arith.addf %mul3A_1834, %get3A_1836 : vector<16xf32>
      %swap3A_1838 = arith.index_cast %scan3A_13 : i32 to index
      %swap3A_1839 = arith.constant 576 : index
      %swap3A_1840 = tpu.vector_load %arg12[%swap3A_1838, %swap3A_1839] {strides = array<i32>} : memref<64x768xf32, #tpu.memory_space<vmem>>, vector<16xf32>,
      tpu.vector_store %arg12[%swap3A_1838, %swap3A_1839], %add3A_1837 {strides = array<i32>} : memref<64x768xf32, #tpu.memory_space<vmem>>, vector<16xf32>,
      %get3A_1841 = arith.index_cast %scan3A_13 : i32 to index
      %get3A_1842 = arith.constant 592 : index
      %get3A_1843 = tpu.vector_load %arg12[%get3A_1841, %get3A_1842] {strides = array<i32>} : memref<64x768xf32, #tpu.memory_space<vmem>>, vector<16xf32>,
      %sub3A_1844 = vector.broadcast %mul3A_1218 : f32 to vector<16xf32>
      %sub3A_1845 = arith.subf %get3A_1843, %sub3A_1844 : vector<16xf32>
      %mul3A_1846 = vector.broadcast %mul3A_1248 : f32 to vector<16xf32>
      %mul3A_1847 = arith.mulf %sub3A_1845, %mul3A_1846 : vector<16xf32>
      %get3A_1848 = arith.constant 592 : index
      %get3A_1849 = tpu.vector_load %arg15[%get3A_1848] {strides = array<i32>} : memref<768xf32, #tpu.memory_space<vmem>>, vector<16xf32>,
      %mul3A_1850 = arith.mulf %mul3A_1847, %get3A_1849 : vector<16xf32>
      %get3A_1851 = arith.constant 592 : index
      %get3A_1852 = tpu.vector_load %arg16[%get3A_1851] {strides = array<i32>} : memref<768xf32, #tpu.memory_space<vmem>>, vector<16xf32>,
      %add3A_1853 = arith.addf %mul3A_1850, %get3A_1852 : vector<16xf32>
      %swap3A_1854 = arith.index_cast %scan3A_13 : i32 to index
      %swap3A_1855 = arith.constant 592 : index
      %swap3A_1856 = tpu.vector_load %arg12[%swap3A_1854, %swap3A_1855] {strides = array<i32>} : memref<64x768xf32, #tpu.memory_space<vmem>>, vector<16xf32>,
      tpu.vector_store %arg12[%swap3A_1854, %swap3A_1855], %add3A_1853 {strides = array<i32>} : memref<64x768xf32, #tpu.memory_space<vmem>>, vector<16xf32>,
      %get3A_1857 = arith.index_cast %scan3A_13 : i32 to index
      %get3A_1858 = arith.constant 608 : index
      %get3A_1859 = tpu.vector_load %arg12[%get3A_1857, %get3A_1858] {strides = array<i32>} : memref<64x768xf32, #tpu.memory_space<vmem>>, vector<16xf32>,
      %sub3A_1860 = vector.broadcast %mul3A_1218 : f32 to vector<16xf32>
      %sub3A_1861 = arith.subf %get3A_1859, %sub3A_1860 : vector<16xf32>
      %mul3A_1862 = vector.broadcast %mul3A_1248 : f32 to vector<16xf32>
      %mul3A_1863 = arith.mulf %sub3A_1861, %mul3A_1862 : vector<16xf32>
      %get3A_1864 = arith.constant 608 : index
      %get3A_1865 = tpu.vector_load %arg15[%get3A_1864] {strides = array<i32>} : memref<768xf32, #tpu.memory_space<vmem>>, vector<16xf32>,
      %mul3A_1866 = arith.mulf %mul3A_1863, %get3A_1865 : vector<16xf32>
      %get3A_1867 = arith.constant 608 : index
      %get3A_1868 = tpu.vector_load %arg16[%get3A_1867] {strides = array<i32>} : memref<768xf32, #tpu.memory_space<vmem>>, vector<16xf32>,
      %add3A_1869 = arith.addf %mul3A_1866, %get3A_1868 : vector<16xf32>
      %swap3A_1870 = arith.index_cast %scan3A_13 : i32 to index
      %swap3A_1871 = arith.constant 608 : index
      %swap3A_1872 = tpu.vector_load %arg12[%swap3A_1870, %swap3A_1871] {strides = array<i32>} : memref<64x768xf32, #tpu.memory_space<vmem>>, vector<16xf32>,
      tpu.vector_store %arg12[%swap3A_1870, %swap3A_1871], %add3A_1869 {strides = array<i32>} : memref<64x768xf32, #tpu.memory_space<vmem>>, vector<16xf32>,
      %get3A_1873 = arith.index_cast %scan3A_13 : i32 to index
      %get3A_1874 = arith.constant 624 : index
      %get3A_1875 = tpu.vector_load %arg12[%get3A_1873, %get3A_1874] {strides = array<i32>} : memref<64x768xf32, #tpu.memory_space<vmem>>, vector<16xf32>,
      %sub3A_1876 = vector.broadcast %mul3A_1218 : f32 to vector<16xf32>
      %sub3A_1877 = arith.subf %get3A_1875, %sub3A_1876 : vector<16xf32>
      %mul3A_1878 = vector.broadcast %mul3A_1248 : f32 to vector<16xf32>
      %mul3A_1879 = arith.mulf %sub3A_1877, %mul3A_1878 : vector<16xf32>
      %get3A_1880 = arith.constant 624 : index
      %get3A_1881 = tpu.vector_load %arg15[%get3A_1880] {strides = array<i32>} : memref<768xf32, #tpu.memory_space<vmem>>, vector<16xf32>,
      %mul3A_1882 = arith.mulf %mul3A_1879, %get3A_1881 : vector<16xf32>
      %get3A_1883 = arith.constant 624 : index
      %get3A_1884 = tpu.vector_load %arg16[%get3A_1883] {strides = array<i32>} : memref<768xf32, #tpu.memory_space<vmem>>, vector<16xf32>,
      %add3A_1885 = arith.addf %mul3A_1882, %get3A_1884 : vector<16xf32>
      %swap3A_1886 = arith.index_cast %scan3A_13 : i32 to index
      %swap3A_1887 = arith.constant 624 : index
      %swap3A_1888 = tpu.vector_load %arg12[%swap3A_1886, %swap3A_1887] {strides = array<i32>} : memref<64x768xf32, #tpu.memory_space<vmem>>, vector<16xf32>,
      tpu.vector_store %arg12[%swap3A_1886, %swap3A_1887], %add3A_1885 {strides = array<i32>} : memref<64x768xf32, #tpu.memory_space<vmem>>, vector<16xf32>,
      %get3A_1889 = arith.index_cast %scan3A_13 : i32 to index
      %get3A_1890 = arith.constant 640 : index
      %get3A_1891 = tpu.vector_load %arg12[%get3A_1889, %get3A_1890] {strides = array<i32>} : memref<64x768xf32, #tpu.memory_space<vmem>>, vector<16xf32>,
      %sub3A_1892 = vector.broadcast %mul3A_1218 : f32 to vector<16xf32>
      %sub3A_1893 = arith.subf %get3A_1891, %sub3A_1892 : vector<16xf32>
      %mul3A_1894 = vector.broadcast %mul3A_1248 : f32 to vector<16xf32>
      %mul3A_1895 = arith.mulf %sub3A_1893, %mul3A_1894 : vector<16xf32>
      %get3A_1896 = arith.constant 640 : index
      %get3A_1897 = tpu.vector_load %arg15[%get3A_1896] {strides = array<i32>} : memref<768xf32, #tpu.memory_space<vmem>>, vector<16xf32>,
      %mul3A_1898 = arith.mulf %mul3A_1895, %get3A_1897 : vector<16xf32>
      %get3A_1899 = arith.constant 640 : index
      %get3A_1900 = tpu.vector_load %arg16[%get3A_1899] {strides = array<i32>} : memref<768xf32, #tpu.memory_space<vmem>>, vector<16xf32>,
      %add3A_1901 = arith.addf %mul3A_1898, %get3A_1900 : vector<16xf32>
      %swap3A_1902 = arith.index_cast %scan3A_13 : i32 to index
      %swap3A_1903 = arith.constant 640 : index
      %swap3A_1904 = tpu.vector_load %arg12[%swap3A_1902, %swap3A_1903] {strides = array<i32>} : memref<64x768xf32, #tpu.memory_space<vmem>>, vector<16xf32>,
      tpu.vector_store %arg12[%swap3A_1902, %swap3A_1903], %add3A_1901 {strides = array<i32>} : memref<64x768xf32, #tpu.memory_space<vmem>>, vector<16xf32>,
      %get3A_1905 = arith.index_cast %scan3A_13 : i32 to index
      %get3A_1906 = arith.constant 656 : index
      %get3A_1907 = tpu.vector_load %arg12[%get3A_1905, %get3A_1906] {strides = array<i32>} : memref<64x768xf32, #tpu.memory_space<vmem>>, vector<16xf32>,
      %sub3A_1908 = vector.broadcast %mul3A_1218 : f32 to vector<16xf32>
      %sub3A_1909 = arith.subf %get3A_1907, %sub3A_1908 : vector<16xf32>
      %mul3A_1910 = vector.broadcast %mul3A_1248 : f32 to vector<16xf32>
      %mul3A_1911 = arith.mulf %sub3A_1909, %mul3A_1910 : vector<16xf32>
      %get3A_1912 = arith.constant 656 : index
      %get3A_1913 = tpu.vector_load %arg15[%get3A_1912] {strides = array<i32>} : memref<768xf32, #tpu.memory_space<vmem>>, vector<16xf32>,
      %mul3A_1914 = arith.mulf %mul3A_1911, %get3A_1913 : vector<16xf32>
      %get3A_1915 = arith.constant 656 : index
      %get3A_1916 = tpu.vector_load %arg16[%get3A_1915] {strides = array<i32>} : memref<768xf32, #tpu.memory_space<vmem>>, vector<16xf32>,
      %add3A_1917 = arith.addf %mul3A_1914, %get3A_1916 : vector<16xf32>
      %swap3A_1918 = arith.index_cast %scan3A_13 : i32 to index
      %swap3A_1919 = arith.constant 656 : index
      %swap3A_1920 = tpu.vector_load %arg12[%swap3A_1918, %swap3A_1919] {strides = array<i32>} : memref<64x768xf32, #tpu.memory_space<vmem>>, vector<16xf32>,
      tpu.vector_store %arg12[%swap3A_1918, %swap3A_1919], %add3A_1917 {strides = array<i32>} : memref<64x768xf32, #tpu.memory_space<vmem>>, vector<16xf32>,
      %get3A_1921 = arith.index_cast %scan3A_13 : i32 to index
      %get3A_1922 = arith.constant 672 : index
      %get3A_1923 = tpu.vector_load %arg12[%get3A_1921, %get3A_1922] {strides = array<i32>} : memref<64x768xf32, #tpu.memory_space<vmem>>, vector<16xf32>,
      %sub3A_1924 = vector.broadcast %mul3A_1218 : f32 to vector<16xf32>
      %sub3A_1925 = arith.subf %get3A_1923, %sub3A_1924 : vector<16xf32>
      %mul3A_1926 = vector.broadcast %mul3A_1248 : f32 to vector<16xf32>
      %mul3A_1927 = arith.mulf %sub3A_1925, %mul3A_1926 : vector<16xf32>
      %get3A_1928 = arith.constant 672 : index
      %get3A_1929 = tpu.vector_load %arg15[%get3A_1928] {strides = array<i32>} : memref<768xf32, #tpu.memory_space<vmem>>, vector<16xf32>,
      %mul3A_1930 = arith.mulf %mul3A_1927, %get3A_1929 : vector<16xf32>
      %get3A_1931 = arith.constant 672 : index
      %get3A_1932 = tpu.vector_load %arg16[%get3A_1931] {strides = array<i32>} : memref<768xf32, #tpu.memory_space<vmem>>, vector<16xf32>,
      %add3A_1933 = arith.addf %mul3A_1930, %get3A_1932 : vector<16xf32>
      %swap3A_1934 = arith.index_cast %scan3A_13 : i32 to index
      %swap3A_1935 = arith.constant 672 : index
      %swap3A_1936 = tpu.vector_load %arg12[%swap3A_1934, %swap3A_1935] {strides = array<i32>} : memref<64x768xf32, #tpu.memory_space<vmem>>, vector<16xf32>,
      tpu.vector_store %arg12[%swap3A_1934, %swap3A_1935], %add3A_1933 {strides = array<i32>} : memref<64x768xf32, #tpu.memory_space<vmem>>, vector<16xf32>,
      %get3A_1937 = arith.index_cast %scan3A_13 : i32 to index
      %get3A_1938 = arith.constant 688 : index
      %get3A_1939 = tpu.vector_load %arg12[%get3A_1937, %get3A_1938] {strides = array<i32>} : memref<64x768xf32, #tpu.memory_space<vmem>>, vector<16xf32>,
      %sub3A_1940 = vector.broadcast %mul3A_1218 : f32 to vector<16xf32>
      %sub3A_1941 = arith.subf %get3A_1939, %sub3A_1940 : vector<16xf32>
      %mul3A_1942 = vector.broadcast %mul3A_1248 : f32 to vector<16xf32>
      %mul3A_1943 = arith.mulf %sub3A_1941, %mul3A_1942 : vector<16xf32>
      %get3A_1944 = arith.constant 688 : index
      %get3A_1945 = tpu.vector_load %arg15[%get3A_1944] {strides = array<i32>} : memref<768xf32, #tpu.memory_space<vmem>>, vector<16xf32>,
      %mul3A_1946 = arith.mulf %mul3A_1943, %get3A_1945 : vector<16xf32>
      %get3A_1947 = arith.constant 688 : index
      %get3A_1948 = tpu.vector_load %arg16[%get3A_1947] {strides = array<i32>} : memref<768xf32, #tpu.memory_space<vmem>>, vector<16xf32>,
      %add3A_1949 = arith.addf %mul3A_1946, %get3A_1948 : vector<16xf32>
      %swap3A_1950 = arith.index_cast %scan3A_13 : i32 to index
      %swap3A_1951 = arith.constant 688 : index
      %swap3A_1952 = tpu.vector_load %arg12[%swap3A_1950, %swap3A_1951] {strides = array<i32>} : memref<64x768xf32, #tpu.memory_space<vmem>>, vector<16xf32>,
      tpu.vector_store %arg12[%swap3A_1950, %swap3A_1951], %add3A_1949 {strides = array<i32>} : memref<64x768xf32, #tpu.memory_space<vmem>>, vector<16xf32>,
      %get3A_1953 = arith.index_cast %scan3A_13 : i32 to index
      %get3A_1954 = arith.constant 704 : index
      %get3A_1955 = tpu.vector_load %arg12[%get3A_1953, %get3A_1954] {strides = array<i32>} : memref<64x768xf32, #tpu.memory_space<vmem>>, vector<16xf32>,
      %sub3A_1956 = vector.broadcast %mul3A_1218 : f32 to vector<16xf32>
      %sub3A_1957 = arith.subf %get3A_1955, %sub3A_1956 : vector<16xf32>
      %mul3A_1958 = vector.broadcast %mul3A_1248 : f32 to vector<16xf32>
      %mul3A_1959 = arith.mulf %sub3A_1957, %mul3A_1958 : vector<16xf32>
      %get3A_1960 = arith.constant 704 : index
      %get3A_1961 = tpu.vector_load %arg15[%get3A_1960] {strides = array<i32>} : memref<768xf32, #tpu.memory_space<vmem>>, vector<16xf32>,
      %mul3A_1962 = arith.mulf %mul3A_1959, %get3A_1961 : vector<16xf32>
      %get3A_1963 = arith.constant 704 : index
      %get3A_1964 = tpu.vector_load %arg16[%get3A_1963] {strides = array<i32>} : memref<768xf32, #tpu.memory_space<vmem>>, vector<16xf32>,
      %add3A_1965 = arith.addf %mul3A_1962, %get3A_1964 : vector<16xf32>
      %swap3A_1966 = arith.index_cast %scan3A_13 : i32 to index
      %swap3A_1967 = arith.constant 704 : index
      %swap3A_1968 = tpu.vector_load %arg12[%swap3A_1966, %swap3A_1967] {strides = array<i32>} : memref<64x768xf32, #tpu.memory_space<vmem>>, vector<16xf32>,
      tpu.vector_store %arg12[%swap3A_1966, %swap3A_1967], %add3A_1965 {strides = array<i32>} : memref<64x768xf32, #tpu.memory_space<vmem>>, vector<16xf32>,
      %get3A_1969 = arith.index_cast %scan3A_13 : i32 to index
      %get3A_1970 = arith.constant 720 : index
      %get3A_1971 = tpu.vector_load %arg12[%get3A_1969, %get3A_1970] {strides = array<i32>} : memref<64x768xf32, #tpu.memory_space<vmem>>, vector<16xf32>,
      %sub3A_1972 = vector.broadcast %mul3A_1218 : f32 to vector<16xf32>
      %sub3A_1973 = arith.subf %get3A_1971, %sub3A_1972 : vector<16xf32>
      %mul3A_1974 = vector.broadcast %mul3A_1248 : f32 to vector<16xf32>
      %mul3A_1975 = arith.mulf %sub3A_1973, %mul3A_1974 : vector<16xf32>
      %get3A_1976 = arith.constant 720 : index
      %get3A_1977 = tpu.vector_load %arg15[%get3A_1976] {strides = array<i32>} : memref<768xf32, #tpu.memory_space<vmem>>, vector<16xf32>,
      %mul3A_1978 = arith.mulf %mul3A_1975, %get3A_1977 : vector<16xf32>
      %get3A_1979 = arith.constant 720 : index
      %get3A_1980 = tpu.vector_load %arg16[%get3A_1979] {strides = array<i32>} : memref<768xf32, #tpu.memory_space<vmem>>, vector<16xf32>,
      %add3A_1981 = arith.addf %mul3A_1978, %get3A_1980 : vector<16xf32>
      %swap3A_1982 = arith.index_cast %scan3A_13 : i32 to index
      %swap3A_1983 = arith.constant 720 : index
      %swap3A_1984 = tpu.vector_load %arg12[%swap3A_1982, %swap3A_1983] {strides = array<i32>} : memref<64x768xf32, #tpu.memory_space<vmem>>, vector<16xf32>,
      tpu.vector_store %arg12[%swap3A_1982, %swap3A_1983], %add3A_1981 {strides = array<i32>} : memref<64x768xf32, #tpu.memory_space<vmem>>, vector<16xf32>,
      %get3A_1985 = arith.index_cast %scan3A_13 : i32 to index
      %get3A_1986 = arith.constant 736 : index
      %get3A_1987 = tpu.vector_load %arg12[%get3A_1985, %get3A_1986] {strides = array<i32>} : memref<64x768xf32, #tpu.memory_space<vmem>>, vector<16xf32>,
      %sub3A_1988 = vector.broadcast %mul3A_1218 : f32 to vector<16xf32>
      %sub3A_1989 = arith.subf %get3A_1987, %sub3A_1988 : vector<16xf32>
      %mul3A_1990 = vector.broadcast %mul3A_1248 : f32 to vector<16xf32>
      %mul3A_1991 = arith.mulf %sub3A_1989, %mul3A_1990 : vector<16xf32>
      %get3A_1992 = arith.constant 736 : index
      %get3A_1993 = tpu.vector_load %arg15[%get3A_1992] {strides = array<i32>} : memref<768xf32, #tpu.memory_space<vmem>>, vector<16xf32>,
      %mul3A_1994 = arith.mulf %mul3A_1991, %get3A_1993 : vector<16xf32>
      %get3A_1995 = arith.constant 736 : index
      %get3A_1996 = tpu.vector_load %arg16[%get3A_1995] {strides = array<i32>} : memref<768xf32, #tpu.memory_space<vmem>>, vector<16xf32>,
      %add3A_1997 = arith.addf %mul3A_1994, %get3A_1996 : vector<16xf32>
      %swap3A_1998 = arith.index_cast %scan3A_13 : i32 to index
      %swap3A_1999 = arith.constant 736 : index
      %swap3A_2000 = tpu.vector_load %arg12[%swap3A_1998, %swap3A_1999] {strides = array<i32>} : memref<64x768xf32, #tpu.memory_space<vmem>>, vector<16xf32>,
      tpu.vector_store %arg12[%swap3A_1998, %swap3A_1999], %add3A_1997 {strides = array<i32>} : memref<64x768xf32, #tpu.memory_space<vmem>>, vector<16xf32>,
      %get3A_2001 = arith.index_cast %scan3A_13 : i32 to index
      %get3A_2002 = arith.constant 752 : index
      %get3A_2003 = tpu.vector_load %arg12[%get3A_2001, %get3A_2002] {strides = array<i32>} : memref<64x768xf32, #tpu.memory_space<vmem>>, vector<16xf32>,
      %sub3A_2004 = vector.broadcast %mul3A_1218 : f32 to vector<16xf32>
      %sub3A_2005 = arith.subf %get3A_2003, %sub3A_2004 : vector<16xf32>
      %mul3A_2006 = vector.broadcast %mul3A_1248 : f32 to vector<16xf32>
      %mul3A_2007 = arith.mulf %sub3A_2005, %mul3A_2006 : vector<16xf32>
      %get3A_2008 = arith.constant 752 : index
      %get3A_2009 = tpu.vector_load %arg15[%get3A_2008] {strides = array<i32>} : memref<768xf32, #tpu.memory_space<vmem>>, vector<16xf32>,
      %mul3A_2010 = arith.mulf %mul3A_2007, %get3A_2009 : vector<16xf32>
      %get3A_2011 = arith.constant 752 : index
      %get3A_2012 = tpu.vector_load %arg16[%get3A_2011] {strides = array<i32>} : memref<768xf32, #tpu.memory_space<vmem>>, vector<16xf32>,
      %add3A_2013 = arith.addf %mul3A_2010, %get3A_2012 : vector<16xf32>
      %swap3A_2014 = arith.index_cast %scan3A_13 : i32 to index
      %swap3A_2015 = arith.constant 752 : index
      %swap3A_2016 = tpu.vector_load %arg12[%swap3A_2014, %swap3A_2015] {strides = array<i32>} : memref<64x768xf32, #tpu.memory_space<vmem>>, vector<16xf32>,
      tpu.vector_store %arg12[%swap3A_2014, %swap3A_2015], %add3A_2013 {strides = array<i32>} : memref<64x768xf32, #tpu.memory_space<vmem>>, vector<16xf32>,
    }
    %scan3A_12 = arith.constant 64 : i32
    "tpu.region"() ({
      %run_scoped3A = tpu.sem_alloc : memref<!tpu.dma_semaphore, #tpu.memory_space<semaphore_mem>>
      %dma_start3A_13 = arith.constant 0 : i32
      %dma_start3A_14 = tpu.memref_slice %arg9[%mul3A_2, %dma_start3A_13] : memref<2048x768xf32, #tpu.memory_space<hbm>> -> memref<64x768xf32, #tpu.memory_space<hbm>>
      %dma_start3A_15 = arith.constant 0 : i32
      %dma_start3A_16 = tpu.memref_slice %arg9[%mul3A_2, %dma_start3A_15] : memref<2048x768xf32, #tpu.memory_space<hbm>> -> memref<64x768xf32, #tpu.memory_space<hbm>>
      tpu.enqueue_dma source(%arg12 : memref<64x768xf32, #tpu.memory_space<vmem>>) target(%dma_start3A_16 : memref<64x768xf32, #tpu.memory_space<hbm>>) target_semaphore(%run_scoped3A : memref<!tpu.dma_semaphore, #tpu.memory_space<semaphore_mem>>)
      %dma_wait3A_17 = arith.constant 0 : i32
      %dma_wait3A_18 = tpu.memref_slice %arg9[%mul3A_2, %dma_wait3A_17] : memref<2048x768xf32, #tpu.memory_space<hbm>> -> memref<64x768xf32, #tpu.memory_space<hbm>>
      %dma_wait3A_19 = arith.constant 0 : i32
      %dma_wait3A_20 = tpu.memref_slice %arg9[%mul3A_2, %dma_wait3A_19] : memref<2048x768xf32, #tpu.memory_space<hbm>> -> memref<64x768xf32, #tpu.memory_space<hbm>>
      tpu.wait_dma2 semaphore(%run_scoped3A : memref<!tpu.dma_semaphore, #tpu.memory_space<semaphore_mem>>) src(%arg12 : memref<64x768xf32, #tpu.memory_space<vmem>>) dst(%dma_wait3A_20 : memref<64x768xf32, #tpu.memory_space<hbm>>)
      tpu.yield
    }) : () -> ()
    return
  }
}

</mosaic_0001>

<sc_bundles>
// kernel: _bert_embed_sc.3.cloned.1.call-start
scs
__scs_entry_jumppad:
0x0: {  	(pc) =	sbr.rel $0x88, $3  }
0x1: {  	(tag) =	ssettag $0x0;
	lr =	simm.s32 $0x1  }
0x2: {  	[smem:$0x3F9A] =	sst lr;
	_ =	strace $0xD0000000  }
0x3: {  	_ = 	snop  }
0x4: {  	_ = 	snop  }
0x5: {  	_ = 	snop  }
0x6: {  	_ = 	snop  }
0x7: {  	_ = 	snop  }
__scs_overlays_trampoline_lowered:
0x8: {  	[smem:$0x3FA9] =	sst s0  }
0x9: {  	[smem:$0x3FAA] =	sst s1  }
0xa: {  	[smem:$0x3FAB] =	sst s2  }
0xb: {  	[smem:$0x3FAC] =	sst s3  }
0xc: {  	[smem:$0x3FAD] =	sst s4  }
0xd: {  	[smem:$0x3FAE] =	sst s5  }
0xe: {  	[smem:$0x3FAF] =	sst s6  }
0xf: {  	[smem:$0x3FB0] =	sst s7  }
0x10: {  	[smem:$0x3FB1] =	sst s8  }
0x11: {  	[smem:$0x3FB2] =	sst s9;
	s0 =	simm.s32 @!p0 $0x0  }
0x12: {  	s1 =	sld [smem:$0x3F98];
	s0 =	simm.s32 @p0 $0x1  }
0x13: {  	[smem:$0x3FB3] =	sst s0;
	s0 =	simm.s32 @!p1 $0x0  }
0x14: {  	s2 =	sld [smem:$0x3F97];
	s0 =	simm.s32 @p1 $0x1  }
0x15: {  	[smem:$0x3FB4] =	sst s0;
	s0 =	simm.s32 @!p2 $0x0  }
0x16: {  	s3 =	sld [smem:$0x3FDB];
	s0 =	simm.s32 @p2 $0x1  }
0x17: {  	s4 =	simm.s32 $0x1BF5;
	[smem:$0x3FB6] =	sst s0  }
0x18: {  	s0 =	sld [smem:$0x3F99];
	_ =	swait.ge [sflag:s4], $0x0  }
0x19: {  	s7 =	sld [smem:$0x3F9A]  }
0x1a: {  	s8 =	sadd.s32 $0xFFFFE003, lr  }
0x1b: {  	s9 =	sadd.s32 $0xFFFFFEF7, lr;
	s5 =	simm.s32 $0xFFFFFFFF;
	p2 =	slt.u32 s8, $0xFFFFF086  }
0x1c: {  	p1 =	slt.u32 s9, $0xF7A;
	s5 =	simm.s32 @!p2 $0x0  }
0x1d: {  	s5 =	simm.s32 @p1 $0x1;
	p0 =	seq.s32 s7, s2  }
0x1e: {  	s7 =	smul.u32 @!p0 $0xF7A, s2;
	p2 =	seq.s32 @!p0 s5, $0x0  }
0x1f: {  	s9 =	smul.u32 $0xF7A, s1;
	s8 =	simm.s32 @!p0 $0x1BF5;
	p2 =	por !p2, p0  }
0x20: {  	[sflag:s8] =	ssyncset.s32 @!p0 $0xFFFFF086;
	s6 =	sadd.s32 @!p0 s3, s7;
	s7 =	simm.s32 @!p0 $0x108  }
0x21: {  	s3 =	sadd.s32 s3, s9;
	s6 =	sadd.s32 @!p0 $0x88, s6;
	s7 =	simm.s32 @p2 $0x1082  }
0x22: {  	[simem:s7], [sflag:s8] =	dma.local @!p0 [hbm:s6], $0xF7A  }
0x23: {  	s9 =	sor.u32 $0xD0000000, s2;
	s6 =	simm.s32 $0x108;
	_ =	swait.ge @!p0 [sflag:s8], $0x0  }
0x24: {  	s3 =	sadd.s32 $0x88, s3;
	s6 =	simm.s32 @!p1 $0x1082;
	[sflag:s4] =	ssyncset.s32 $0xFFFFF086  }
0x25: {  	[simem:s6], [sflag:s4] =	dma.local [hbm:s3], $0xF7A  }
0x26: {  	[smem:$0x3F9A] =	sst s1;
	(tag) =	ssettag s2;
	_ =	strace s9  }
0x27: {  	s1 =	sld [smem:$0x3FAA]  }
0x28: {  	s2 =	sld [smem:$0x3FAB]  }
0x29: {  	s4 =	sld [smem:$0x3FAD]  }
0x2a: {  	p0 =	seq.s32 s5, $0x0;
	s5 =	sld [smem:$0x3FAE]  }
0x2b: {  	s6 =	sld [smem:$0x3FAF]  }
0x2c: {  	s7 =	sld [smem:$0x3FB0]  }
0x2d: {  	s3 =	simm.s32 $0x108;
	s8 =	sld [smem:$0x3FB1]  }
0x2e: {  	s3 =	simm.s32 @!p0 $0x1082;
	s9 =	sld [smem:$0x3FB2]  }
0x2f: {  	lr =	sadd.s32 s0, s3;
	s0 =	sld [smem:$0x3FA9]  }
0x30: {  	s3 =	sld [smem:$0x3FAC]  }
0x31: {  	[smem:$0x3FB5] =	sst s10  }
0x32: {  	s10 =	sld [smem:$0x3FB3];
	_ =	sdelay $0x3  }
0x33: {  	p0 =	seq.s32 s10, $0x1;
	s10 =	sld [smem:$0x3FB5];
	_ =	sdelay $0x3  }
0x34: {  	[smem:$0x3FB5] =	sst s10  }
0x35: {  	s10 =	sld [smem:$0x3FB4];
	_ =	sdelay $0x3  }
0x36: {  	p1 =	seq.s32 s10, $0x1;
	s10 =	sld [smem:$0x3FB5];
	_ =	sdelay $0x3  }
0x37: {  	[smem:$0x3FB5] =	sst s10  }
0x38: {  	s10 =	sld [smem:$0x3FB6]  }
0x39: {  	_ = 	snop;
	(pc) =	sbr.ind lr, $3  }
0x3a: {  	_ = 	snop  }
0x3b: {  	_ = 	snop  }
0x3c: {  	p2 =	seq.s32 s10, $0x1;
	s10 =	sld [smem:$0x3FB5]  }
0x3d: {  	_ =	shalt  }
0x3e: {  	_ =	shalt  }
0x3f: {  	_ =	shalt  }
0x40: {  	_ =	shalt  }
0x41: {  	_ =	shalt  }
0x42: {  	_ =	shalt  }
0x43: {  	_ =	shalt  }
0x44: {  	_ =	shalt  }
0x45: {  	_ =	shalt  }
0x46: {  	_ =	shalt  }
0x47: {  	_ =	shalt  }
0x48: {  	_ =	shalt  }
0x49: {  	_ =	shalt  }
0x4a: {  	_ =	shalt  }
0x4b: {  	_ =	shalt  }
0x4c: {  	_ =	shalt  }
0x4d: {  	_ =	shalt  }
0x4e: {  	_ =	shalt  }
0x4f: {  	_ =	shalt  }
0x50: {  	_ =	shalt  }
0x51: {  	_ =	shalt  }
0x52: {  	_ =	shalt  }
0x53: {  	_ =	shalt  }
0x54: {  	_ =	shalt  }
0x55: {  	_ =	shalt  }
0x56: {  	_ =	shalt  }
0x57: {  	_ =	shalt  }
0x58: {  	_ =	shalt  }
0x59: {  	_ =	shalt  }
0x5a: {  	_ =	shalt  }
0x5b: {  	_ =	shalt  }
0x5c: {  	_ =	shalt  }
0x5d: {  	_ =	shalt  }
0x5e: {  	_ =	shalt  }
0x5f: {  	_ =	shalt  }
0x60: {  	_ =	shalt  }
0x61: {  	_ =	shalt  }
0x62: {  	_ =	shalt  }
0x63: {  	_ =	shalt  }
0x64: {  	_ =	shalt  }
0x65: {  	_ =	shalt  }
0x66: {  	_ =	shalt  }
0x67: {  	_ =	shalt  }
0x68: {  	_ =	shalt  }
0x69: {  	_ =	shalt  }
0x6a: {  	_ =	shalt  }
0x6b: {  	_ =	shalt  }
0x6c: {  	_ =	shalt  }
0x6d: {  	_ =	shalt  }
0x6e: {  	_ =	shalt  }
0x6f: {  	_ =	shalt  }
0x70: {  	_ =	shalt  }
0x71: {  	_ =	shalt  }
0x72: {  	_ =	shalt  }
0x73: {  	_ =	shalt  }
0x74: {  	_ =	shalt  }
0x75: {  	_ =	shalt  }
0x76: {  	_ =	shalt  }
0x77: {  	_ =	shalt  }
0x78: {  	_ =	shalt  }
0x79: {  	_ =	shalt  }
0x7a: {  	_ =	shalt  }
0x7b: {  	_ =	shalt  }
0x7c: {  	_ =	shalt  }
0x7d: {  	_ =	shalt  }
0x7e: {  	_ =	shalt  }
0x7f: {  	_ =	shalt  }
0x80: {  	_ =	shalt  }
0x81: {  	_ =	shalt  }
0x82: {  	_ =	shalt  }
0x83: {  	_ =	shalt  }
0x84: {  	_ =	shalt  }
0x85: {  	_ =	shalt  }
0x86: {  	_ =	shalt  }
0x87: {  	_ =	shalt  }
.Lfunc_end0:
.L_simem_size_0:
called_computation_lowered:
.L_overlay_start_0:
0x88: {  	s2 =	sld [smem:$0x3FD9]  }
0x89: {  	s3 =	sld [smem:$0x3FFE];
	_ =	sdelay $0x1  }
0x8a: {  	s1 =	srdreg.scid  }
0x8b: {  	s0 =	sand.u32 $0x1, s1  }
0x8c: {  	s18 =	sshll.u32 s0, $0xA;
	s2 =	sadd.s32 s3, s2  }
0x8d: {  	s2 =	sadd.s32 s2, s18  }
0x8e: {  	[smem:$0x3FC1] =	sst s2  }
0x8f: {  	_ = 	snop  }
0x90: {  	s2 =	sld [smem:$0x3FC9]  }
0x91: {  	s19 =	sld [smem:$0x3FC8]  }
0x92: {  	s4 =	sld [smem:$0x3FC7]  }
0x93: {  	s5 =	sld [smem:$0x3FC6]  }
0x94: {  	s6 =	sld [smem:$0x3FC5]  }
0x95: {  	s7 =	sld [smem:$0x3FC4]  }
0x96: {  	s8 =	sld [smem:$0x3FC3]  }
0x97: {  	s9 =	sld [smem:$0x3FD0];
	(tm) =	ssettm $0x1  }
0x98: {  	s10 =	sld [smem:$0x3FFB];
	_ =	sdelay $0x3  }
0x99: {  	_ =	strace s10  }
0x9a: {  	s10 =	sld [smem:$0x3FFC];
	_ =	sdelay $0x3  }
0x9b: {  	_ =	strace s10  }
0x9c: {  	s10 =	sld [smem:$0x3FFD];
	_ =	sdelay $0x3  }
0x9d: {  	_ =	strace s10  }
0x9e: {  	_ =	strace $0x8FFFFFFF  }
0x9f: {  	s20 =	sld [smem:$0x3FDB];
	_ =	sdelay $0x1  }
0xa0: {  	s11 =	simm.s32 $_scs_section_size  }
0xa1: {  	s12 =	simm.s32 $_size__tile_overlayer_lowered;
	s13 =	simm.s32 $_tile_overlayer_lowered  }
0xa2: {  	s23 =	simm.s32 $0x1BFF;
	s22 =	sshll.u32 s13, $0x1;
	s10 =	sadd.s32 s11, s20  }
0xa3: {  	s14 =	simm.s32 $0x0;
	s21 =	sshll.u32 s12, $0x1;
	s12 =	sadd.s32 s22, s10  }
0xa4: {  	[timem:s14], [sflag:s23] =	dma.local [hbm:s12], s21  }
0xa5: {  	_ =	swait.ge [sflag:s23], s21  }
0xa6: {  	s11 =	ssub.s32 $0x0, s21;
	[sflag:s23] =	ssyncset.done $0x0  }
0xa7: {  	[sflag:s23] =	ssyncadd.s32 s11;
	_ =	sdelay $0x1  }
0xa8: {  	s24 =	simm.s32 $0x1B8B  }
0xa9: {  	_ =	swait.ge [sflag:s24], $0x1  }
0xaa: {  	[sflag:s24] =	ssyncset.done $0x0  }
0xab: {  	s25 =	simm.s32 $0x1B8E;
	[sflag:s24] =	ssyncadd.s32 $0xFFFFFFFF  }
0xac: {  	s26 =	simm.s32 $execute0_lowered;
	[smem:$0x3FD2] =	sst s25  }
0xad: {  	s11 =	sshll.u32 s26, $0x1;
	_ =	strace $0x80000046;
	[dreg:$0x1] =	wrdreg $0xFFFFFFFF  }
0xae: {  	s28 =	simm.s32 $_size_execute0_lowered;
	s10 =	sadd.s32 s10, s11;
	[dreg:$0x0] =	wrdreg $0x0  }
0xaf: {  	s11 =	sshll.u32 s28, $0x1;
	[dreg:$0x2] =	wrdreg s10  }
0xb0: {  	[dreg:$0x3] =	wrdreg s11  }
0xb1: {  	[dreg:$0x4] =	wrdreg $0xC0  }
0xb2: {  	_ =	task [dreg:s14], $0x5FFFF  }
0xb3: {  	[dreg:$0x1] =	wrdreg $0xFFFFFFFF  }
0xb4: {  	[dreg:$0x0] =	wrdreg $0x60  }
0xb5: {  	[dreg:$0x2] =	wrdreg s2  }
0xb6: {  	[dreg:$0x3] =	wrdreg s19  }
0xb7: {  	[dreg:$0x4] =	wrdreg s4  }
0xb8: {  	[dreg:$0x5] =	wrdreg s5  }
0xb9: {  	[dreg:$0x6] =	wrdreg s6  }
0xba: {  	[dreg:$0x7] =	wrdreg s7  }
0xbb: {  	[dreg:$0x8] =	wrdreg s8  }
0xbc: {  	[dreg:$0x9] =	wrdreg s9  }
0xbd: {  	[dreg:$0xa] =	wrdreg $0x9  }
0xbe: {  	_ =	task.clear_ibuf [dreg:s14], $0xBFFFF;
	_ =	strace $0x90000046  }
0xbf: {  	s29 =	simm.s32 $0x9;
	_ =	strace $0x80000048  }
0xc0: {  	_ =	swait.ge [sflag:s29], $0x1  }
0xc1: {  	[sflag:s29] =	ssyncadd.s32 $0xFFFFFFFF  }
0xc2: {  	_ =	strace $0x90000048  }
0xc3: {  	_ =	sfence  }
0xc4: {  	s30 =	sld [smem:$0x0];
	_ =	sdelay $0x2  }
0xc5: {  	s31 =	sshll.u32 s1, $0xD;
	s1 =	sshrl.u32 s1, $0x2  }
0xc6: {  	s3 =	sand.u32 $0x4000, s31;
	s1 =	sadd.s32 s1, s30  }
0xc7: {  	s0 =	sor.u32 s3, s0;
	s1 =	sshll.u32 s1, $0x11  }
0xc8: {  	s0 =	sor.u32 s1, s0  }
0xc9: {  	s0 =	sadd.s32 $0x8F2B, s0  }
0xca: {  	[sflag:s0] =	ssyncadd.remote.s32 $0x1  }
0xcb: {  	_ =	sfence.sel $0xFFFF  }
0xcc: {  	[dreg:$0x0] =	wrdreg $0xFFFFFFFF;
	(pc) =	sbr.abs _section_cstart, $3  }
0xcd: {  	[dreg:$0x1] =	wrdreg $0xFFFFFFFF  }
0xce: {  	_ =	task.clear_ibuf [dreg:s14], $0x2FFFF;
	_ =	strace $0x9FFFFFFF  }
0xcf: {  	(tm) =	ssettm $0x7FFFFFFF  }
tec
execute0_lowered:
.L_overlay_start_1:
0x0: {  	(tag) =	ssettag $0x1  }
0x1: {  	s0 =	rddreg [dreg:$0x0]  }
0x2: {  	s1 =	rddreg [dreg:$0x1]  }
0x3: {  	s2 =	rddreg [dreg:$0x5]  }
0x4: {  	s3 =	rddreg [dreg:$0x6]  }
0x5: {  	s4 =	rddreg [dreg:$0x7];
	s5 =	srdreg.scid;
	s6 =	simm.s32 $0x0  }
0x6: {  	s8 =	stileid.u32;
	s14 =	simm.s32 $0x2;
	s15 =	simm.s32 $0x100  }
0x7: {  	s16 =	simm.s32 $0xA900;
	s17 =	simm.s32 $0xB100;
	s18 =	simm.s32 $0xB900  }
0x8: {  	s19 =	simm.s32 $0x80;
	s20 =	simm.s32 $0xC100;
	s21 =	simm.s32 $0x18100  }
0x9: {  	s22 =	simm.s32 $0x18700;
	s23 =	simm.s32 $0x18A00;
	s24 =	simm.s32 $0x1  }
0xa: {  	s25 =	simm.s32 $0x0;
	s5 =	sand.u32 $0x1, s5;
	s8 =	sshll.u32 s8, $0x4  }
0xb: {  	[smem:$0x7FF] =	sst s6;
	s7 =	ssub.s32 $0x2, s5;
	s5 =	sshll.u32 s5, $0x3  }
0xc: {  	_ =	strace $0x80000047;
	s9 =	sshrl.u32 s7, $0x1;
	s5 =	sor.u32 s5, s8  }
0xd: {  	s8 =	sadd.s32 $0x100, s0;
	s13 =	ssub.s32 s7, s9;
	s12 =	smul.u32 $0x300, s5  }
0xe: {  	v2 =	vlaneseq.u32;
	s7 =	sadd.s32 s2, s5;
	s9 =	sadd.s32 $0x200, s0;
	s10 =	sadd.s32 s3, s5  }
0xf: {  	vm0 =	vmmov $0xffff;
	v1 =	vshrl.u32 v2, $0x3;
	s2 =	simm.s32 $0x9100;
	s3 =	simm.s32 $0x9900;
	s13 =	smax.u32 s13, $0x1  }
0x10: {  	v0 =	vand.u32 $0x7, v2;
	v2 =	vor.u32 $0x8, v2;
	v1 =	vmul.u32 $0x8, v1;
	s11 =	sadd.s32 s1, s12;
	s12 =	sadd.s32 s4, s12;
	s4 =	simm.s32 $0xA100  }
.LBB2_1:
0x11: {  	[tilespmem:s6], [sflag:$0x2] =	stream.linear.gather [hbm4b:s7+s6], $0x40, $0x38;
	[tilespmem:$0x18D00] =	vst v63  }
0x12: {  	_ =	swait.ge [sflag:s14], $0x40  }
0x13: {  	[sflag:s14] =	ssyncset.done $0x0  }
0x14: {  	[sflag:s14] =	ssyncadd.s32 $0xFFFFFFC0  }
0x15: {  	v3 =	vld [tilespmem:$0x0];
	_ =	sdelay $0x4  }
0x16: {  	v4 =	vshrl.u32 v3, $0x3  }
0x17: {  	v4 =	vmul.u32 $0x30, v4  }
0x18: {  	v3 =	vand.u32 $0x7, v3  }
0x19: {  	v3 =	vor.u32 v3, v4  }
0x1a: {  	v4 =	vperm.xlane v3, v0;
	_ =	sdelay $0x1  }
0x1b: {  	v4 =	vadd.s32 v1, v4;
	_ =	sdelay $0x3  }
0x1c: {  	v3 =	vperm.xlane v3, v2  }
0x1d: {  	[tilespmem:s15], [sflag:$0x1] =	stream.indirect_vreg.gather [hbm4b:s0+s6], $0x80, v4, vm0, $0xb8;
	[tilespmem:$0x18D00] =	vst v63  }
0x1e: {  	s1 =	simm.s32 $0x900;
	v3 =	vadd.s32 v1, v3  }
0x1f: {  	[tilespmem:s1], [sflag:$0x1] =	stream.indirect_vreg.gather [hbm4b:s8+s6], $0x80, v4, vm0, $0xb8;
	[tilespmem:$0x18D00] =	vst v63  }
0x20: {  	s26 =	simm.s32 $0x1100  }
0x21: {  	[tilespmem:s26], [sflag:$0x1] =	stream.indirect_vreg.gather [hbm4b:s9+s6], $0x80, v4, vm0, $0xb8;
	[tilespmem:$0x18D00] =	vst v63  }
0x22: {  	s29 =	simm.s32 $0x1900  }
0x23: {  	[tilespmem:s29], [sflag:$0x1] =	stream.indirect_vreg.gather [hbm4b:s0+s6], $0x80, v3, vm0, $0xb8;
	[tilespmem:$0x18D00] =	vst v63  }
0x24: {  	s30 =	simm.s32 $0x2100  }
0x25: {  	[tilespmem:s30], [sflag:$0x1] =	stream.indirect_vreg.gather [hbm4b:s8+s6], $0x80, v3, vm0, $0xb8;
	[tilespmem:$0x18D00] =	vst v63  }
0x26: {  	s31 =	simm.s32 $0x2900  }
0x27: {  	[tilespmem:s31], [sflag:$0x1] =	stream.indirect_vreg.gather [hbm4b:s9+s6], $0x80, v3, vm0, $0xb8;
	[tilespmem:$0x18D00] =	vst v63  }
0x28: {  	v3 =	vld [tilespmem:$0x10];
	_ =	sdelay $0x4  }
0x29: {  	v61 =	vshrl.u32 v3, $0x3  }
0x2a: {  	v4 =	vmul.u32 $0x30, v61  }
0x2b: {  	v3 =	vand.u32 $0x7, v3  }
0x2c: {  	v3 =	vor.u32 v3, v4  }
0x2d: {  	v4 =	vperm.xlane v3, v0;
	_ =	sdelay $0x1  }
0x2e: {  	v4 =	vadd.s32 v1, v4;
	_ =	sdelay $0x3  }
0x2f: {  	s5 =	simm.s32 $0x3100;
	v3 =	vperm.xlane v3, v2  }
0x30: {  	[tilespmem:s5], [sflag:$0x1] =	stream.indirect_vreg.gather [hbm4b:s0+s6], $0x80, v4, vm0, $0xb8;
	[tilespmem:$0x18D00] =	vst v63  }
0x31: {  	s26 =	simm.s32 $0x3900;
	v3 =	vadd.s32 v1, v3  }
0x32: {  	[tilespmem:s26], [sflag:$0x1] =	stream.indirect_vreg.gather [hbm4b:s8+s6], $0x80, v4, vm0, $0xb8;
	[tilespmem:$0x18D00] =	vst v63  }
0x33: {  	s29 =	simm.s32 $0x4100  }
0x34: {  	[tilespmem:s29], [sflag:$0x1] =	stream.indirect_vreg.gather [hbm4b:s9+s6], $0x80, v4, vm0, $0xb8;
	[tilespmem:$0x18D00] =	vst v63  }
0x35: {  	s30 =	simm.s32 $0x4900  }
0x36: {  	[tilespmem:s30], [sflag:$0x1] =	stream.indirect_vreg.gather [hbm4b:s0+s6], $0x80, v3, vm0, $0xb8;
	[tilespmem:$0x18D00] =	vst v63  }
0x37: {  	s31 =	simm.s32 $0x5100  }
0x38: {  	[tilespmem:s31], [sflag:$0x1] =	stream.indirect_vreg.gather [hbm4b:s8+s6], $0x80, v3, vm0, $0xb8;
	[tilespmem:$0x18D00] =	vst v63  }
0x39: {  	s5 =	simm.s32 $0x5900  }
0x3a: {  	[tilespmem:s5], [sflag:$0x1] =	stream.indirect_vreg.gather [hbm4b:s9+s6], $0x80, v3, vm0, $0xb8;
	[tilespmem:$0x18D00] =	vst v63  }
0x3b: {  	v3 =	vld [tilespmem:$0x20];
	_ =	sdelay $0x4  }
0x3c: {  	v62 =	vshrl.u32 v3, $0x3  }
0x3d: {  	v4 =	vmul.u32 $0x30, v62  }
0x3e: {  	v3 =	vand.u32 $0x7, v3  }
0x3f: {  	v3 =	vor.u32 v3, v4  }
0x40: {  	v4 =	vperm.xlane v3, v0;
	_ =	sdelay $0x1  }
0x41: {  	v4 =	vadd.s32 v1, v4;
	_ =	sdelay $0x3  }
0x42: {  	s26 =	simm.s32 $0x6100;
	v3 =	vperm.xlane v3, v2  }
0x43: {  	[tilespmem:s26], [sflag:$0x1] =	stream.indirect_vreg.gather [hbm4b:s0+s6], $0x80, v4, vm0, $0xb8;
	[tilespmem:$0x18D00] =	vst v63  }
0x44: {  	s29 =	simm.s32 $0x6900;
	v3 =	vadd.s32 v1, v3  }
0x45: {  	[tilespmem:s29], [sflag:$0x1] =	stream.indirect_vreg.gather [hbm4b:s8+s6], $0x80, v4, vm0, $0xb8;
	[tilespmem:$0x18D00] =	vst v63  }
0x46: {  	s30 =	simm.s32 $0x7100  }
0x47: {  	[tilespmem:s30], [sflag:$0x1] =	stream.indirect_vreg.gather [hbm4b:s9+s6], $0x80, v4, vm0, $0xb8;
	[tilespmem:$0x18D00] =	vst v63  }
0x48: {  	s31 =	simm.s32 $0x7900  }
0x49: {  	[tilespmem:s31], [sflag:$0x1] =	stream.indirect_vreg.gather [hbm4b:s0+s6], $0x80, v3, vm0, $0xb8;
	[tilespmem:$0x18D00] =	vst v63  }
0x4a: {  	s5 =	simm.s32 $0x8100  }
0x4b: {  	[tilespmem:s5], [sflag:$0x1] =	stream.indirect_vreg.gather [hbm4b:s8+s6], $0x80, v3, vm0, $0xb8;
	[tilespmem:$0x18D00] =	vst v63  }
0x4c: {  	s26 =	simm.s32 $0x8900  }
0x4d: {  	[tilespmem:s26], [sflag:$0x1] =	stream.indirect_vreg.gather [hbm4b:s9+s6], $0x80, v3, vm0, $0xb8;
	[tilespmem:$0x18D00] =	vst v63  }
0x4e: {  	v3 =	vld [tilespmem:$0x30];
	_ =	sdelay $0x4  }
0x4f: {  	v63 =	vshrl.u32 v3, $0x3  }
0x50: {  	v4 =	vmul.u32 $0x30, v63  }
0x51: {  	v3 =	vand.u32 $0x7, v3  }
0x52: {  	v3 =	vor.u32 v3, v4  }
0x53: {  	v4 =	vperm.xlane v3, v0;
	_ =	sdelay $0x1  }
0x54: {  	v4 =	vadd.s32 v1, v4;
	_ =	sdelay $0x3  }
0x55: {  	v3 =	vperm.xlane v3, v2  }
0x56: {  	[tilespmem:s2], [sflag:$0x1] =	stream.indirect_vreg.gather [hbm4b:s0+s6], $0x80, v4, vm0, $0xb8;
	[tilespmem:$0x18D00] =	vst v63  }
0x57: {  	v3 =	vadd.s32 v1, v3  }
0x58: {  	[tilespmem:s3], [sflag:$0x1] =	stream.indirect_vreg.gather [hbm4b:s8+s6], $0x80, v4, vm0, $0xb8;
	[tilespmem:$0x18D00] =	vst v63  }
0x59: {  	_ = 	snop  }
0x5a: {  	[tilespmem:s4], [sflag:$0x1] =	stream.indirect_vreg.gather [hbm4b:s9+s6], $0x80, v4, vm0, $0xb8;
	[tilespmem:$0x18D00] =	vst v63  }
0x5b: {  	_ = 	snop  }
0x5c: {  	[tilespmem:s16], [sflag:$0x1] =	stream.indirect_vreg.gather [hbm4b:s0+s6], $0x80, v3, vm0, $0xb8;
	[tilespmem:$0x18D00] =	vst v63  }
0x5d: {  	_ = 	snop  }
0x5e: {  	[tilespmem:s17], [sflag:$0x1] =	stream.indirect_vreg.gather [hbm4b:s8+s6], $0x80, v3, vm0, $0xb8;
	[tilespmem:$0x18D00] =	vst v63  }
0x5f: {  	_ = 	snop  }
0x60: {  	[tilespmem:s18], [sflag:$0x1] =	stream.indirect_vreg.gather [hbm4b:s9+s6], $0x80, v3, vm0, $0xb8;
	[tilespmem:$0x18D00] =	vst v63  }
0x61: {  	_ = 	snop  }
0x62: {  	[tilespmem:s19], [sflag:$0x2] =	stream.linear.gather [hbm4b:s10+s6], $0x40, $0x38;
	[tilespmem:$0x18D00] =	vst v63  }
0x63: {  	_ =	swait.ge [sflag:s14], $0x40  }
0x64: {  	[sflag:s14] =	ssyncset.done $0x0  }
0x65: {  	[sflag:s14] =	ssyncadd.s32 $0xFFFFFFC0  }
0x66: {  	[tilespmem:s20], [sflag:$0x2] =	stream.linear.gather [hbm4b:s11+s6], $0xC000, $0x38;
	[tilespmem:$0x18D00] =	vst v63  }
0x67: {  	_ =	swait.ge [sflag:s14], $0xC000  }
0x68: {  	[sflag:s14] =	ssyncset.done $0x0  }
0x69: {  	[sflag:s14] =	ssyncadd.s32 $0xFFFF4000  }
0x6a: {  	s29 =	rddreg [dreg:$0x2]  }
0x6b: {  	[tilespmem:s21], [sflag:$0x2] =	stream.linear.gather [hbm4b:s29+s6], $0x600, $0x38;
	[tilespmem:$0x18D00] =	vst v63  }
0x6c: {  	_ =	swait.ge [sflag:s14], $0x600  }
0x6d: {  	[sflag:s14] =	ssyncset.done $0x0  }
0x6e: {  	[sflag:s14] =	ssyncadd.s32 $0xFFFFFA00  }
0x6f: {  	s30 =	rddreg [dreg:$0x3]  }
0x70: {  	[tilespmem:s22], [sflag:$0x2] =	stream.linear.gather [hbm4b:s30+s6], $0x300, $0x38;
	[tilespmem:$0x18D00] =	vst v63  }
0x71: {  	_ =	swait.ge [sflag:s14], $0x300  }
0x72: {  	[sflag:s14] =	ssyncset.done $0x0  }
0x73: {  	[sflag:s14] =	ssyncadd.s32 $0xFFFFFD00  }
0x74: {  	s31 =	rddreg [dreg:$0x4]  }
0x75: {  	[tilespmem:s23], [sflag:$0x2] =	stream.linear.gather [hbm4b:s31+s6], $0x300, $0x38;
	[tilespmem:$0x18D00] =	vst v63  }
0x76: {  	_ =	swait.ge [sflag:s14], $0x300  }
0x77: {  	[sflag:s14] =	ssyncset.done $0x0  }
0x78: {  	[sflag:s14] =	ssyncadd.s32 $0xFFFFFD00  }
0x79: {  	_ =	swait.ge [sflag:s24], $0xC000  }
0x7a: {  	[sflag:s24] =	ssyncset.done $0x0  }
0x7b: {  	s28 =	simm.s32 $0x0;
	s26 =	simm.s32 $0x0;
	[sflag:s24] =	ssyncadd.s32 $0xFFFF4000  }
.LBB2_2:
0x7c: {  	s29 =	sshrl.u32 s28, $0x3  }
0x7d: {  	v3 =	vmov s28;
	s29 =	smul.u32 $0x1800, s29  }
0x7e: {  	v4 =	vld [tilespmem:$0x18100];
	s30 =	sand.u32 $0x380, s26  }
0x7f: {  	v5 =	vld [tilespmem:$0x18180];
	s29 =	sor.u32 s30, s29  }
0x80: {  	v6 =	vld [tilespmem:s29+$0x100]  }
0x81: {  	v7 =	vld [tilespmem:s29+$0xC100]  }
0x82: {  	v3 =	vld.idx.msk [tilespmem:v3+s19+$0x0], $0xffff;
	_ =	sdelay $0x4  }
0x83: {  	v5 =	vsub.f32 v5, v4;
	v6 =	vadd.f32 v7, v6;
	v3 =	vcvt.s32.f32 v3;
	_ =	sdelay $0x1  }
0x84: {  	v4 =	vadd.f32 v6, v4;
	v5 =	vmul.f32 v3, v5;
	_ =	sdelay $0x1  }
0x85: {  	v4 =	vadd.f32 v4, v5  }
0x86: {  	v29 =	vld [tilespmem:s29+$0x110]  }
0x87: {  	v8 =	vld [tilespmem:s29+$0xC110];
	[tilespmem:s29+$0x100] =	vst v4  }
0x88: {  	v27 =	vld [tilespmem:$0x18110]  }
0x89: {  	v28 =	vld [tilespmem:$0x18190];
	_ =	sdelay $0x4  }
0x8a: {  	v7 =	vadd.f32 v8, v29;
	v6 =	vsub.f32 v28, v27;
	_ =	sdelay $0x1  }
0x8b: {  	v5 =	vadd.f32 v7, v27;
	v6 =	vmul.f32 v3, v6;
	_ =	sdelay $0x1  }
0x8c: {  	v5 =	vadd.f32 v5, v6  }
0x8d: {  	v32 =	vld [tilespmem:s29+$0x120]  }
0x8e: {  	v9 =	vld [tilespmem:s29+$0xC120];
	[tilespmem:s29+$0x110] =	vst v5  }
0x8f: {  	v30 =	vld [tilespmem:$0x18120]  }
0x90: {  	v31 =	vld [tilespmem:$0x181A0];
	_ =	sdelay $0x4  }
0x91: {  	v8 =	vadd.f32 v9, v32;
	v7 =	vsub.f32 v31, v30;
	_ =	sdelay $0x1  }
0x92: {  	v6 =	vadd.f32 v8, v30;
	v7 =	vmul.f32 v3, v7;
	_ =	sdelay $0x1  }
0x93: {  	v6 =	vadd.f32 v6, v7  }
0x94: {  	v35 =	vld [tilespmem:s29+$0x130]  }
0x95: {  	v10 =	vld [tilespmem:s29+$0xC130];
	[tilespmem:s29+$0x120] =	vst v6  }
0x96: {  	v33 =	vld [tilespmem:$0x18130]  }
0x97: {  	v34 =	vld [tilespmem:$0x181B0];
	_ =	sdelay $0x4  }
0x98: {  	v9 =	vadd.f32 v10, v35;
	v8 =	vsub.f32 v34, v33;
	_ =	sdelay $0x1  }
0x99: {  	v7 =	vadd.f32 v9, v33;
	v8 =	vmul.f32 v3, v8;
	_ =	sdelay $0x1  }
0x9a: {  	v7 =	vadd.f32 v7, v8  }
0x9b: {  	v38 =	vld [tilespmem:s29+$0x140]  }
0x9c: {  	v11 =	vld [tilespmem:s29+$0xC140];
	[tilespmem:s29+$0x130] =	vst v7  }
0x9d: {  	v36 =	vld [tilespmem:$0x18140]  }
0x9e: {  	v37 =	vld [tilespmem:$0x181C0];
	_ =	sdelay $0x4  }
0x9f: {  	v10 =	vadd.f32 v11, v38;
	v9 =	vsub.f32 v37, v36;
	_ =	sdelay $0x1  }
0xa0: {  	v8 =	vadd.f32 v10, v36;
	v9 =	vmul.f32 v3, v9;
	_ =	sdelay $0x1  }
0xa1: {  	v8 =	vadd.f32 v8, v9  }
0xa2: {  	v41 =	vld [tilespmem:s29+$0x150]  }
0xa3: {  	v12 =	vld [tilespmem:s29+$0xC150];
	[tilespmem:s29+$0x140] =	vst v8  }
0xa4: {  	v39 =	vld [tilespmem:$0x18150]  }
0xa5: {  	v40 =	vld [tilespmem:$0x181D0];
	_ =	sdelay $0x4  }
0xa6: {  	v11 =	vadd.f32 v12, v41;
	v10 =	vsub.f32 v40, v39;
	_ =	sdelay $0x1  }
0xa7: {  	v9 =	vadd.f32 v11, v39;
	v10 =	vmul.f32 v3, v10;
	_ =	sdelay $0x1  }
0xa8: {  	v9 =	vadd.f32 v9, v10  }
0xa9: {  	v44 =	vld [tilespmem:s29+$0x160]  }
0xaa: {  	v13 =	vld [tilespmem:s29+$0xC160];
	[tilespmem:s29+$0x150] =	vst v9  }
0xab: {  	v42 =	vld [tilespmem:$0x18160]  }
0xac: {  	v43 =	vld [tilespmem:$0x181E0];
	_ =	sdelay $0x4  }
0xad: {  	v12 =	vadd.f32 v13, v44;
	v11 =	vsub.f32 v43, v42;
	_ =	sdelay $0x1  }
0xae: {  	v10 =	vadd.f32 v12, v42;
	v11 =	vmul.f32 v3, v11;
	_ =	sdelay $0x1  }
0xaf: {  	v10 =	vadd.f32 v10, v11  }
0xb0: {  	v47 =	vld [tilespmem:s29+$0x170]  }
0xb1: {  	v14 =	vld [tilespmem:s29+$0xC170];
	[tilespmem:s29+$0x160] =	vst v10  }
0xb2: {  	v45 =	vld [tilespmem:$0x18170]  }
0xb3: {  	v46 =	vld [tilespmem:$0x181F0];
	_ =	sdelay $0x4  }
0xb4: {  	v13 =	vadd.f32 v14, v47;
	v12 =	vsub.f32 v46, v45;
	_ =	sdelay $0x1  }
0xb5: {  	v11 =	vadd.f32 v13, v45;
	v12 =	vmul.f32 v3, v12;
	_ =	sdelay $0x1  }
0xb6: {  	v11 =	vadd.f32 v11, v12  }
0xb7: {  	v50 =	vld [tilespmem:s29+$0x500]  }
0xb8: {  	v15 =	vld [tilespmem:s29+$0xC500];
	[tilespmem:s29+$0x170] =	vst v11  }
0xb9: {  	v48 =	vld [tilespmem:$0x18200]  }
0xba: {  	v49 =	vld [tilespmem:$0x18280];
	_ =	sdelay $0x4  }
0xbb: {  	v14 =	vadd.f32 v15, v50;
	v13 =	vsub.f32 v49, v48;
	_ =	sdelay $0x1  }
0xbc: {  	v12 =	vadd.f32 v14, v48;
	v13 =	vmul.f32 v3, v13;
	_ =	sdelay $0x1  }
0xbd: {  	v12 =	vadd.f32 v12, v13  }
0xbe: {  	v53 =	vld [tilespmem:s29+$0x510]  }
0xbf: {  	v16 =	vld [tilespmem:s29+$0xC510];
	[tilespmem:s29+$0x500] =	vst v12  }
0xc0: {  	v51 =	vld [tilespmem:$0x18210]  }
0xc1: {  	v52 =	vld [tilespmem:$0x18290];
	_ =	sdelay $0x4  }
0xc2: {  	v15 =	vadd.f32 v16, v53;
	v14 =	vsub.f32 v52, v51;
	_ =	sdelay $0x1  }
0xc3: {  	v13 =	vadd.f32 v15, v51;
	v14 =	vmul.f32 v3, v14;
	_ =	sdelay $0x1  }
0xc4: {  	v13 =	vadd.f32 v13, v14  }
0xc5: {  	v56 =	vld [tilespmem:s29+$0x520]  }
0xc6: {  	v17 =	vld [tilespmem:s29+$0xC520];
	[tilespmem:s29+$0x510] =	vst v13  }
0xc7: {  	v54 =	vld [tilespmem:$0x18220]  }
0xc8: {  	v55 =	vld [tilespmem:$0x182A0];
	_ =	sdelay $0x4  }
0xc9: {  	v16 =	vadd.f32 v17, v56;
	v15 =	vsub.f32 v55, v54;
	_ =	sdelay $0x1  }
0xca: {  	v14 =	vadd.f32 v16, v54;
	v15 =	vmul.f32 v3, v15;
	_ =	sdelay $0x1  }
0xcb: {  	v14 =	vadd.f32 v14, v15  }
0xcc: {  	v59 =	vld [tilespmem:s29+$0x530]  }
0xcd: {  	v18 =	vld [tilespmem:s29+$0xC530];
	[tilespmem:s29+$0x520] =	vst v14  }
0xce: {  	v57 =	vld [tilespmem:$0x18230]  }
0xcf: {  	v58 =	vld [tilespmem:$0x182B0];
	_ =	sdelay $0x4  }
0xd0: {  	v17 =	vadd.f32 v18, v59;
	v16 =	vsub.f32 v58, v57;
	_ =	sdelay $0x1  }
0xd1: {  	v15 =	vadd.f32 v17, v57;
	v16 =	vmul.f32 v3, v16;
	_ =	sdelay $0x1  }
0xd2: {  	v15 =	vadd.f32 v15, v16  }
0xd3: {  	v62 =	vld [tilespmem:s29+$0x540]  }
0xd4: {  	v19 =	vld [tilespmem:s29+$0xC540];
	[tilespmem:s29+$0x530] =	vst v15  }
0xd5: {  	v60 =	vld [tilespmem:$0x18240]  }
0xd6: {  	v61 =	vld [tilespmem:$0x182C0];
	_ =	sdelay $0x4  }
0xd7: {  	v18 =	vadd.f32 v19, v62;
	v17 =	vsub.f32 v61, v60;
	_ =	sdelay $0x1  }
0xd8: {  	v16 =	vadd.f32 v18, v60;
	v17 =	vmul.f32 v3, v17;
	_ =	sdelay $0x1  }
0xd9: {  	v16 =	vadd.f32 v16, v17  }
0xda: {  	v25 =	vld [tilespmem:s29+$0x550]  }
0xdb: {  	v20 =	vld [tilespmem:s29+$0xC550];
	[tilespmem:s29+$0x540] =	vst v16  }
0xdc: {  	v63 =	vld [tilespmem:$0x18250]  }
0xdd: {  	v24 =	vld [tilespmem:$0x182D0];
	_ =	sdelay $0x4  }
0xde: {  	v19 =	vadd.f32 v20, v25;
	v18 =	vsub.f32 v24, v63;
	_ =	sdelay $0x1  }
0xdf: {  	v17 =	vadd.f32 v19, v63;
	v18 =	vmul.f32 v3, v18;
	_ =	sdelay $0x1  }
0xe0: {  	v17 =	vadd.f32 v17, v18  }
0xe1: {  	v21 =	vld [tilespmem:s29+$0xC560]  }
0xe2: {  	v28 =	vld [tilespmem:s29+$0x560];
	[tilespmem:s29+$0x550] =	vst v17  }
0xe3: {  	v26 =	vld [tilespmem:$0x18260]  }
0xe4: {  	v27 =	vld [tilespmem:$0x182E0];
	_ =	sdelay $0x4  }
0xe5: {  	v20 =	vadd.f32 v21, v28;
	v19 =	vsub.f32 v27, v26;
	_ =	sdelay $0x1  }
0xe6: {  	v18 =	vadd.f32 v20, v26;
	v19 =	vmul.f32 v3, v19;
	_ =	sdelay $0x1  }
0xe7: {  	v18 =	vadd.f32 v18, v19  }
0xe8: {  	v22 =	vld [tilespmem:s29+$0xC570]  }
0xe9: {  	v31 =	vld [tilespmem:s29+$0x570];
	[tilespmem:s29+$0x560] =	vst v18  }
0xea: {  	v29 =	vld [tilespmem:$0x18270]  }
0xeb: {  	v30 =	vld [tilespmem:$0x182F0];
	_ =	sdelay $0x4  }
0xec: {  	v21 =	vadd.f32 v22, v31;
	v20 =	vsub.f32 v30, v29;
	_ =	sdelay $0x1  }
0xed: {  	v19 =	vadd.f32 v21, v29;
	v20 =	vmul.f32 v3, v20;
	_ =	sdelay $0x1  }
0xee: {  	v19 =	vadd.f32 v19, v20  }
0xef: {  	v23 =	vld [tilespmem:s29+$0xC900]  }
0xf0: {  	v34 =	vld [tilespmem:s29+$0x900];
	[tilespmem:s29+$0x570] =	vst v19  }
0xf1: {  	v32 =	vld [tilespmem:$0x18300]  }
0xf2: {  	v33 =	vld [tilespmem:$0x18380];
	_ =	sdelay $0x4  }
0xf3: {  	v22 =	vadd.f32 v23, v34;
	v21 =	vsub.f32 v33, v32;
	_ =	sdelay $0x1  }
0xf4: {  	v20 =	vadd.f32 v22, v32;
	v21 =	vmul.f32 v3, v21;
	_ =	sdelay $0x1  }
0xf5: {  	v20 =	vadd.f32 v20, v21  }
0xf6: {  	v37 =	vld [tilespmem:s29+$0x910]  }
0xf7: {  	v24 =	vld [tilespmem:s29+$0xC910];
	[tilespmem:s29+$0x900] =	vst v20  }
0xf8: {  	v35 =	vld [tilespmem:$0x18310]  }
0xf9: {  	v36 =	vld [tilespmem:$0x18390];
	_ =	sdelay $0x4  }
0xfa: {  	v23 =	vadd.f32 v24, v37;
	v22 =	vsub.f32 v36, v35;
	_ =	sdelay $0x1  }
0xfb: {  	v21 =	vadd.f32 v23, v35;
	v22 =	vmul.f32 v3, v22;
	_ =	sdelay $0x1  }
0xfc: {  	v21 =	vadd.f32 v21, v22  }
0xfd: {  	v25 =	vld [tilespmem:s29+$0xC920]  }
0xfe: {  	v40 =	vld [tilespmem:s29+$0x920];
	[tilespmem:s29+$0x910] =	vst v21  }
0xff: {  	v38 =	vld [tilespmem:$0x18320]  }
0x100: {  	v39 =	vld [tilespmem:$0x183A0];
	_ =	sdelay $0x4  }
0x101: {  	v24 =	vadd.f32 v25, v40;
	v23 =	vsub.f32 v39, v38;
	_ =	sdelay $0x1  }
0x102: {  	v22 =	vadd.f32 v24, v38;
	v23 =	vmul.f32 v3, v23;
	_ =	sdelay $0x1  }
0x103: {  	v22 =	vadd.f32 v22, v23  }
0x104: {  	v43 =	vld [tilespmem:s29+$0x930]  }
0x105: {  	v26 =	vld [tilespmem:s29+$0xC930];
	[tilespmem:s29+$0x920] =	vst v22  }
0x106: {  	v41 =	vld [tilespmem:$0x18330]  }
0x107: {  	v42 =	vld [tilespmem:$0x183B0];
	_ =	sdelay $0x4  }
0x108: {  	v25 =	vadd.f32 v26, v43;
	v24 =	vsub.f32 v42, v41;
	_ =	sdelay $0x1  }
0x109: {  	v23 =	vadd.f32 v25, v41;
	v24 =	vmul.f32 v3, v24;
	_ =	sdelay $0x1  }
0x10a: {  	v23 =	vadd.f32 v23, v24  }
0x10b: {  	v46 =	vld [tilespmem:s29+$0x940]  }
0x10c: {  	v27 =	vld [tilespmem:s29+$0xC940];
	[tilespmem:s29+$0x930] =	vst v23  }
0x10d: {  	v44 =	vld [tilespmem:$0x18340]  }
0x10e: {  	v45 =	vld [tilespmem:$0x183C0];
	_ =	sdelay $0x4  }
0x10f: {  	v26 =	vadd.f32 v27, v46;
	v25 =	vsub.f32 v45, v44;
	_ =	sdelay $0x1  }
0x110: {  	v24 =	vadd.f32 v26, v44;
	v25 =	vmul.f32 v3, v25;
	_ =	sdelay $0x1  }
0x111: {  	v24 =	vadd.f32 v24, v25  }
0x112: {  	v28 =	vld [tilespmem:s29+$0xC950]  }
0x113: {  	v49 =	vld [tilespmem:s29+$0x950];
	[tilespmem:s29+$0x940] =	vst v24  }
0x114: {  	v47 =	vld [tilespmem:$0x18350]  }
0x115: {  	v48 =	vld [tilespmem:$0x183D0];
	_ =	sdelay $0x4  }
0x116: {  	v27 =	vadd.f32 v28, v49;
	v26 =	vsub.f32 v48, v47;
	_ =	sdelay $0x1  }
0x117: {  	v25 =	vadd.f32 v27, v47;
	v26 =	vmul.f32 v3, v26;
	_ =	sdelay $0x1  }
0x118: {  	v25 =	vadd.f32 v25, v26  }
0x119: {  	v52 =	vld [tilespmem:s29+$0x960]  }
0x11a: {  	v29 =	vld [tilespmem:s29+$0xC960];
	[tilespmem:s29+$0x950] =	vst v25  }
0x11b: {  	v50 =	vld [tilespmem:$0x18360]  }
0x11c: {  	v51 =	vld [tilespmem:$0x183E0];
	_ =	sdelay $0x4  }
0x11d: {  	v28 =	vadd.f32 v29, v52;
	v27 =	vsub.f32 v51, v50;
	_ =	sdelay $0x1  }
0x11e: {  	v26 =	vadd.f32 v28, v50;
	v27 =	vmul.f32 v3, v27;
	_ =	sdelay $0x1  }
0x11f: {  	v26 =	vadd.f32 v26, v27  }
0x120: {  	v55 =	vld [tilespmem:s29+$0x970]  }
0x121: {  	v30 =	vld [tilespmem:s29+$0xC970];
	[tilespmem:s29+$0x960] =	vst v26  }
0x122: {  	v53 =	vld [tilespmem:$0x18370]  }
0x123: {  	v54 =	vld [tilespmem:$0x183F0];
	_ =	sdelay $0x4  }
0x124: {  	v29 =	vadd.f32 v30, v55;
	v28 =	vsub.f32 v54, v53;
	_ =	sdelay $0x1  }
0x125: {  	v27 =	vadd.f32 v29, v53;
	v28 =	vmul.f32 v3, v28;
	_ =	sdelay $0x1  }
0x126: {  	v27 =	vadd.f32 v27, v28  }
0x127: {  	v31 =	vld [tilespmem:s29+$0xCD00]  }
0x128: {  	v58 =	vld [tilespmem:s29+$0xD00];
	[tilespmem:s29+$0x970] =	vst v27  }
0x129: {  	v56 =	vld [tilespmem:$0x18400]  }
0x12a: {  	v57 =	vld [tilespmem:$0x18480];
	_ =	sdelay $0x4  }
0x12b: {  	v30 =	vadd.f32 v31, v58;
	v29 =	vsub.f32 v57, v56;
	_ =	sdelay $0x1  }
0x12c: {  	v28 =	vadd.f32 v30, v56;
	v29 =	vmul.f32 v3, v29;
	_ =	sdelay $0x1  }
0x12d: {  	v28 =	vadd.f32 v28, v29  }
0x12e: {  	v61 =	vld [tilespmem:s29+$0xD10]  }
0x12f: {  	v32 =	vld [tilespmem:s29+$0xCD10];
	[tilespmem:s29+$0xD00] =	vst v28  }
0x130: {  	v59 =	vld [tilespmem:$0x18410]  }
0x131: {  	v60 =	vld [tilespmem:$0x18490];
	_ =	sdelay $0x4  }
0x132: {  	v31 =	vadd.f32 v32, v61;
	v30 =	vsub.f32 v60, v59;
	_ =	sdelay $0x1  }
0x133: {  	v29 =	vadd.f32 v31, v59;
	v30 =	vmul.f32 v3, v30;
	_ =	sdelay $0x1  }
0x134: {  	v29 =	vadd.f32 v29, v30  }
0x135: {  	v33 =	vld [tilespmem:s29+$0xCD20]  }
0x136: {  	v36 =	vld [tilespmem:s29+$0xD20];
	[tilespmem:s29+$0xD10] =	vst v29  }
0x137: {  	v62 =	vld [tilespmem:$0x18420]  }
0x138: {  	v63 =	vld [tilespmem:$0x184A0];
	_ =	sdelay $0x4  }
0x139: {  	v32 =	vadd.f32 v33, v36;
	v31 =	vsub.f32 v63, v62;
	_ =	sdelay $0x1  }
0x13a: {  	v30 =	vadd.f32 v32, v62;
	v31 =	vmul.f32 v3, v31;
	_ =	sdelay $0x1  }
0x13b: {  	v30 =	vadd.f32 v30, v31  }
0x13c: {  	v34 =	vld [tilespmem:s29+$0xCD30]  }
0x13d: {  	v39 =	vld [tilespmem:s29+$0xD30];
	[tilespmem:s29+$0xD20] =	vst v30  }
0x13e: {  	v37 =	vld [tilespmem:$0x18430]  }
0x13f: {  	v38 =	vld [tilespmem:$0x184B0];
	_ =	sdelay $0x4  }
0x140: {  	v33 =	vadd.f32 v34, v39;
	v32 =	vsub.f32 v38, v37;
	_ =	sdelay $0x1  }
0x141: {  	v31 =	vadd.f32 v33, v37;
	v32 =	vmul.f32 v3, v32;
	_ =	sdelay $0x1  }
0x142: {  	v31 =	vadd.f32 v31, v32  }
0x143: {  	v35 =	vld [tilespmem:s29+$0xCD40]  }
0x144: {  	v42 =	vld [tilespmem:s29+$0xD40];
	[tilespmem:s29+$0xD30] =	vst v31  }
0x145: {  	v40 =	vld [tilespmem:$0x18440]  }
0x146: {  	v41 =	vld [tilespmem:$0x184C0];
	_ =	sdelay $0x4  }
0x147: {  	v34 =	vadd.f32 v35, v42;
	v33 =	vsub.f32 v41, v40;
	_ =	sdelay $0x1  }
0x148: {  	v32 =	vadd.f32 v34, v40;
	v33 =	vmul.f32 v3, v33;
	_ =	sdelay $0x1  }
0x149: {  	v32 =	vadd.f32 v32, v33  }
0x14a: {  	v36 =	vld [tilespmem:s29+$0xCD50]  }
0x14b: {  	v45 =	vld [tilespmem:s29+$0xD50];
	[tilespmem:s29+$0xD40] =	vst v32  }
0x14c: {  	v43 =	vld [tilespmem:$0x18450]  }
0x14d: {  	v44 =	vld [tilespmem:$0x184D0];
	_ =	sdelay $0x4  }
0x14e: {  	v35 =	vadd.f32 v36, v45;
	v34 =	vsub.f32 v44, v43;
	_ =	sdelay $0x1  }
0x14f: {  	v33 =	vadd.f32 v35, v43;
	v34 =	vmul.f32 v3, v34;
	_ =	sdelay $0x1  }
0x150: {  	v33 =	vadd.f32 v33, v34  }
0x151: {  	v48 =	vld [tilespmem:s29+$0xD60]  }
0x152: {  	v37 =	vld [tilespmem:s29+$0xCD60];
	[tilespmem:s29+$0xD50] =	vst v33  }
0x153: {  	v46 =	vld [tilespmem:$0x18460]  }
0x154: {  	v47 =	vld [tilespmem:$0x184E0];
	_ =	sdelay $0x4  }
0x155: {  	v36 =	vadd.f32 v37, v48;
	v35 =	vsub.f32 v47, v46;
	_ =	sdelay $0x1  }
0x156: {  	v34 =	vadd.f32 v36, v46;
	v35 =	vmul.f32 v3, v35;
	_ =	sdelay $0x1  }
0x157: {  	v34 =	vadd.f32 v34, v35  }
0x158: {  	v51 =	vld [tilespmem:s29+$0xD70]  }
0x159: {  	v38 =	vld [tilespmem:s29+$0xCD70];
	[tilespmem:s29+$0xD60] =	vst v34  }
0x15a: {  	v49 =	vld [tilespmem:$0x18470]  }
0x15b: {  	v50 =	vld [tilespmem:$0x184F0];
	_ =	sdelay $0x4  }
0x15c: {  	v37 =	vadd.f32 v38, v51;
	v36 =	vsub.f32 v50, v49;
	_ =	sdelay $0x1  }
0x15d: {  	v35 =	vadd.f32 v37, v49;
	v36 =	vmul.f32 v3, v36;
	_ =	sdelay $0x1  }
0x15e: {  	v35 =	vadd.f32 v35, v36  }
0x15f: {  	v39 =	vld [tilespmem:s29+$0xD100]  }
0x160: {  	v54 =	vld [tilespmem:s29+$0x1100];
	[tilespmem:s29+$0xD70] =	vst v35  }
0x161: {  	v52 =	vld [tilespmem:$0x18500]  }
0x162: {  	v53 =	vld [tilespmem:$0x18580];
	_ =	sdelay $0x4  }
0x163: {  	v38 =	vadd.f32 v39, v54;
	v37 =	vsub.f32 v53, v52;
	_ =	sdelay $0x1  }
0x164: {  	v36 =	vadd.f32 v38, v52;
	v37 =	vmul.f32 v3, v37;
	_ =	sdelay $0x1  }
0x165: {  	v36 =	vadd.f32 v36, v37  }
0x166: {  	v57 =	vld [tilespmem:s29+$0x1110]  }
0x167: {  	v40 =	vld [tilespmem:s29+$0xD110];
	[tilespmem:s29+$0x1100] =	vst v36  }
0x168: {  	v55 =	vld [tilespmem:$0x18510]  }
0x169: {  	v56 =	vld [tilespmem:$0x18590];
	_ =	sdelay $0x4  }
0x16a: {  	v39 =	vadd.f32 v40, v57;
	v38 =	vsub.f32 v56, v55;
	_ =	sdelay $0x1  }
0x16b: {  	v37 =	vadd.f32 v39, v55;
	v38 =	vmul.f32 v3, v38;
	_ =	sdelay $0x1  }
0x16c: {  	v37 =	vadd.f32 v37, v38  }
0x16d: {  	v60 =	vld [tilespmem:s29+$0x1120]  }
0x16e: {  	v41 =	vld [tilespmem:s29+$0xD120];
	[tilespmem:s29+$0x1110] =	vst v37  }
0x16f: {  	v58 =	vld [tilespmem:$0x18520]  }
0x170: {  	v59 =	vld [tilespmem:$0x185A0];
	_ =	sdelay $0x4  }
0x171: {  	v40 =	vadd.f32 v41, v60;
	v39 =	vsub.f32 v59, v58;
	_ =	sdelay $0x1  }
0x172: {  	v38 =	vadd.f32 v40, v58;
	v39 =	vmul.f32 v3, v39;
	_ =	sdelay $0x1  }
0x173: {  	v38 =	vadd.f32 v38, v39  }
0x174: {  	v42 =	vld [tilespmem:s29+$0xD130]  }
0x175: {  	v63 =	vld [tilespmem:s29+$0x1130];
	[tilespmem:s29+$0x1120] =	vst v38  }
0x176: {  	v61 =	vld [tilespmem:$0x18530]  }
0x177: {  	v62 =	vld [tilespmem:$0x185B0];
	_ =	sdelay $0x4  }
0x178: {  	v41 =	vadd.f32 v42, v63;
	v40 =	vsub.f32 v62, v61;
	_ =	sdelay $0x1  }
0x179: {  	v39 =	vadd.f32 v41, v61;
	v40 =	vmul.f32 v3, v40;
	_ =	sdelay $0x1  }
0x17a: {  	v39 =	vadd.f32 v39, v40  }
0x17b: {  	v43 =	vld [tilespmem:s29+$0xD140]  }
0x17c: {  	v47 =	vld [tilespmem:s29+$0x1140];
	[tilespmem:s29+$0x1130] =	vst v39  }
0x17d: {  	v45 =	vld [tilespmem:$0x18540]  }
0x17e: {  	v46 =	vld [tilespmem:$0x185C0];
	_ =	sdelay $0x4  }
0x17f: {  	v42 =	vadd.f32 v43, v47;
	v41 =	vsub.f32 v46, v45;
	_ =	sdelay $0x1  }
0x180: {  	v40 =	vadd.f32 v42, v45;
	v41 =	vmul.f32 v3, v41;
	_ =	sdelay $0x1  }
0x181: {  	v40 =	vadd.f32 v40, v41  }
0x182: {  	v44 =	vld [tilespmem:s29+$0xD150]  }
0x183: {  	v50 =	vld [tilespmem:s29+$0x1150];
	[tilespmem:s29+$0x1140] =	vst v40  }
0x184: {  	v48 =	vld [tilespmem:$0x18550]  }
0x185: {  	v49 =	vld [tilespmem:$0x185D0];
	_ =	sdelay $0x4  }
0x186: {  	v43 =	vadd.f32 v44, v50;
	v42 =	vsub.f32 v49, v48;
	_ =	sdelay $0x1  }
0x187: {  	v41 =	vadd.f32 v43, v48;
	v42 =	vmul.f32 v3, v42;
	_ =	sdelay $0x1  }
0x188: {  	v41 =	vadd.f32 v41, v42  }
0x189: {  	v53 =	vld [tilespmem:s29+$0x1160]  }
0x18a: {  	v45 =	vld [tilespmem:s29+$0xD160];
	[tilespmem:s29+$0x1150] =	vst v41  }
0x18b: {  	v51 =	vld [tilespmem:$0x18560]  }
0x18c: {  	v52 =	vld [tilespmem:$0x185E0];
	_ =	sdelay $0x4  }
0x18d: {  	v44 =	vadd.f32 v45, v53;
	v43 =	vsub.f32 v52, v51;
	_ =	sdelay $0x1  }
0x18e: {  	v42 =	vadd.f32 v44, v51;
	v43 =	vmul.f32 v3, v43;
	_ =	sdelay $0x1  }
0x18f: {  	v42 =	vadd.f32 v42, v43  }
0x190: {  	v56 =	vld [tilespmem:s29+$0x1170]  }
0x191: {  	v46 =	vld [tilespmem:s29+$0xD170];
	[tilespmem:s29+$0x1160] =	vst v42  }
0x192: {  	v54 =	vld [tilespmem:$0x18570]  }
0x193: {  	v55 =	vld [tilespmem:$0x185F0];
	_ =	sdelay $0x4  }
0x194: {  	v45 =	vadd.f32 v46, v56;
	v44 =	vsub.f32 v55, v54;
	_ =	sdelay $0x1  }
0x195: {  	v43 =	vadd.f32 v45, v54;
	v44 =	vmul.f32 v3, v44;
	_ =	sdelay $0x1  }
0x196: {  	v43 =	vadd.f32 v43, v44  }
0x197: {  	v47 =	vld [tilespmem:s29+$0xD500]  }
0x198: {  	v59 =	vld [tilespmem:s29+$0x1500];
	[tilespmem:s29+$0x1170] =	vst v43  }
0x199: {  	v57 =	vld [tilespmem:$0x18600]  }
0x19a: {  	v58 =	vld [tilespmem:$0x18680];
	_ =	sdelay $0x4  }
0x19b: {  	v46 =	vadd.f32 v47, v59;
	v45 =	vsub.f32 v58, v57;
	_ =	sdelay $0x1  }
0x19c: {  	v44 =	vadd.f32 v46, v57;
	v45 =	vmul.f32 v3, v45  }
0x19d: {  	v49 =	vadd.f32 $0.0e+00, v4  }
0x19e: {  	v44 =	vadd.f32 v44, v45  }
0x19f: {  	v50 =	vmul.f32 v5, v5;
	v62 =	vld [tilespmem:s29+$0x1510];
	v5 =	vadd.f32 v5, v49  }
0x1a0: {  	v48 =	vld [tilespmem:s29+$0xD510];
	v4 =	vmul.f32 v4, v4;
	[tilespmem:s29+$0x1500] =	vst v44  }
0x1a1: {  	v5 =	vadd.f32 v6, v5;
	v60 =	vld [tilespmem:$0x18610]  }
0x1a2: {  	v63 =	vmul.f32 v6, v6;
	v4 =	vadd.f32 v50, v4;
	v61 =	vld [tilespmem:$0x18690]  }
0x1a3: {  	v5 =	vadd.f32 v7, v5  }
0x1a4: {  	v4 =	vadd.f32 v63, v4;
	v51 =	vmul.f32 v7, v7  }
0x1a5: {  	v5 =	vadd.f32 v8, v5  }
0x1a6: {  	v53 =	vmul.f32 v8, v8;
	v47 =	vadd.f32 v48, v62;
	v52 =	vadd.f32 v51, v4  }
0x1a7: {  	v5 =	vadd.f32 v9, v5;
	v46 =	vsub.f32 v61, v60  }
0x1a8: {  	v54 =	vadd.f32 v53, v52;
	v55 =	vmul.f32 v9, v9  }
0x1a9: {  	v5 =	vadd.f32 v10, v5;
	v50 =	vadd.f32 v47, v60;
	v46 =	vmul.f32 v3, v46  }
0x1aa: {  	v6 =	vadd.f32 v55, v54;
	v57 =	vmul.f32 v10, v10  }
0x1ab: {  	v5 =	vadd.f32 v11, v5;
	v4 =	vadd.f32 v50, v46  }
0x1ac: {  	v59 =	vld [tilespmem:s29+$0x1520];
	v6 =	vadd.f32 v57, v6;
	v60 =	vmul.f32 v11, v11  }
0x1ad: {  	v5 =	vadd.f32 v12, v5;
	v61 =	vld [tilespmem:s29+$0xD520];
	[tilespmem:s29+$0x1510] =	vst v4  }
0x1ae: {  	v62 =	vmul.f32 v12, v12;
	v6 =	vadd.f32 v60, v6;
	v56 =	vld [tilespmem:$0x18620]  }
0x1af: {  	v5 =	vadd.f32 v13, v5;
	v58 =	vld [tilespmem:$0x186A0]  }
0x1b0: {  	v63 =	vmul.f32 v13, v13;
	v6 =	vadd.f32 v62, v6  }
0x1b1: {  	v13 =	vmul.f32 v14, v14;
	v14 =	vadd.f32 v14, v5  }
0x1b2: {  	v6 =	vadd.f32 v63, v6  }
0x1b3: {  	v46 =	vadd.f32 v15, v14;
	v10 =	vadd.f32 v61, v59  }
0x1b4: {  	v45 =	vmul.f32 v15, v15;
	v6 =	vadd.f32 v13, v6;
	v9 =	vsub.f32 v58, v56  }
0x1b5: {  	v47 =	vmul.f32 v16, v16;
	v7 =	vadd.f32 v16, v46  }
0x1b6: {  	v6 =	vadd.f32 v45, v6;
	v12 =	vadd.f32 v10, v56;
	v9 =	vmul.f32 v3, v9  }
0x1b7: {  	v7 =	vadd.f32 v17, v7  }
0x1b8: {  	v49 =	vmul.f32 v17, v17;
	v6 =	vadd.f32 v47, v6;
	v5 =	vadd.f32 v12, v9  }
0x1b9: {  	v51 =	vld [tilespmem:s29+$0x1530];
	v7 =	vadd.f32 v18, v7  }
0x1ba: {  	v52 =	vmul.f32 v18, v18;
	v53 =	vld [tilespmem:s29+$0xD530];
	v6 =	vadd.f32 v49, v6;
	[tilespmem:s29+$0x1520] =	vst v5  }
0x1bb: {  	v7 =	vadd.f32 v19, v7;
	v48 =	vld [tilespmem:$0x18630]  }
0x1bc: {  	v54 =	vmul.f32 v19, v19;
	v6 =	vadd.f32 v52, v6;
	v50 =	vld [tilespmem:$0x186B0]  }
0x1bd: {  	v7 =	vadd.f32 v20, v7  }
0x1be: {  	v55 =	vmul.f32 v20, v20;
	v6 =	vadd.f32 v54, v6  }
0x1bf: {  	v7 =	vadd.f32 v21, v7  }
0x1c0: {  	v57 =	vmul.f32 v21, v21;
	v11 =	vadd.f32 v53, v51;
	v6 =	vadd.f32 v55, v6  }
0x1c1: {  	v7 =	vadd.f32 v22, v7;
	v10 =	vsub.f32 v50, v48  }
0x1c2: {  	v58 =	vmul.f32 v22, v22;
	v6 =	vadd.f32 v57, v6  }
0x1c3: {  	v7 =	vadd.f32 v23, v7;
	v56 =	vadd.f32 v11, v48;
	v10 =	vmul.f32 v3, v10  }
0x1c4: {  	v59 =	vmul.f32 v23, v23;
	v6 =	vadd.f32 v58, v6  }
0x1c5: {  	v7 =	vadd.f32 v24, v7;
	v8 =	vadd.f32 v56, v10  }
0x1c6: {  	v61 =	vmul.f32 v24, v24;
	v63 =	vld [tilespmem:s29+$0x1540];
	v6 =	vadd.f32 v59, v6  }
0x1c7: {  	v17 =	vld [tilespmem:s29+$0xD540];
	v7 =	vadd.f32 v25, v7;
	[tilespmem:s29+$0x1530] =	vst v8  }
0x1c8: {  	v16 =	vmul.f32 v25, v25;
	v6 =	vadd.f32 v61, v6;
	v60 =	vld [tilespmem:$0x18640]  }
0x1c9: {  	v7 =	vadd.f32 v26, v7;
	v62 =	vld [tilespmem:$0x186C0]  }
0x1ca: {  	v18 =	vmul.f32 v26, v26;
	v6 =	vadd.f32 v16, v6  }
0x1cb: {  	v7 =	vadd.f32 v27, v7  }
0x1cc: {  	v19 =	vmul.f32 v27, v27;
	v6 =	vadd.f32 v18, v6  }
0x1cd: {  	v12 =	vadd.f32 v17, v63;
	v7 =	vadd.f32 v28, v7  }
0x1ce: {  	v21 =	vmul.f32 v28, v28;
	v6 =	vadd.f32 v19, v6;
	v11 =	vsub.f32 v62, v60  }
0x1cf: {  	v22 =	vmul.f32 v29, v29;
	v7 =	vadd.f32 v29, v7  }
0x1d0: {  	v20 =	vadd.f32 v12, v60;
	v6 =	vadd.f32 v21, v6;
	v11 =	vmul.f32 v3, v11  }
0x1d1: {  	v7 =	vadd.f32 v30, v7  }
0x1d2: {  	v23 =	vmul.f32 v30, v30;
	v6 =	vadd.f32 v22, v6;
	v9 =	vadd.f32 v20, v11  }
0x1d3: {  	v27 =	vld [tilespmem:s29+$0x1550];
	v7 =	vadd.f32 v31, v7  }
0x1d4: {  	v25 =	vmul.f32 v31, v31;
	v29 =	vld [tilespmem:s29+$0xD550];
	v6 =	vadd.f32 v23, v6;
	[tilespmem:s29+$0x1540] =	vst v9  }
0x1d5: {  	v7 =	vadd.f32 v32, v7;
	v24 =	vld [tilespmem:$0x18650]  }
0x1d6: {  	v28 =	vmul.f32 v32, v32;
	v6 =	vadd.f32 v25, v6;
	v26 =	vld [tilespmem:$0x186D0]  }
0x1d7: {  	v7 =	vadd.f32 v33, v7  }
0x1d8: {  	v30 =	vmul.f32 v33, v33;
	v6 =	vadd.f32 v28, v6  }
0x1d9: {  	v7 =	vadd.f32 v34, v7  }
0x1da: {  	v31 =	vmul.f32 v34, v34;
	v13 =	vadd.f32 v29, v27;
	v6 =	vadd.f32 v30, v6  }
0x1db: {  	v7 =	vadd.f32 v35, v7;
	v12 =	vsub.f32 v26, v24  }
0x1dc: {  	v33 =	vmul.f32 v35, v35;
	v6 =	vadd.f32 v31, v6  }
0x1dd: {  	v7 =	vadd.f32 v36, v7;
	v32 =	vadd.f32 v13, v24;
	v12 =	vmul.f32 v3, v12  }
0x1de: {  	v34 =	vmul.f32 v36, v36;
	v6 =	vadd.f32 v33, v6  }
0x1df: {  	v7 =	vadd.f32 v37, v7;
	v10 =	vadd.f32 v32, v12  }
0x1e0: {  	v47 =	vld [tilespmem:s29+$0x1560];
	v35 =	vmul.f32 v37, v37;
	v6 =	vadd.f32 v34, v6  }
0x1e1: {  	v49 =	vld [tilespmem:s29+$0xD560];
	v7 =	vadd.f32 v38, v7;
	[tilespmem:s29+$0x1550] =	vst v10  }
0x1e2: {  	v45 =	vmul.f32 v38, v38;
	v6 =	vadd.f32 v35, v6;
	v36 =	vld [tilespmem:$0x18660]  }
0x1e3: {  	v7 =	vadd.f32 v39, v7;
	v46 =	vld [tilespmem:$0x186E0]  }
0x1e4: {  	v48 =	vmul.f32 v39, v39;
	v6 =	vadd.f32 v45, v6  }
0x1e5: {  	v7 =	vadd.f32 v40, v7  }
0x1e6: {  	v50 =	vmul.f32 v40, v40;
	v6 =	vadd.f32 v48, v6  }
0x1e7: {  	v14 =	vadd.f32 v49, v47;
	v7 =	vadd.f32 v41, v7  }
0x1e8: {  	v51 =	vmul.f32 v41, v41;
	v6 =	vadd.f32 v50, v6;
	v13 =	vsub.f32 v46, v36  }
0x1e9: {  	v53 =	vmul.f32 v42, v42;
	v7 =	vadd.f32 v42, v7  }
0x1ea: {  	v52 =	vadd.f32 v14, v36;
	v6 =	vadd.f32 v51, v6;
	v13 =	vmul.f32 v3, v13  }
0x1eb: {  	v7 =	vadd.f32 v43, v7  }
0x1ec: {  	v54 =	vmul.f32 v43, v43;
	v6 =	vadd.f32 v53, v6;
	v11 =	vadd.f32 v52, v13  }
0x1ed: {  	v59 =	vld [tilespmem:s29+$0x1570];
	v7 =	vadd.f32 v44, v7  }
0x1ee: {  	v55 =	vmul.f32 v44, v44;
	v61 =	vld [tilespmem:s29+$0xD570];
	v6 =	vadd.f32 v54, v6;
	[tilespmem:s29+$0x1560] =	vst v11  }
0x1ef: {  	v57 =	vmul.f32 v4, v4;
	v4 =	vadd.f32 v4, v7;
	v56 =	vld [tilespmem:$0x18670]  }
0x1f0: {  	v58 =	vld [tilespmem:$0x186F0];
	v6 =	vadd.f32 v55, v6  }
0x1f1: {  	v4 =	vadd.f32 v5, v4  }
0x1f2: {  	v60 =	vmul.f32 v5, v5;
	v6 =	vadd.f32 v57, v6  }
0x1f3: {  	v4 =	vadd.f32 v8, v4  }
0x1f4: {  	v63 =	vmul.f32 v8, v8;
	v17 =	vadd.f32 v61, v59;
	v62 =	vadd.f32 v60, v6  }
0x1f5: {  	v4 =	vadd.f32 v9, v4;
	v18 =	vsub.f32 v58, v56  }
0x1f6: {  	v16 =	vmul.f32 v9, v9;
	v5 =	vadd.f32 v63, v62  }
0x1f7: {  	v19 =	vadd.f32 v17, v56;
	v4 =	vadd.f32 v10, v4;
	v3 =	vmul.f32 v3, v18  }
0x1f8: {  	v20 =	vmul.f32 v10, v10;
	v5 =	vadd.f32 v16, v5  }
0x1f9: {  	v4 =	vadd.f32 v11, v4;
	v3 =	vadd.f32 v19, v3  }
0x1fa: {  	v21 =	vmul.f32 v11, v11;
	v5 =	vadd.f32 v20, v5  }
0x1fb: {  	v4 =	vadd.f32 v3, v4  }
0x1fc: {  	v6 =	vmul.f32 v3, v3;
	v5 =	vadd.f32 v21, v5  }
0x1fd: {  	(xrf2) =	vadd.scan.msk.f32 $0xffff, v4  }
0x1fe: {  	v5 =	vadd.f32 v6, v5;
	_ =	sdelay $0x1  }
0x1ff: {  	(xrf2) =	vadd.scan.msk.f32 $0xffff, v5;
	_ =	sdelay $0x6  }
0x200: {  	v4, _, _ =	vpop (xrf2)  }
0x201: {  	(v2sf) =	vpush v4, $0xF;
	_ =	sdelay $0x1  }
0x202: {  	v22, _, _ =	vpop (xrf2)  }
0x203: {  	(v2sf) =	vpush v22, $0xF;
	_ =	sdelay $0xb  }
0x204: {  	s1 =	spop (v2sf)  }
0x205: {  	s30 =	smul.f32 $1.302083370e-03, s1;
	_ =	sdelay $0x1  }
0x206: {  	s1 =	smul.f32 s30, s30;
	s31 =	spop (v2sf)  }
0x207: {  	s31 =	smul.f32 $1.302083370e-03, s31;
	_ =	sdelay $0x1  }
0x208: {  	s1 =	ssub.f32 s31, s1;
	_ =	sdelay $0x1  }
0x209: {  	s1 =	sadd.f32 $9.999999740e-06, s1;
	_ =	sdelay $0x1  }
0x20a: {  	s5 =	sshrl.u32 s1, $0x1;
	s1 =	smul.f32 $5.000000000e-01, s1  }
0x20b: {  	s31 =	ssub.s32 $0x5F3759DF, s5  }
0x20c: {  	s5 =	smul.f32 s31, s1;
	_ =	sdelay $0x1  }
0x20d: {  	s5 =	smul.f32 s31, s5;
	_ =	sdelay $0x1  }
0x20e: {  	s5 =	ssub.f32 $1.500000000e+00, s5;
	_ =	sdelay $0x1  }
0x20f: {  	s5 =	smul.f32 s31, s5;
	_ =	sdelay $0x1  }
0x210: {  	s31 =	smul.f32 s5, s1;
	_ =	sdelay $0x1  }
0x211: {  	s31 =	smul.f32 s31, s5;
	_ =	sdelay $0x1  }
0x212: {  	s31 =	ssub.f32 $1.500000000e+00, s31;
	_ =	sdelay $0x1  }
0x213: {  	s5 =	smul.f32 s31, s5;
	_ =	sdelay $0x1  }
0x214: {  	s1 =	smul.f32 s5, s1  }
0x215: {  	v23 =	vld [tilespmem:s29+$0x100]  }
0x216: {  	s1 =	smul.f32 s1, s5;
	_ =	sdelay $0x1  }
0x217: {  	[tilespmem:s29+$0x1570] =	vst v3;
	s1 =	ssub.f32 $1.500000000e+00, s1  }
0x218: {  	v24 =	vld [tilespmem:$0x18700];
	v3 =	vmov s30  }
0x219: {  	v4 =	vsub.f32 v23, v3;
	s31 =	smul.f32 s1, s5  }
0x21a: {  	v25 =	vld [tilespmem:$0x18A00]  }
0x21b: {  	v4 =	vmul.f32 s31, v4;
	_ =	sdelay $0x1  }
0x21c: {  	v4 =	vmul.f32 v4, v24  }
0x21d: {  	v26 =	vld [tilespmem:s29+$0x110]  }
0x21e: {  	v4 =	vadd.f32 v4, v25;
	_ =	sdelay $0x1  }
0x21f: {  	[tilespmem:s29+$0x100] =	vst v4  }
0x220: {  	v4 =	vld [tilespmem:$0x18710]  }
0x221: {  	v5 =	vsub.f32 v26, v3  }
0x222: {  	v27 =	vld [tilespmem:$0x18A10]  }
0x223: {  	v5 =	vmul.f32 s31, v5;
	_ =	sdelay $0x1  }
0x224: {  	v4 =	vmul.f32 v5, v4  }
0x225: {  	v28 =	vld [tilespmem:s29+$0x120]  }
0x226: {  	v4 =	vadd.f32 v4, v27;
	_ =	sdelay $0x1  }
0x227: {  	[tilespmem:s29+$0x110] =	vst v4  }
0x228: {  	v4 =	vld [tilespmem:$0x18720]  }
0x229: {  	v5 =	vsub.f32 v28, v3  }
0x22a: {  	v29 =	vld [tilespmem:$0x18A20]  }
0x22b: {  	v5 =	vmul.f32 s31, v5;
	_ =	sdelay $0x1  }
0x22c: {  	v4 =	vmul.f32 v5, v4  }
0x22d: {  	v30 =	vld [tilespmem:s29+$0x130]  }
0x22e: {  	v4 =	vadd.f32 v4, v29;
	_ =	sdelay $0x1  }
0x22f: {  	[tilespmem:s29+$0x120] =	vst v4  }
0x230: {  	v4 =	vld [tilespmem:$0x18730]  }
0x231: {  	v5 =	vsub.f32 v30, v3  }
0x232: {  	v31 =	vld [tilespmem:$0x18A30]  }
0x233: {  	v5 =	vmul.f32 s31, v5;
	_ =	sdelay $0x1  }
0x234: {  	v4 =	vmul.f32 v5, v4  }
0x235: {  	v32 =	vld [tilespmem:s29+$0x140]  }
0x236: {  	v4 =	vadd.f32 v4, v31;
	_ =	sdelay $0x1  }
0x237: {  	[tilespmem:s29+$0x130] =	vst v4  }
0x238: {  	v4 =	vld [tilespmem:$0x18740]  }
0x239: {  	v5 =	vsub.f32 v32, v3  }
0x23a: {  	v33 =	vld [tilespmem:$0x18A40]  }
0x23b: {  	v5 =	vmul.f32 s31, v5;
	_ =	sdelay $0x1  }
0x23c: {  	v4 =	vmul.f32 v5, v4  }
0x23d: {  	v34 =	vld [tilespmem:s29+$0x150]  }
0x23e: {  	v4 =	vadd.f32 v4, v33;
	_ =	sdelay $0x1  }
0x23f: {  	[tilespmem:s29+$0x140] =	vst v4  }
0x240: {  	v4 =	vld [tilespmem:$0x18750]  }
0x241: {  	v5 =	vsub.f32 v34, v3  }
0x242: {  	v35 =	vld [tilespmem:$0x18A50]  }
0x243: {  	v5 =	vmul.f32 s31, v5;
	_ =	sdelay $0x1  }
0x244: {  	v4 =	vmul.f32 v5, v4  }
0x245: {  	v36 =	vld [tilespmem:s29+$0x160]  }
0x246: {  	v4 =	vadd.f32 v4, v35;
	_ =	sdelay $0x1  }
0x247: {  	[tilespmem:s29+$0x150] =	vst v4  }
0x248: {  	v4 =	vld [tilespmem:$0x18760]  }
0x249: {  	v5 =	vsub.f32 v36, v3  }
0x24a: {  	v37 =	vld [tilespmem:$0x18A60]  }
0x24b: {  	v5 =	vmul.f32 s31, v5;
	_ =	sdelay $0x1  }
0x24c: {  	v4 =	vmul.f32 v5, v4  }
0x24d: {  	v38 =	vld [tilespmem:s29+$0x170]  }
0x24e: {  	v4 =	vadd.f32 v4, v37;
	_ =	sdelay $0x1  }
0x24f: {  	[tilespmem:s29+$0x160] =	vst v4  }
0x250: {  	v4 =	vld [tilespmem:$0x18770]  }
0x251: {  	v5 =	vsub.f32 v38, v3  }
0x252: {  	v39 =	vld [tilespmem:$0x18A70]  }
0x253: {  	v5 =	vmul.f32 s31, v5;
	_ =	sdelay $0x1  }
0x254: {  	v4 =	vmul.f32 v5, v4  }
0x255: {  	v40 =	vld [tilespmem:s29+$0x500]  }
0x256: {  	v4 =	vadd.f32 v4, v39;
	_ =	sdelay $0x1  }
0x257: {  	[tilespmem:s29+$0x170] =	vst v4  }
0x258: {  	v4 =	vld [tilespmem:$0x18780]  }
0x259: {  	v5 =	vsub.f32 v40, v3  }
0x25a: {  	v41 =	vld [tilespmem:$0x18A80]  }
0x25b: {  	v5 =	vmul.f32 s31, v5;
	_ =	sdelay $0x1  }
0x25c: {  	v4 =	vmul.f32 v5, v4  }
0x25d: {  	v42 =	vld [tilespmem:s29+$0x510]  }
0x25e: {  	v4 =	vadd.f32 v4, v41;
	_ =	sdelay $0x1  }
0x25f: {  	[tilespmem:s29+$0x500] =	vst v4  }
0x260: {  	v4 =	vld [tilespmem:$0x18790]  }
0x261: {  	v5 =	vsub.f32 v42, v3  }
0x262: {  	v43 =	vld [tilespmem:$0x18A90]  }
0x263: {  	v5 =	vmul.f32 s31, v5;
	_ =	sdelay $0x1  }
0x264: {  	v4 =	vmul.f32 v5, v4  }
0x265: {  	v44 =	vld [tilespmem:s29+$0x520]  }
0x266: {  	v4 =	vadd.f32 v4, v43;
	_ =	sdelay $0x1  }
0x267: {  	[tilespmem:s29+$0x510] =	vst v4  }
0x268: {  	v4 =	vld [tilespmem:$0x187A0]  }
0x269: {  	v5 =	vsub.f32 v44, v3  }
0x26a: {  	v45 =	vld [tilespmem:$0x18AA0]  }
0x26b: {  	v5 =	vmul.f32 s31, v5;
	_ =	sdelay $0x1  }
0x26c: {  	v4 =	vmul.f32 v5, v4  }
0x26d: {  	v46 =	vld [tilespmem:s29+$0x530]  }
0x26e: {  	v4 =	vadd.f32 v4, v45;
	_ =	sdelay $0x1  }
0x26f: {  	[tilespmem:s29+$0x520] =	vst v4  }
0x270: {  	v4 =	vld [tilespmem:$0x187B0]  }
0x271: {  	v5 =	vsub.f32 v46, v3  }
0x272: {  	v47 =	vld [tilespmem:$0x18AB0]  }
0x273: {  	v5 =	vmul.f32 s31, v5;
	_ =	sdelay $0x1  }
0x274: {  	v4 =	vmul.f32 v5, v4  }
0x275: {  	v48 =	vld [tilespmem:s29+$0x540]  }
0x276: {  	v4 =	vadd.f32 v4, v47;
	_ =	sdelay $0x1  }
0x277: {  	[tilespmem:s29+$0x530] =	vst v4  }
0x278: {  	v4 =	vld [tilespmem:$0x187C0]  }
0x279: {  	v5 =	vsub.f32 v48, v3  }
0x27a: {  	v49 =	vld [tilespmem:$0x18AC0]  }
0x27b: {  	v5 =	vmul.f32 s31, v5;
	_ =	sdelay $0x1  }
0x27c: {  	v4 =	vmul.f32 v5, v4  }
0x27d: {  	v50 =	vld [tilespmem:s29+$0x550]  }
0x27e: {  	v4 =	vadd.f32 v4, v49;
	_ =	sdelay $0x1  }
0x27f: {  	[tilespmem:s29+$0x540] =	vst v4  }
0x280: {  	v4 =	vld [tilespmem:$0x187D0]  }
0x281: {  	v5 =	vsub.f32 v50, v3  }
0x282: {  	v51 =	vld [tilespmem:$0x18AD0]  }
0x283: {  	v5 =	vmul.f32 s31, v5;
	_ =	sdelay $0x1  }
0x284: {  	v4 =	vmul.f32 v5, v4  }
0x285: {  	v52 =	vld [tilespmem:s29+$0x560]  }
0x286: {  	v4 =	vadd.f32 v4, v51;
	_ =	sdelay $0x1  }
0x287: {  	[tilespmem:s29+$0x550] =	vst v4  }
0x288: {  	v4 =	vld [tilespmem:$0x187E0]  }
0x289: {  	v5 =	vsub.f32 v52, v3  }
0x28a: {  	v53 =	vld [tilespmem:$0x18AE0]  }
0x28b: {  	v5 =	vmul.f32 s31, v5;
	_ =	sdelay $0x1  }
0x28c: {  	v4 =	vmul.f32 v5, v4  }
0x28d: {  	v54 =	vld [tilespmem:s29+$0x570]  }
0x28e: {  	v4 =	vadd.f32 v4, v53;
	_ =	sdelay $0x1  }
0x28f: {  	[tilespmem:s29+$0x560] =	vst v4  }
0x290: {  	v4 =	vld [tilespmem:$0x187F0]  }
0x291: {  	v5 =	vsub.f32 v54, v3  }
0x292: {  	v55 =	vld [tilespmem:$0x18AF0]  }
0x293: {  	v5 =	vmul.f32 s31, v5;
	_ =	sdelay $0x1  }
0x294: {  	v4 =	vmul.f32 v5, v4  }
0x295: {  	v56 =	vld [tilespmem:s29+$0x900]  }
0x296: {  	v4 =	vadd.f32 v4, v55;
	_ =	sdelay $0x1  }
0x297: {  	[tilespmem:s29+$0x570] =	vst v4  }
0x298: {  	v4 =	vld [tilespmem:$0x18800]  }
0x299: {  	v5 =	vsub.f32 v56, v3  }
0x29a: {  	v57 =	vld [tilespmem:$0x18B00]  }
0x29b: {  	v5 =	vmul.f32 s31, v5;
	_ =	sdelay $0x1  }
0x29c: {  	v4 =	vmul.f32 v5, v4  }
0x29d: {  	v58 =	vld [tilespmem:s29+$0x910]  }
0x29e: {  	v4 =	vadd.f32 v4, v57;
	_ =	sdelay $0x1  }
0x29f: {  	[tilespmem:s29+$0x900] =	vst v4  }
0x2a0: {  	v4 =	vld [tilespmem:$0x18810]  }
0x2a1: {  	v5 =	vsub.f32 v58, v3  }
0x2a2: {  	v59 =	vld [tilespmem:$0x18B10]  }
0x2a3: {  	v5 =	vmul.f32 s31, v5;
	_ =	sdelay $0x1  }
0x2a4: {  	v4 =	vmul.f32 v5, v4  }
0x2a5: {  	v60 =	vld [tilespmem:s29+$0x920]  }
0x2a6: {  	v4 =	vadd.f32 v4, v59;
	_ =	sdelay $0x1  }
0x2a7: {  	[tilespmem:s29+$0x910] =	vst v4  }
0x2a8: {  	v4 =	vld [tilespmem:$0x18820]  }
0x2a9: {  	v5 =	vsub.f32 v60, v3  }
0x2aa: {  	v61 =	vld [tilespmem:$0x18B20]  }
0x2ab: {  	v5 =	vmul.f32 s31, v5;
	_ =	sdelay $0x1  }
0x2ac: {  	v4 =	vmul.f32 v5, v4  }
0x2ad: {  	v62 =	vld [tilespmem:s29+$0x930]  }
0x2ae: {  	v4 =	vadd.f32 v4, v61;
	_ =	sdelay $0x1  }
0x2af: {  	[tilespmem:s29+$0x920] =	vst v4  }
0x2b0: {  	v4 =	vld [tilespmem:$0x18830]  }
0x2b1: {  	v5 =	vsub.f32 v62, v3  }
0x2b2: {  	v63 =	vld [tilespmem:$0x18B30]  }
0x2b3: {  	v5 =	vmul.f32 s31, v5;
	_ =	sdelay $0x1  }
0x2b4: {  	v4 =	vmul.f32 v5, v4  }
0x2b5: {  	v8 =	vld [tilespmem:s29+$0x940]  }
0x2b6: {  	v4 =	vadd.f32 v4, v63;
	_ =	sdelay $0x1  }
0x2b7: {  	[tilespmem:s29+$0x930] =	vst v4  }
0x2b8: {  	v4 =	vld [tilespmem:$0x18840]  }
0x2b9: {  	v5 =	vsub.f32 v8, v3  }
0x2ba: {  	v9 =	vld [tilespmem:$0x18B40]  }
0x2bb: {  	v5 =	vmul.f32 s31, v5;
	_ =	sdelay $0x1  }
0x2bc: {  	v4 =	vmul.f32 v5, v4  }
0x2bd: {  	v10 =	vld [tilespmem:s29+$0x950]  }
0x2be: {  	v4 =	vadd.f32 v4, v9;
	_ =	sdelay $0x1  }
0x2bf: {  	[tilespmem:s29+$0x940] =	vst v4  }
0x2c0: {  	v4 =	vld [tilespmem:$0x18850]  }
0x2c1: {  	v5 =	vsub.f32 v10, v3  }
0x2c2: {  	v11 =	vld [tilespmem:$0x18B50]  }
0x2c3: {  	v5 =	vmul.f32 s31, v5;
	_ =	sdelay $0x1  }
0x2c4: {  	v4 =	vmul.f32 v5, v4  }
0x2c5: {  	v12 =	vld [tilespmem:s29+$0x960]  }
0x2c6: {  	v4 =	vadd.f32 v4, v11;
	_ =	sdelay $0x1  }
0x2c7: {  	[tilespmem:s29+$0x950] =	vst v4  }
0x2c8: {  	v4 =	vld [tilespmem:$0x18860]  }
0x2c9: {  	v5 =	vsub.f32 v12, v3  }
0x2ca: {  	v13 =	vld [tilespmem:$0x18B60]  }
0x2cb: {  	v5 =	vmul.f32 s31, v5;
	_ =	sdelay $0x1  }
0x2cc: {  	v4 =	vmul.f32 v5, v4  }
0x2cd: {  	v14 =	vld [tilespmem:s29+$0x970]  }
0x2ce: {  	v4 =	vadd.f32 v4, v13;
	_ =	sdelay $0x1  }
0x2cf: {  	[tilespmem:s29+$0x960] =	vst v4  }
0x2d0: {  	v4 =	vld [tilespmem:$0x18870]  }
0x2d1: {  	v5 =	vsub.f32 v14, v3  }
0x2d2: {  	v15 =	vld [tilespmem:$0x18B70]  }
0x2d3: {  	v5 =	vmul.f32 s31, v5;
	_ =	sdelay $0x1  }
0x2d4: {  	v4 =	vmul.f32 v5, v4  }
0x2d5: {  	v16 =	vld [tilespmem:s29+$0xD00]  }
0x2d6: {  	v4 =	vadd.f32 v4, v15;
	_ =	sdelay $0x1  }
0x2d7: {  	[tilespmem:s29+$0x970] =	vst v4  }
0x2d8: {  	v4 =	vld [tilespmem:$0x18880]  }
0x2d9: {  	v5 =	vsub.f32 v16, v3  }
0x2da: {  	v17 =	vld [tilespmem:$0x18B80]  }
0x2db: {  	v5 =	vmul.f32 s31, v5;
	_ =	sdelay $0x1  }
0x2dc: {  	v4 =	vmul.f32 v5, v4  }
0x2dd: {  	v18 =	vld [tilespmem:s29+$0xD10]  }
0x2de: {  	v4 =	vadd.f32 v4, v17;
	_ =	sdelay $0x1  }
0x2df: {  	[tilespmem:s29+$0xD00] =	vst v4  }
0x2e0: {  	v4 =	vld [tilespmem:$0x18890]  }
0x2e1: {  	v5 =	vsub.f32 v18, v3  }
0x2e2: {  	v19 =	vld [tilespmem:$0x18B90]  }
0x2e3: {  	v5 =	vmul.f32 s31, v5;
	_ =	sdelay $0x1  }
0x2e4: {  	v4 =	vmul.f32 v5, v4  }
0x2e5: {  	v20 =	vld [tilespmem:s29+$0xD20]  }
0x2e6: {  	v4 =	vadd.f32 v4, v19;
	_ =	sdelay $0x1  }
0x2e7: {  	[tilespmem:s29+$0xD10] =	vst v4  }
0x2e8: {  	v4 =	vld [tilespmem:$0x188A0]  }
0x2e9: {  	v5 =	vsub.f32 v20, v3  }
0x2ea: {  	v21 =	vld [tilespmem:$0x18BA0]  }
0x2eb: {  	v5 =	vmul.f32 s31, v5;
	_ =	sdelay $0x1  }
0x2ec: {  	v4 =	vmul.f32 v5, v4  }
0x2ed: {  	v22 =	vld [tilespmem:s29+$0xD30]  }
0x2ee: {  	v4 =	vadd.f32 v4, v21;
	_ =	sdelay $0x1  }
0x2ef: {  	[tilespmem:s29+$0xD20] =	vst v4  }
0x2f0: {  	v4 =	vld [tilespmem:$0x188B0]  }
0x2f1: {  	v5 =	vsub.f32 v22, v3  }
0x2f2: {  	v23 =	vld [tilespmem:$0x18BB0]  }
0x2f3: {  	v5 =	vmul.f32 s31, v5;
	_ =	sdelay $0x1  }
0x2f4: {  	v4 =	vmul.f32 v5, v4  }
0x2f5: {  	v24 =	vld [tilespmem:s29+$0xD40]  }
0x2f6: {  	v4 =	vadd.f32 v4, v23;
	_ =	sdelay $0x1  }
0x2f7: {  	[tilespmem:s29+$0xD30] =	vst v4  }
0x2f8: {  	v4 =	vld [tilespmem:$0x188C0]  }
0x2f9: {  	v5 =	vsub.f32 v24, v3  }
0x2fa: {  	v25 =	vld [tilespmem:$0x18BC0]  }
0x2fb: {  	v5 =	vmul.f32 s31, v5;
	_ =	sdelay $0x1  }
0x2fc: {  	v4 =	vmul.f32 v5, v4  }
0x2fd: {  	v26 =	vld [tilespmem:s29+$0xD50]  }
0x2fe: {  	v4 =	vadd.f32 v4, v25;
	_ =	sdelay $0x1  }
0x2ff: {  	[tilespmem:s29+$0xD40] =	vst v4  }
0x300: {  	v4 =	vld [tilespmem:$0x188D0]  }
0x301: {  	v5 =	vsub.f32 v26, v3  }
0x302: {  	v27 =	vld [tilespmem:$0x18BD0]  }
0x303: {  	v5 =	vmul.f32 s31, v5;
	_ =	sdelay $0x1  }
0x304: {  	v4 =	vmul.f32 v5, v4  }
0x305: {  	v28 =	vld [tilespmem:s29+$0xD60]  }
0x306: {  	v4 =	vadd.f32 v4, v27;
	_ =	sdelay $0x1  }
0x307: {  	[tilespmem:s29+$0xD50] =	vst v4  }
0x308: {  	v4 =	vld [tilespmem:$0x188E0]  }
0x309: {  	v5 =	vsub.f32 v28, v3  }
0x30a: {  	v29 =	vld [tilespmem:$0x18BE0]  }
0x30b: {  	v5 =	vmul.f32 s31, v5;
	_ =	sdelay $0x1  }
0x30c: {  	v4 =	vmul.f32 v5, v4  }
0x30d: {  	v30 =	vld [tilespmem:s29+$0xD70]  }
0x30e: {  	v4 =	vadd.f32 v4, v29;
	_ =	sdelay $0x1  }
0x30f: {  	[tilespmem:s29+$0xD60] =	vst v4  }
0x310: {  	v4 =	vld [tilespmem:$0x188F0]  }
0x311: {  	v5 =	vsub.f32 v30, v3  }
0x312: {  	v31 =	vld [tilespmem:$0x18BF0]  }
0x313: {  	v5 =	vmul.f32 s31, v5;
	_ =	sdelay $0x1  }
0x314: {  	v4 =	vmul.f32 v5, v4  }
0x315: {  	v32 =	vld [tilespmem:s29+$0x1100]  }
0x316: {  	v4 =	vadd.f32 v4, v31;
	_ =	sdelay $0x1  }
0x317: {  	[tilespmem:s29+$0xD70] =	vst v4  }
0x318: {  	v4 =	vld [tilespmem:$0x18900]  }
0x319: {  	v5 =	vsub.f32 v32, v3  }
0x31a: {  	v33 =	vld [tilespmem:$0x18C00]  }
0x31b: {  	v5 =	vmul.f32 s31, v5;
	_ =	sdelay $0x1  }
0x31c: {  	v4 =	vmul.f32 v5, v4  }
0x31d: {  	v34 =	vld [tilespmem:s29+$0x1110]  }
0x31e: {  	v4 =	vadd.f32 v4, v33;
	_ =	sdelay $0x1  }
0x31f: {  	[tilespmem:s29+$0x1100] =	vst v4  }
0x320: {  	v4 =	vld [tilespmem:$0x18910]  }
0x321: {  	v5 =	vsub.f32 v34, v3  }
0x322: {  	v35 =	vld [tilespmem:$0x18C10]  }
0x323: {  	v5 =	vmul.f32 s31, v5;
	_ =	sdelay $0x1  }
0x324: {  	v4 =	vmul.f32 v5, v4  }
0x325: {  	v36 =	vld [tilespmem:s29+$0x1120]  }
0x326: {  	v4 =	vadd.f32 v4, v35;
	_ =	sdelay $0x1  }
0x327: {  	[tilespmem:s29+$0x1110] =	vst v4  }
0x328: {  	v4 =	vld [tilespmem:$0x18920]  }
0x329: {  	v5 =	vsub.f32 v36, v3  }
0x32a: {  	v37 =	vld [tilespmem:$0x18C20]  }
0x32b: {  	v5 =	vmul.f32 s31, v5;
	_ =	sdelay $0x1  }
0x32c: {  	v4 =	vmul.f32 v5, v4  }
0x32d: {  	v38 =	vld [tilespmem:s29+$0x1130]  }
0x32e: {  	v4 =	vadd.f32 v4, v37;
	_ =	sdelay $0x1  }
0x32f: {  	[tilespmem:s29+$0x1120] =	vst v4  }
0x330: {  	v4 =	vld [tilespmem:$0x18930]  }
0x331: {  	v5 =	vsub.f32 v38, v3  }
0x332: {  	v39 =	vld [tilespmem:$0x18C30]  }
0x333: {  	v5 =	vmul.f32 s31, v5;
	_ =	sdelay $0x1  }
0x334: {  	v4 =	vmul.f32 v5, v4  }
0x335: {  	v40 =	vld [tilespmem:s29+$0x1140]  }
0x336: {  	v4 =	vadd.f32 v4, v39;
	_ =	sdelay $0x1  }
0x337: {  	[tilespmem:s29+$0x1130] =	vst v4  }
0x338: {  	v4 =	vld [tilespmem:$0x18940]  }
0x339: {  	v5 =	vsub.f32 v40, v3  }
0x33a: {  	v41 =	vld [tilespmem:$0x18C40]  }
0x33b: {  	v5 =	vmul.f32 s31, v5;
	_ =	sdelay $0x1  }
0x33c: {  	v4 =	vmul.f32 v5, v4  }
0x33d: {  	v42 =	vld [tilespmem:s29+$0x1150]  }
0x33e: {  	v4 =	vadd.f32 v4, v41;
	_ =	sdelay $0x1  }
0x33f: {  	[tilespmem:s29+$0x1140] =	vst v4  }
0x340: {  	v4 =	vld [tilespmem:$0x18950]  }
0x341: {  	v5 =	vsub.f32 v42, v3  }
0x342: {  	v43 =	vld [tilespmem:$0x18C50]  }
0x343: {  	v5 =	vmul.f32 s31, v5;
	_ =	sdelay $0x1  }
0x344: {  	v4 =	vmul.f32 v5, v4  }
0x345: {  	v44 =	vld [tilespmem:s29+$0x1160]  }
0x346: {  	v4 =	vadd.f32 v4, v43;
	_ =	sdelay $0x1  }
0x347: {  	[tilespmem:s29+$0x1150] =	vst v4  }
0x348: {  	v4 =	vld [tilespmem:$0x18960]  }
0x349: {  	v5 =	vsub.f32 v44, v3  }
0x34a: {  	v45 =	vld [tilespmem:$0x18C60]  }
0x34b: {  	v5 =	vmul.f32 s31, v5;
	_ =	sdelay $0x1  }
0x34c: {  	v4 =	vmul.f32 v5, v4  }
0x34d: {  	v46 =	vld [tilespmem:s29+$0x1170]  }
0x34e: {  	v4 =	vadd.f32 v4, v45;
	_ =	sdelay $0x1  }
0x34f: {  	[tilespmem:s29+$0x1160] =	vst v4  }
0x350: {  	v4 =	vld [tilespmem:$0x18970]  }
0x351: {  	v5 =	vsub.f32 v46, v3  }
0x352: {  	v47 =	vld [tilespmem:$0x18C70]  }
0x353: {  	v5 =	vmul.f32 s31, v5;
	_ =	sdelay $0x1  }
0x354: {  	v4 =	vmul.f32 v5, v4  }
0x355: {  	v48 =	vld [tilespmem:s29+$0x1500]  }
0x356: {  	v4 =	vadd.f32 v4, v47;
	_ =	sdelay $0x1  }
0x357: {  	[tilespmem:s29+$0x1170] =	vst v4  }
0x358: {  	v4 =	vld [tilespmem:$0x18980]  }
0x359: {  	v5 =	vsub.f32 v48, v3  }
0x35a: {  	v49 =	vld [tilespmem:$0x18C80]  }
0x35b: {  	v5 =	vmul.f32 s31, v5;
	_ =	sdelay $0x1  }
0x35c: {  	v4 =	vmul.f32 v5, v4  }
0x35d: {  	v50 =	vld [tilespmem:s29+$0x1510]  }
0x35e: {  	v4 =	vadd.f32 v4, v49;
	_ =	sdelay $0x1  }
0x35f: {  	[tilespmem:s29+$0x1500] =	vst v4  }
0x360: {  	v4 =	vld [tilespmem:$0x18990]  }
0x361: {  	v5 =	vsub.f32 v50, v3  }
0x362: {  	v51 =	vld [tilespmem:$0x18C90]  }
0x363: {  	v5 =	vmul.f32 s31, v5;
	_ =	sdelay $0x1  }
0x364: {  	v4 =	vmul.f32 v5, v4  }
0x365: {  	v52 =	vld [tilespmem:s29+$0x1520]  }
0x366: {  	v4 =	vadd.f32 v4, v51;
	_ =	sdelay $0x1  }
0x367: {  	[tilespmem:s29+$0x1510] =	vst v4  }
0x368: {  	v4 =	vld [tilespmem:$0x189A0]  }
0x369: {  	v5 =	vsub.f32 v52, v3  }
0x36a: {  	v53 =	vld [tilespmem:$0x18CA0]  }
0x36b: {  	v5 =	vmul.f32 s31, v5;
	_ =	sdelay $0x1  }
0x36c: {  	v4 =	vmul.f32 v5, v4  }
0x36d: {  	v54 =	vld [tilespmem:s29+$0x1530]  }
0x36e: {  	v4 =	vadd.f32 v4, v53;
	_ =	sdelay $0x1  }
0x36f: {  	[tilespmem:s29+$0x1520] =	vst v4  }
0x370: {  	v4 =	vld [tilespmem:$0x189B0]  }
0x371: {  	v5 =	vsub.f32 v54, v3  }
0x372: {  	v55 =	vld [tilespmem:$0x18CB0]  }
0x373: {  	v5 =	vmul.f32 s31, v5;
	_ =	sdelay $0x1  }
0x374: {  	v4 =	vmul.f32 v5, v4  }
0x375: {  	v56 =	vld [tilespmem:s29+$0x1540]  }
0x376: {  	v4 =	vadd.f32 v4, v55;
	_ =	sdelay $0x1  }
0x377: {  	[tilespmem:s29+$0x1530] =	vst v4  }
0x378: {  	v4 =	vld [tilespmem:$0x189C0]  }
0x379: {  	v5 =	vsub.f32 v56, v3  }
0x37a: {  	v57 =	vld [tilespmem:$0x18CC0]  }
0x37b: {  	v5 =	vmul.f32 s31, v5;
	_ =	sdelay $0x1  }
0x37c: {  	v4 =	vmul.f32 v5, v4  }
0x37d: {  	v58 =	vld [tilespmem:s29+$0x1550]  }
0x37e: {  	v4 =	vadd.f32 v4, v57;
	_ =	sdelay $0x1  }
0x37f: {  	[tilespmem:s29+$0x1540] =	vst v4  }
0x380: {  	v4 =	vld [tilespmem:$0x189D0]  }
0x381: {  	v5 =	vsub.f32 v58, v3  }
0x382: {  	v59 =	vld [tilespmem:$0x18CD0]  }
0x383: {  	v5 =	vmul.f32 s31, v5;
	_ =	sdelay $0x1  }
0x384: {  	v4 =	vmul.f32 v5, v4  }
0x385: {  	v60 =	vld [tilespmem:s29+$0x1560]  }
0x386: {  	v4 =	vadd.f32 v4, v59;
	_ =	sdelay $0x1  }
0x387: {  	[tilespmem:s29+$0x1550] =	vst v4  }
0x388: {  	v4 =	vld [tilespmem:$0x189E0]  }
0x389: {  	v5 =	vsub.f32 v60, v3  }
0x38a: {  	v61 =	vld [tilespmem:$0x18CE0]  }
0x38b: {  	v5 =	vmul.f32 s31, v5;
	_ =	sdelay $0x1  }
0x38c: {  	v4 =	vmul.f32 v5, v4  }
0x38d: {  	v62 =	vld [tilespmem:s29+$0x1570]  }
0x38e: {  	v4 =	vadd.f32 v4, v61;
	_ =	sdelay $0x1  }
0x38f: {  	[tilespmem:s29+$0x1560] =	vst v4  }
0x390: {  	v4 =	vld [tilespmem:$0x189F0]  }
0x391: {  	v3 =	vsub.f32 v62, v3  }
0x392: {  	v63 =	vld [tilespmem:$0x18CF0]  }
0x393: {  	v3 =	vmul.f32 s31, v3  }
0x394: {  	p0 =	sne.s32 s28, $0x3F  }
.Ltmp0:
0x395: {  	v3 =	vmul.f32 v3, v4;
	(pc) =	sbr.rel @p0 .LBB2_2-.Ltmp0, $3  }
0x396: {  	_ = 	snop  }
0x397: {  	v3 =	vadd.f32 v3, v63;
	_ =	sdelay $0x1  }
0x398: {  	s26 =	sadd.s32 $0x80, s26;
	s28 =	sadd.s32 $0x1, s28;
	[tilespmem:s29+$0x1570] =	vst v3  }
0x399: {  	s25 =	sadd.s32 $0x1, s25  }
0x39a: {  	p0 =	sne.s32 s25, s13  }
.Ltmp1:
0x39b: {  	_ = 	snop;
	(pc) =	sbr.rel @p0 .LBB2_1-.Ltmp1, $4  }
0x39c: {  	[hbm4b:s12+s6] =	stream.linear.scatter [tilespmem:s15], [sflag:$0x2], $0xC000, $0x38;
	[tilespmem:$0x18D00] =	vst v63  }
0x39d: {  	_ =	swait.ge [sflag:s14], $0xC000  }
0x39e: {  	[sflag:s14] =	ssyncset.done $0x0  }
0x39f: {  	[sflag:s14] =	ssyncadd.s32 $0xFFFF4000  }
0x3a0: {  	_ =	sfence.sel $0x180000  }
0x3a1: {  	[bflag:$0x0] =	sbarrier.arrive $0xFFFF  }
0x3a2: {  	_ =	strace $0x90000047  }
0x3a3: {  	s0 =	stileid.u32;
	[bflag:$0x2] =	sbarrier.arrive $0xFFFF  }
0x3a4: {  	p0 =	sne.s32 s0, $0x0;
	s0 =	rddreg [dreg:$0x8]  }
0x3a5: {  	s0 =	sadd.s32 @!p0 $0x100000, s0  }
0x3a6: {  	[sflag:s0] =	ssyncadd.tile.s32 @!p0 $0x1;
	_ =	shalt  }
.Lfunc_end2:
_tile_overlayer_lowered:
.L_overlay_start_2:
0x3a7: {  	(tag) =	ssettag $0x2  }
0x3a8: {  	s0 =	rddreg [dreg:$0x0];
	s2 =	stileid.u32  }
0x3a9: {  	s1 =	rddreg [dreg:$0x1];
	p0 =	sne.s32 s2, $0x0  }
0x3aa: {  	s3 =	rddreg [dreg:$0x2];
	[bflag:$0x3] =	sbarrier.arrive $0xFFFF;
	s2 =	simm.s32 @!p0 $0x1C02  }
0x3ab: {  	[timem:s3], [sflag:s2] =	dma.local @!p0 [hbm:s0], s1  }
0x3ac: {  	s0 =	simm.s32 @!p0 $0x2  }
0x3ad: {  	_ =	swait.ge @!p0 [sflag:s0], s1  }
0x3ae: {  	s1 =	ssub.s32 @!p0 $0x0, s1;
	[sflag:s0] =	ssyncset.done @!p0 $0x0  }
0x3af: {  	[sflag:s0] =	ssyncadd.s32 @!p0 s1  }
0x3b0: {  	[bflag:$0x3] =	sbarrier.arrive $0xFFFF  }
0x3b1: {  	_ =	shalt  }

</sc_bundles>
